<compile_context>
chip_gen: v7x
topology: tpu7x:2x2x1
jax: 0.10.2.dev20260603
libtpu: 0.0.44.dev20260713+nightly
codegen_flags: <defaults>
</compile_context>

<pallas_src>
import jax
import jax.numpy as jnp
from jax import lax
from jax.experimental import pallas as pl
from jax.experimental.pallas import tpu as pltpu
from jax.experimental.pallas import tpu_sc as plsc

E = 1_600_000
S = 50_000
F = 16
NW = 32
PS = 1_568
PST = PS + 16
S_PAD = NW * PS
C = 8_192
LOG2C = 13
BLKE = 64_000
NBLKE = E // BLKE


def _pred_body(x_ref, o_ref):
    x = x_ref[...]
    w = lax.broadcasted_iota(jnp.int32, (F, 1), 0).astype(jnp.float32)
    i = pl.program_id(0)
    o_ref[pl.ds(i * BLKE, BLKE)] = jnp.sum(x * w, axis=0).astype(jnp.int32)


def _sc_body(tin_hbm, tout_hbm, seg_hbm, pred_hbm, nrate_hbm, bounds_hbm,
             out_hbm, tout_v, num_v, den_v, seg_v, tin_v, pred_v, nrate_v,
             bounds_v, sem0, sem1):
    wid = lax.axis_index("c") * 16 + lax.axis_index("s")
    seg_base = wid * PS

    pltpu.sync_copy(bounds_hbm, bounds_v)
    pltpu.sync_copy(nrate_hbm, nrate_v)
    pltpu.sync_copy(tout_hbm.at[pl.ds(seg_base, PS)], tout_v.at[pl.ds(0, PS)])
    tout_v[pl.ds(PS, 16)] = jnp.zeros((16,), jnp.float32)

    zeros16 = jnp.zeros((16,), jnp.float32)

    def zero_body(i, _):
        o = i * 64
        for u in range(4):
            num_v[pl.ds(o + u * 16, 16)] = zeros16
            den_v[pl.ds(o + u * 16, 16)] = zeros16
        return 0
    lax.fori_loop(0, (F * PST) // 64, zero_body, 0)

    bvec = bounds_v[pl.ds(wid, 16)]
    a = bvec[0]
    a_end = bvec[1]
    b = lax.bitwise_and(a, -8)
    nk = lax.shift_right_logical(a_end - b + (C - 1), LOG2C)

    nrate = nrate_v[...]
    iota16 = lax.broadcasted_iota(jnp.int32, (16,), 0)
    segb_splat = jnp.full((16,), seg_base, jnp.int32)
    ps_splat = jnp.full((16,), PS, jnp.int32)
    pst_splat = jnp.full((16,), PST, jnp.int32)
    aend_splat = jnp.full((16,), a_end, jnp.int32)
    ones16f = jnp.ones((16,), jnp.float32)
    step64 = jnp.full((16,), 64, jnp.int32)

    def dma_start(k, slot):
        start = b + lax.shift_left(k, LOG2C)
        e0 = pl.multiple_of(jnp.minimum(start, E - C), 8)
        sb = slot * C
        sem = sem0 if slot == 0 else sem1
        pltpu.async_copy(seg_hbm.at[pl.ds(e0, C)], seg_v.at[pl.ds(sb, C)],
                         sem)
        pltpu.async_copy(tin_hbm.at[pl.ds(e0, C)], tin_v.at[pl.ds(sb, C)],
                         sem)
        pltpu.async_copy(pred_hbm.at[pl.ds(e0, C)], pred_v.at[pl.ds(sb, C)],
                         sem)

    def dma_wait(slot):
        sb = slot * C
        sem = sem0 if slot == 0 else sem1
        pltpu.make_async_copy(seg_hbm.at[pl.ds(0, C)],
                              seg_v.at[pl.ds(sb, C)], sem).wait()
        pltpu.make_async_copy(tin_hbm.at[pl.ds(0, C)],
                              tin_v.at[pl.ds(sb, C)], sem).wait()
        pltpu.make_async_copy(pred_hbm.at[pl.ds(0, C)],
                              pred_v.at[pl.ds(sb, C)], sem).wait()

    def compute(k, slot):
        start = b + lax.shift_left(k, LOG2C)
        e0 = jnp.minimum(start, E - C)
        lo = jnp.maximum(a, start)
        lo_splat = jnp.full((16,), lo, jnp.int32)
        sb = slot * C
        gvv0 = jnp.full((16,), e0, jnp.int32) + iota16

        def group_body(g, gvv):
            gbase0 = sb + lax.shift_left(g, 6)
            for u in range(4):
                gbase = gbase0 + u * 16
                segv = seg_v[pl.ds(gbase, 16)]
                tinv = tin_v[pl.ds(gbase, 16)]
                predv = pred_v[pl.ds(gbase, 16)]
                guv = gvv if u == 0 else gvv + jnp.full((16,), u * 16,
                                                        jnp.int32)
                validv = jnp.logical_and(guv >= lo_splat, guv < aend_splat)
                slv = jnp.where(validv, segv - segb_splat, ps_splat)
                toutv = plsc.load_gather(tout_v, [slv])
                dtv = toutv - tinv
                ratev = plsc.load_gather(nrate_v, [predv])
                valv = jnp.exp(ratev * dtv)
                idxv = predv * pst_splat + slv
                plsc.addupdate_scatter(num_v, [idxv], valv, mask=validv)
                plsc.addupdate_scatter(den_v, [idxv], ones16f, mask=validv)
            return gvv + step64
        lax.fori_loop(0, C // 64, group_body, gvv0)

    @pl.when(nk > 0)
    def _():
        dma_start(0, 0)

    def pair_body(p, _):
        k0 = lax.shift_left(p, 1)
        k1 = k0 + 1

        @pl.when(k1 < nk)
        def _():
            dma_start(k1, 1)
        dma_wait(0)
        compute(k0, 0)

        @pl.when(k1 + 1 < nk)
        def _():
            dma_start(k1 + 1, 0)

        @pl.when(k1 < nk)
        def _():
            dma_wait(1)
            compute(k1, 1)
        return 0
    lax.fori_loop(0, lax.shift_right_logical(nk + 1, 1), pair_body, 0)

    for f in range(F):
        def div_body(i, _):
            o = f * PST + i * 32
            for u in range(2):
                ou = o + u * 16
                num_v[pl.ds(ou, 16)] = num_v[pl.ds(ou, 16)] / jnp.maximum(
                    den_v[pl.ds(ou, 16)], ones16f)
            return 0
        lax.fori_loop(0, PS // 32, div_body, 0)
        pltpu.async_copy(num_v.at[pl.ds(f * PST, PS)],
                         out_hbm.at[pl.ds(f * S_PAD + seg_base, PS)], sem0)
    for f in range(F):
        pltpu.make_async_copy(
            num_v.at[pl.ds(f * PST, PS)],
            out_hbm.at[pl.ds(f * S_PAD + seg_base, PS)], sem0).wait()


@jax.jit
def _run(times_in, tout_pad, segment_filter_ids, oh_t, nrate, bounds):
    pred = pl.pallas_call(
        _pred_body,
        grid=(NBLKE,),
        in_specs=[pl.BlockSpec((F, BLKE), lambda i: (0, i))],
        out_specs=pl.BlockSpec((E,), lambda i: (0,)),
        out_shape=jax.ShapeDtypeStruct((E,), jnp.int32),
    )(oh_t)

    mesh = plsc.VectorSubcoreMesh(core_axis_name="c", subcore_axis_name="s")
    f = pl.kernel(
        _sc_body,
        out_type=jax.ShapeDtypeStruct((F * S_PAD,), jnp.float32),
        mesh=mesh,
        scratch_types=[
            pltpu.VMEM((PS + 16,), jnp.float32),
            pltpu.VMEM((F * PST,), jnp.float32),
            pltpu.VMEM((F * PST,), jnp.float32),
            pltpu.VMEM((2 * C,), jnp.int32),
            pltpu.VMEM((2 * C,), jnp.float32),
            pltpu.VMEM((2 * C,), jnp.int32),
            pltpu.VMEM((16,), jnp.float32),
            pltpu.VMEM((48,), jnp.int32),
            pltpu.SemaphoreType.DMA,
            pltpu.SemaphoreType.DMA,
        ],
        compiler_params=pltpu.CompilerParams(needs_layout_passes=False),
    )
    return f(times_in, tout_pad, segment_filter_ids, pred, nrate, bounds)


def kernel(times_in, times_out, segment_filter_ids, one_hot_predecessor_ids,
           decay_rate):
    nrate = -jax.nn.softplus(decay_rate)
    tout_pad = jnp.pad(times_out, (0, S_PAD - S))
    limits = jnp.minimum(jnp.arange(NW + 1, dtype=jnp.int32) * PS, S)
    samp = segment_filter_ids.reshape(E // 256, 256)[:, 0]
    c = jnp.sum((samp[None, :] < limits[:, None]).astype(jnp.int32), axis=1)
    s = jnp.clip((c - 1) * 256 + 1, 0, E - 256)
    widx = s[:, None] + jnp.arange(256, dtype=jnp.int32)[None, :]
    win = segment_filter_ids[widx]
    bounds = s + jnp.sum((win < limits[:, None]).astype(jnp.int32), axis=1)
    bounds = jnp.pad(bounds, (0, 48 - (NW + 1)))
    oh_t = one_hot_predecessor_ids.T
    out = _run(times_in, tout_pad, segment_filter_ids, oh_t, nrate, bounds)
    return out.reshape(F, S_PAD)[:, :S].T

# --- scband reference (transcript-rebuilt; emitter-appended) ---
"""Pipeline reference for scband-one-hot-pooling-34857954574530 (READ-ONLY COPY).

The authoritative reference and input builder live on the scoring server;
editing this copy changes nothing except your own understanding.
"""

import jax, jax.numpy as jnp
import numpy as np

E = 1_600_000
S = 50_000
F = 16

def setup_inputs(seed: int = 0) -> dict:
    key = jax.random.key(seed)
    k1, k2, k3, k4 = jax.random.split(key, 4)
    times_in = jax.random.uniform(k1, (E,), dtype=jnp.float32)
    times_out = jnp.sort(jax.random.uniform(k2, (S,), dtype=jnp.float32))
    segment_filter_ids = jnp.sort(jax.random.randint(k3, (E,), 0, S, dtype=jnp.int32))
    pred_ids = jax.random.randint(k4, (E,), 0, F, dtype=jnp.int32)
    one_hot_predecessor_ids = jax.nn.one_hot(pred_ids, F, dtype=jnp.float32)
    # learned parameter: decay_rate, shape (F,), zeros init (softplus applied in forward)
    decay_rate = jnp.zeros((F,), dtype=jnp.float32)
    return {
        "times_in": times_in,
        "times_out": times_out,
        "segment_filter_ids": segment_filter_ids,
        "one_hot_predecessor_ids": one_hot_predecessor_ids,
        "decay_rate": decay_rate,
    }

def reference(times_in, times_out, segment_filter_ids, one_hot_predecessor_ids, decay_rate):
    # decay_rate_activation = softplus
    rate = jax.nn.softplus(decay_rate)  # [F]
    # gather output time of each event's segment; exponential time decay per filter
    dt = times_out[segment_filter_ids] - times_in            # [E]
    decay = jnp.exp(-rate[None, :] * dt[:, None])            # [E, F]
    vals = one_hot_predecessor_ids * decay                   # [E, F] one-hot masked contributions
    # reduction = 'mean': segment-sum of weighted contributions / segment-sum of one-hot counts
    num = jax.ops.segment_sum(vals, segment_filter_ids, num_segments=S)                     # [S, F]
    den = jax.ops.segment_sum(one_hot_predecessor_ids, segment_filter_ids, num_segments=S)  # [S, F]
    out = jnp.where(den > 0, num / jnp.maximum(den, 1.0), 0.0)
    return out

if __name__ == "__main__":
    import jax
    _d = setup_inputs()
    print(jax.jit(kernel)(*tuple(_d.values())))

</pallas_src>

<mosaic_0001>
#map = affine_map<(d0, d1) -> (0)>
module attributes {stable_mosaic.version = 14 : i64} {
  func.func @_sc_body(%arg0: i32, %arg1: i32, %arg2: memref<1600000xf32, #tpu.memory_space<hbm>>, %arg3: memref<50176xf32, #tpu.memory_space<hbm>>, %arg4: memref<1600000xi32, #tpu.memory_space<hbm>>, %arg5: memref<1600000xi32, #tpu.memory_space<hbm>>, %arg6: memref<16xf32, #tpu.memory_space<hbm>>, %arg7: memref<48xi32, #tpu.memory_space<hbm>>, %arg8: memref<802816xf32, #tpu.memory_space<hbm>>, %arg9: memref<1584xf32, #tpu.memory_space<vmem>>, %arg10: memref<25344xf32, #tpu.memory_space<vmem>>, %arg11: memref<25344xf32, #tpu.memory_space<vmem>>, %arg12: memref<16384xi32, #tpu.memory_space<vmem>>, %arg13: memref<16384xf32, #tpu.memory_space<vmem>>, %arg14: memref<16384xi32, #tpu.memory_space<vmem>>, %arg15: memref<16xf32, #tpu.memory_space<vmem>>, %arg16: memref<48xi32, #tpu.memory_space<vmem>>, %arg17: memref<!tpu.dma_semaphore, #tpu.memory_space<semaphore_mem>>, %arg18: memref<!tpu.dma_semaphore, #tpu.memory_space<semaphore_mem>>) attributes {dimension_semantics = [#tpu.dimension_semantics<core_parallel>, #tpu.dimension_semantics<subcore_parallel>], iteration_bounds = array<i64: 2, 16>, scalar_prefetch = 0 : i64, scratch_operands = 10 : i64, tpu.core_type = #tpu.core_type<sc_vector_subcore>, window_params = [{transform_indices = #map}, {transform_indices = #map}, {transform_indices = #map}, {transform_indices = #map}, {transform_indices = #map}, {transform_indices = #map}, {transform_indices = #map}]} {
    %mul3A = arith.constant 16 : i32
    %mul3A_0 = arith.muli %arg0, %mul3A : i32
    %add3A = arith.addi %mul3A_0, %arg1 : i32
    %mul3A_1 = arith.constant 1568 : i32
    %mul3A_2 = arith.muli %add3A, %mul3A_1 : i32
    "tpu.region"() ({
      %run_scoped3A = tpu.sem_alloc : memref<!tpu.dma_semaphore, #tpu.memory_space<semaphore_mem>>
      tpu.enqueue_dma source(%arg7 : memref<48xi32, #tpu.memory_space<hbm>>) target(%arg16 : memref<48xi32, #tpu.memory_space<vmem>>) target_semaphore(%run_scoped3A : memref<!tpu.dma_semaphore, #tpu.memory_space<semaphore_mem>>)
      tpu.wait_dma2 semaphore(%run_scoped3A : memref<!tpu.dma_semaphore, #tpu.memory_space<semaphore_mem>>) src(%arg7 : memref<48xi32, #tpu.memory_space<hbm>>) dst(%arg16 : memref<48xi32, #tpu.memory_space<vmem>>)
      tpu.yield
    }) : () -> ()
    "tpu.region"() ({
      %run_scoped3A = tpu.sem_alloc : memref<!tpu.dma_semaphore, #tpu.memory_space<semaphore_mem>>
      tpu.enqueue_dma source(%arg6 : memref<16xf32, #tpu.memory_space<hbm>>) target(%arg15 : memref<16xf32, #tpu.memory_space<vmem>>) target_semaphore(%run_scoped3A : memref<!tpu.dma_semaphore, #tpu.memory_space<semaphore_mem>>)
      tpu.wait_dma2 semaphore(%run_scoped3A : memref<!tpu.dma_semaphore, #tpu.memory_space<semaphore_mem>>) src(%arg6 : memref<16xf32, #tpu.memory_space<hbm>>) dst(%arg15 : memref<16xf32, #tpu.memory_space<vmem>>)
      tpu.yield
    }) : () -> ()
    "tpu.region"() ({
      %run_scoped3A = tpu.sem_alloc : memref<!tpu.dma_semaphore, #tpu.memory_space<semaphore_mem>>
      %dma_start3A_415 = arith.constant 0 : i32
      %dma_start3A_416 = tpu.memref_slice %arg9[%dma_start3A_415] : memref<1584xf32, #tpu.memory_space<vmem>> -> memref<1568xf32, #tpu.memory_space<vmem>>
      %dma_start3A_417 = tpu.memref_slice %arg3[%mul3A_2] : memref<50176xf32, #tpu.memory_space<hbm>> -> memref<1568xf32, #tpu.memory_space<hbm>>
      %dma_start3A_418 = arith.constant 0 : i32
      %dma_start3A_419 = tpu.memref_slice %arg9[%dma_start3A_418] : memref<1584xf32, #tpu.memory_space<vmem>> -> memref<1568xf32, #tpu.memory_space<vmem>>
      %dma_start3A_420 = tpu.memref_slice %arg3[%mul3A_2] : memref<50176xf32, #tpu.memory_space<hbm>> -> memref<1568xf32, #tpu.memory_space<hbm>>
      tpu.enqueue_dma source(%dma_start3A_420 : memref<1568xf32, #tpu.memory_space<hbm>>) target(%dma_start3A_419 : memref<1568xf32, #tpu.memory_space<vmem>>) target_semaphore(%run_scoped3A : memref<!tpu.dma_semaphore, #tpu.memory_space<semaphore_mem>>)
      %dma_wait3A_421 = arith.constant 0 : i32
      %dma_wait3A_422 = tpu.memref_slice %arg9[%dma_wait3A_421] : memref<1584xf32, #tpu.memory_space<vmem>> -> memref<1568xf32, #tpu.memory_space<vmem>>
      %dma_wait3A_423 = tpu.memref_slice %arg3[%mul3A_2] : memref<50176xf32, #tpu.memory_space<hbm>> -> memref<1568xf32, #tpu.memory_space<hbm>>
      %dma_wait3A_424 = arith.constant 0 : i32
      %dma_wait3A_425 = tpu.memref_slice %arg9[%dma_wait3A_424] : memref<1584xf32, #tpu.memory_space<vmem>> -> memref<1568xf32, #tpu.memory_space<vmem>>
      %dma_wait3A_426 = tpu.memref_slice %arg3[%mul3A_2] : memref<50176xf32, #tpu.memory_space<hbm>> -> memref<1568xf32, #tpu.memory_space<hbm>>
      tpu.wait_dma2 semaphore(%run_scoped3A : memref<!tpu.dma_semaphore, #tpu.memory_space<semaphore_mem>>) src(%dma_wait3A_426 : memref<1568xf32, #tpu.memory_space<hbm>>) dst(%dma_wait3A_425 : memref<1568xf32, #tpu.memory_space<vmem>>)
      tpu.yield
    }) : () -> ()
    %broadcast_in_dim3A = arith.constant 0.000000e+00 : f32
    %broadcast_in_dim3A_3 = vector.broadcast %broadcast_in_dim3A : f32 to vector<16xf32>
    %swap3A = arith.constant 1568 : index
    %swap3A_4 = tpu.vector_load %arg9[%swap3A] {strides = array<i32>} : memref<1584xf32, #tpu.memory_space<vmem>>, vector<16xf32>,
    tpu.vector_store %arg9[%swap3A], %broadcast_in_dim3A_3 {strides = array<i32>} : memref<1584xf32, #tpu.memory_space<vmem>>, vector<16xf32>,
    %broadcast_in_dim3A_5 = arith.constant 0.000000e+00 : f32
    %broadcast_in_dim3A_6 = vector.broadcast %broadcast_in_dim3A_5 : f32 to vector<16xf32>
    %scan3A = arith.constant 0 : i32
    %scan3A_7 = arith.constant 0 : i32
    %scan3A_8 = arith.constant 396 : i32
    %scan3A_9 = arith.addi %scan3A_7, %scan3A_8 : i32
    %scan3A_10 = arith.constant 1 : i32
    %scan3A_11 = scf.for %scan3A_415 = %scan3A_7 to %scan3A_9 step %scan3A_10 iter_args(%scan3A_416 = %scan3A) -> (i32)  : i32 {
      %mul3A_417 = arith.constant 64 : i32
      %mul3A_418 = arith.muli %scan3A_415, %mul3A_417 : i32
      %add3A_419 = arith.constant 0 : i32
      %add3A_420 = arith.addi %mul3A_418, %add3A_419 : i32
      %swap3A_421 = arith.index_cast %add3A_420 : i32 to index
      %swap3A_422 = tpu.vector_load %arg10[%swap3A_421] {strides = array<i32>} : memref<25344xf32, #tpu.memory_space<vmem>>, vector<16xf32>,
      tpu.vector_store %arg10[%swap3A_421], %broadcast_in_dim3A_6 {strides = array<i32>} : memref<25344xf32, #tpu.memory_space<vmem>>, vector<16xf32>,
      %add3A_423 = arith.constant 0 : i32
      %add3A_424 = arith.addi %mul3A_418, %add3A_423 : i32
      %swap3A_425 = arith.index_cast %add3A_424 : i32 to index
      %swap3A_426 = tpu.vector_load %arg11[%swap3A_425] {strides = array<i32>} : memref<25344xf32, #tpu.memory_space<vmem>>, vector<16xf32>,
      tpu.vector_store %arg11[%swap3A_425], %broadcast_in_dim3A_6 {strides = array<i32>} : memref<25344xf32, #tpu.memory_space<vmem>>, vector<16xf32>,
      %add3A_427 = arith.constant 16 : i32
      %add3A_428 = arith.addi %mul3A_418, %add3A_427 : i32
      %swap3A_429 = arith.index_cast %add3A_428 : i32 to index
      %swap3A_430 = tpu.vector_load %arg10[%swap3A_429] {strides = array<i32>} : memref<25344xf32, #tpu.memory_space<vmem>>, vector<16xf32>,
      tpu.vector_store %arg10[%swap3A_429], %broadcast_in_dim3A_6 {strides = array<i32>} : memref<25344xf32, #tpu.memory_space<vmem>>, vector<16xf32>,
      %add3A_431 = arith.constant 16 : i32
      %add3A_432 = arith.addi %mul3A_418, %add3A_431 : i32
      %swap3A_433 = arith.index_cast %add3A_432 : i32 to index
      %swap3A_434 = tpu.vector_load %arg11[%swap3A_433] {strides = array<i32>} : memref<25344xf32, #tpu.memory_space<vmem>>, vector<16xf32>,
      tpu.vector_store %arg11[%swap3A_433], %broadcast_in_dim3A_6 {strides = array<i32>} : memref<25344xf32, #tpu.memory_space<vmem>>, vector<16xf32>,
      %add3A_435 = arith.constant 32 : i32
      %add3A_436 = arith.addi %mul3A_418, %add3A_435 : i32
      %swap3A_437 = arith.index_cast %add3A_436 : i32 to index
      %swap3A_438 = tpu.vector_load %arg10[%swap3A_437] {strides = array<i32>} : memref<25344xf32, #tpu.memory_space<vmem>>, vector<16xf32>,
      tpu.vector_store %arg10[%swap3A_437], %broadcast_in_dim3A_6 {strides = array<i32>} : memref<25344xf32, #tpu.memory_space<vmem>>, vector<16xf32>,
      %add3A_439 = arith.constant 32 : i32
      %add3A_440 = arith.addi %mul3A_418, %add3A_439 : i32
      %swap3A_441 = arith.index_cast %add3A_440 : i32 to index
      %swap3A_442 = tpu.vector_load %arg11[%swap3A_441] {strides = array<i32>} : memref<25344xf32, #tpu.memory_space<vmem>>, vector<16xf32>,
      tpu.vector_store %arg11[%swap3A_441], %broadcast_in_dim3A_6 {strides = array<i32>} : memref<25344xf32, #tpu.memory_space<vmem>>, vector<16xf32>,
      %add3A_443 = arith.constant 48 : i32
      %add3A_444 = arith.addi %mul3A_418, %add3A_443 : i32
      %swap3A_445 = arith.index_cast %add3A_444 : i32 to index
      %swap3A_446 = tpu.vector_load %arg10[%swap3A_445] {strides = array<i32>} : memref<25344xf32, #tpu.memory_space<vmem>>, vector<16xf32>,
      tpu.vector_store %arg10[%swap3A_445], %broadcast_in_dim3A_6 {strides = array<i32>} : memref<25344xf32, #tpu.memory_space<vmem>>, vector<16xf32>,
      %add3A_447 = arith.constant 48 : i32
      %add3A_448 = arith.addi %mul3A_418, %add3A_447 : i32
      %swap3A_449 = arith.index_cast %add3A_448 : i32 to index
      %swap3A_450 = tpu.vector_load %arg11[%swap3A_449] {strides = array<i32>} : memref<25344xf32, #tpu.memory_space<vmem>>, vector<16xf32>,
      tpu.vector_store %arg11[%swap3A_449], %broadcast_in_dim3A_6 {strides = array<i32>} : memref<25344xf32, #tpu.memory_space<vmem>>, vector<16xf32>,
      %scan3A_451 = arith.constant 0 : i32
      scf.yield %scan3A_451 : i32
    }
    %scan3A_12 = arith.constant 396 : i32
    %get3A = arith.index_cast %add3A : i32 to index
    %get3A_13 = tpu.vector_load %arg16[%get3A] {strides = array<i32>} : memref<48xi32, #tpu.memory_space<vmem>>, vector<16xi32>,
    %slice3A = vector.extract_strided_slice %get3A_13 {offsets = [0], sizes = [1], strides = [1]} : vector<16xi32> to vector<1xi32>
    %squeeze3A = vector.extract %slice3A[0] : i32 from vector<1xi32>
    %slice3A_14 = vector.extract_strided_slice %get3A_13 {offsets = [1], sizes = [1], strides = [1]} : vector<16xi32> to vector<1xi32>
    %squeeze3A_15 = vector.extract %slice3A_14[0] : i32 from vector<1xi32>
    %and3A = arith.constant -8 : i32
    %and3A_16 = arith.andi %squeeze3A, %and3A : i32
    %sub3A = arith.subi %squeeze3A_15, %and3A_16 : i32
    %add3A_17 = arith.constant 8191 : i32
    %add3A_18 = arith.addi %sub3A, %add3A_17 : i32
    %shift_right_logical3A = arith.constant 13 : i32
    %shift_right_logical3A_19 = arith.shrui %add3A_18, %shift_right_logical3A : i32
    %get3A_20 = arith.constant 0 : index
    %get3A_21 = tpu.vector_load %arg15[%get3A_20] {strides = array<i32>} : memref<16xf32, #tpu.memory_space<vmem>>, vector<16xf32>,
    %iota3A = tpu.iota {dimensions = array<i32: 0>} : vector<16xi32>
    %broadcast_in_dim3A_22 = vector.broadcast %mul3A_2 : i32 to vector<16xi32>
    %broadcast_in_dim3A_23 = arith.constant 1568 : i32
    %broadcast_in_dim3A_24 = vector.broadcast %broadcast_in_dim3A_23 : i32 to vector<16xi32>
    %broadcast_in_dim3A_25 = arith.constant 1584 : i32
    %broadcast_in_dim3A_26 = vector.broadcast %broadcast_in_dim3A_25 : i32 to vector<16xi32>
    %broadcast_in_dim3A_27 = vector.broadcast %squeeze3A_15 : i32 to vector<16xi32>
    %broadcast_in_dim3A_28 = arith.constant 1.000000e+00 : f32
    %broadcast_in_dim3A_29 = vector.broadcast %broadcast_in_dim3A_28 : f32 to vector<16xf32>
    %broadcast_in_dim3A_30 = arith.constant 64 : i32
    %broadcast_in_dim3A_31 = vector.broadcast %broadcast_in_dim3A_30 : i32 to vector<16xi32>
    %gt3A = arith.constant 0 : i32
    %gt3A_32 = arith.cmpi sgt, %shift_right_logical3A_19, %gt3A : i32
    %convert_element_type3A = arith.extui %gt3A_32 : i1 to i32
    %cond3A = arith.constant 0 : i32
    %cond3A_33 = arith.cmpi ne, %convert_element_type3A, %cond3A : i32
    scf.if %cond3A_33 {
      %shift_left3A = arith.constant 0 : i32
      %shift_left3A_415 = arith.constant 13 : i32
      %shift_left3A_416 = arith.shli %shift_left3A, %shift_left3A_415 : i32
      %add3A_417 = arith.addi %and3A_16, %shift_left3A_416 : i32
      %min3A = arith.constant 1591808 : i32
      %min3A_418 = arith.minsi %add3A_417, %min3A : i32
      %multiple_of3A = tpu.assume_multiple %min3A_418, 8 : i32
      %dma_start3A_419 = arith.constant 0 : i32
      %dma_start3A_420 = tpu.memref_slice %arg12[%dma_start3A_419] : memref<16384xi32, #tpu.memory_space<vmem>> -> memref<8192xi32, #tpu.memory_space<vmem>>
      %dma_start3A_421 = tpu.memref_slice %arg4[%multiple_of3A] : memref<1600000xi32, #tpu.memory_space<hbm>> -> memref<8192xi32, #tpu.memory_space<hbm>>
      %dma_start3A_422 = arith.constant 0 : i32
      %dma_start3A_423 = tpu.memref_slice %arg12[%dma_start3A_422] : memref<16384xi32, #tpu.memory_space<vmem>> -> memref<8192xi32, #tpu.memory_space<vmem>>
      %dma_start3A_424 = tpu.memref_slice %arg4[%multiple_of3A] : memref<1600000xi32, #tpu.memory_space<hbm>> -> memref<8192xi32, #tpu.memory_space<hbm>>
      tpu.enqueue_dma source(%dma_start3A_424 : memref<8192xi32, #tpu.memory_space<hbm>>) target(%dma_start3A_423 : memref<8192xi32, #tpu.memory_space<vmem>>) target_semaphore(%arg17 : memref<!tpu.dma_semaphore, #tpu.memory_space<semaphore_mem>>)
      %dma_start3A_425 = arith.constant 0 : i32
      %dma_start3A_426 = tpu.memref_slice %arg13[%dma_start3A_425] : memref<16384xf32, #tpu.memory_space<vmem>> -> memref<8192xf32, #tpu.memory_space<vmem>>
      %dma_start3A_427 = tpu.memref_slice %arg2[%multiple_of3A] : memref<1600000xf32, #tpu.memory_space<hbm>> -> memref<8192xf32, #tpu.memory_space<hbm>>
      %dma_start3A_428 = arith.constant 0 : i32
      %dma_start3A_429 = tpu.memref_slice %arg13[%dma_start3A_428] : memref<16384xf32, #tpu.memory_space<vmem>> -> memref<8192xf32, #tpu.memory_space<vmem>>
      %dma_start3A_430 = tpu.memref_slice %arg2[%multiple_of3A] : memref<1600000xf32, #tpu.memory_space<hbm>> -> memref<8192xf32, #tpu.memory_space<hbm>>
      tpu.enqueue_dma source(%dma_start3A_430 : memref<8192xf32, #tpu.memory_space<hbm>>) target(%dma_start3A_429 : memref<8192xf32, #tpu.memory_space<vmem>>) target_semaphore(%arg17 : memref<!tpu.dma_semaphore, #tpu.memory_space<semaphore_mem>>)
      %dma_start3A_431 = arith.constant 0 : i32
      %dma_start3A_432 = tpu.memref_slice %arg14[%dma_start3A_431] : memref<16384xi32, #tpu.memory_space<vmem>> -> memref<8192xi32, #tpu.memory_space<vmem>>
      %dma_start3A_433 = tpu.memref_slice %arg5[%multiple_of3A] : memref<1600000xi32, #tpu.memory_space<hbm>> -> memref<8192xi32, #tpu.memory_space<hbm>>
      %dma_start3A_434 = arith.constant 0 : i32
      %dma_start3A_435 = tpu.memref_slice %arg14[%dma_start3A_434] : memref<16384xi32, #tpu.memory_space<vmem>> -> memref<8192xi32, #tpu.memory_space<vmem>>
      %dma_start3A_436 = tpu.memref_slice %arg5[%multiple_of3A] : memref<1600000xi32, #tpu.memory_space<hbm>> -> memref<8192xi32, #tpu.memory_space<hbm>>
      tpu.enqueue_dma source(%dma_start3A_436 : memref<8192xi32, #tpu.memory_space<hbm>>) target(%dma_start3A_435 : memref<8192xi32, #tpu.memory_space<vmem>>) target_semaphore(%arg17 : memref<!tpu.dma_semaphore, #tpu.memory_space<semaphore_mem>>)
    } else {
    }
    %add3A_34 = arith.constant 1 : i32
    %add3A_35 = arith.addi %shift_right_logical3A_19, %add3A_34 : i32
    %shift_right_logical3A_36 = arith.constant 1 : i32
    %shift_right_logical3A_37 = arith.shrui %add3A_35, %shift_right_logical3A_36 : i32
    %while3A = arith.constant 0 : i32
    %while3A_38 = arith.constant 0 : i32
    %while3A_39 = arith.subi %shift_right_logical3A_37, %while3A : i32
    %while3A_40 = arith.addi %while3A, %while3A_39 : i32
    %while3A_41 = arith.constant 1 : i32
    %while3A_42 = arith.divsi %while3A_39, %while3A_41 : i32
    %while3A_43 = arith.muli %while3A_42, %while3A_41 : i32
    %while3A_44 = arith.addi %while3A, %while3A_43 : i32
    %while3A_45 = arith.constant 1 : i32
    %while3A_46 = scf.for %while3A_415 = %while3A to %while3A_44 step %while3A_45 iter_args(%while3A_416 = %while3A_38) -> (i32)  : i32 {
      %shift_left3A = arith.constant 1 : i32
      %shift_left3A_417 = arith.shli %while3A_415, %shift_left3A : i32
      %add3A_418 = arith.constant 1 : i32
      %add3A_419 = arith.addi %shift_left3A_417, %add3A_418 : i32
      %lt3A = arith.cmpi slt, %add3A_419, %shift_right_logical3A_19 : i32
      %convert_element_type3A_420 = arith.extui %lt3A : i1 to i32
      %cond3A_421 = arith.constant 0 : i32
      %cond3A_422 = arith.cmpi ne, %convert_element_type3A_420, %cond3A_421 : i32
      scf.if %cond3A_422 {
        %shift_left3A_471 = arith.constant 13 : i32
        %shift_left3A_472 = arith.shli %add3A_419, %shift_left3A_471 : i32
        %add3A_473 = arith.addi %and3A_16, %shift_left3A_472 : i32
        %min3A_474 = arith.constant 1591808 : i32
        %min3A_475 = arith.minsi %add3A_473, %min3A_474 : i32
        %multiple_of3A = tpu.assume_multiple %min3A_475, 8 : i32
        %dma_start3A_476 = arith.constant 8192 : i32
        %dma_start3A_477 = tpu.memref_slice %arg12[%dma_start3A_476] : memref<16384xi32, #tpu.memory_space<vmem>> -> memref<8192xi32, #tpu.memory_space<vmem>>
        %dma_start3A_478 = tpu.memref_slice %arg4[%multiple_of3A] : memref<1600000xi32, #tpu.memory_space<hbm>> -> memref<8192xi32, #tpu.memory_space<hbm>>
        %dma_start3A_479 = arith.constant 8192 : i32
        %dma_start3A_480 = tpu.memref_slice %arg12[%dma_start3A_479] : memref<16384xi32, #tpu.memory_space<vmem>> -> memref<8192xi32, #tpu.memory_space<vmem>>
        %dma_start3A_481 = tpu.memref_slice %arg4[%multiple_of3A] : memref<1600000xi32, #tpu.memory_space<hbm>> -> memref<8192xi32, #tpu.memory_space<hbm>>
        tpu.enqueue_dma source(%dma_start3A_481 : memref<8192xi32, #tpu.memory_space<hbm>>) target(%dma_start3A_480 : memref<8192xi32, #tpu.memory_space<vmem>>) target_semaphore(%arg18 : memref<!tpu.dma_semaphore, #tpu.memory_space<semaphore_mem>>)
        %dma_start3A_482 = arith.constant 8192 : i32
        %dma_start3A_483 = tpu.memref_slice %arg13[%dma_start3A_482] : memref<16384xf32, #tpu.memory_space<vmem>> -> memref<8192xf32, #tpu.memory_space<vmem>>
        %dma_start3A_484 = tpu.memref_slice %arg2[%multiple_of3A] : memref<1600000xf32, #tpu.memory_space<hbm>> -> memref<8192xf32, #tpu.memory_space<hbm>>
        %dma_start3A_485 = arith.constant 8192 : i32
        %dma_start3A_486 = tpu.memref_slice %arg13[%dma_start3A_485] : memref<16384xf32, #tpu.memory_space<vmem>> -> memref<8192xf32, #tpu.memory_space<vmem>>
        %dma_start3A_487 = tpu.memref_slice %arg2[%multiple_of3A] : memref<1600000xf32, #tpu.memory_space<hbm>> -> memref<8192xf32, #tpu.memory_space<hbm>>
        tpu.enqueue_dma source(%dma_start3A_487 : memref<8192xf32, #tpu.memory_space<hbm>>) target(%dma_start3A_486 : memref<8192xf32, #tpu.memory_space<vmem>>) target_semaphore(%arg18 : memref<!tpu.dma_semaphore, #tpu.memory_space<semaphore_mem>>)
        %dma_start3A_488 = arith.constant 8192 : i32
        %dma_start3A_489 = tpu.memref_slice %arg14[%dma_start3A_488] : memref<16384xi32, #tpu.memory_space<vmem>> -> memref<8192xi32, #tpu.memory_space<vmem>>
        %dma_start3A_490 = tpu.memref_slice %arg5[%multiple_of3A] : memref<1600000xi32, #tpu.memory_space<hbm>> -> memref<8192xi32, #tpu.memory_space<hbm>>
        %dma_start3A_491 = arith.constant 8192 : i32
        %dma_start3A_492 = tpu.memref_slice %arg14[%dma_start3A_491] : memref<16384xi32, #tpu.memory_space<vmem>> -> memref<8192xi32, #tpu.memory_space<vmem>>
        %dma_start3A_493 = tpu.memref_slice %arg5[%multiple_of3A] : memref<1600000xi32, #tpu.memory_space<hbm>> -> memref<8192xi32, #tpu.memory_space<hbm>>
        tpu.enqueue_dma source(%dma_start3A_493 : memref<8192xi32, #tpu.memory_space<hbm>>) target(%dma_start3A_492 : memref<8192xi32, #tpu.memory_space<vmem>>) target_semaphore(%arg18 : memref<!tpu.dma_semaphore, #tpu.memory_space<semaphore_mem>>)
      } else {
      }
      %dma_wait3A_423 = arith.constant 0 : i32
      %dma_wait3A_424 = tpu.memref_slice %arg12[%dma_wait3A_423] : memref<16384xi32, #tpu.memory_space<vmem>> -> memref<8192xi32, #tpu.memory_space<vmem>>
      %dma_wait3A_425 = arith.constant 0 : i32
      %dma_wait3A_426 = tpu.memref_slice %arg4[%dma_wait3A_425] : memref<1600000xi32, #tpu.memory_space<hbm>> -> memref<8192xi32, #tpu.memory_space<hbm>>
      %dma_wait3A_427 = arith.constant 0 : i32
      %dma_wait3A_428 = tpu.memref_slice %arg12[%dma_wait3A_427] : memref<16384xi32, #tpu.memory_space<vmem>> -> memref<8192xi32, #tpu.memory_space<vmem>>
      %dma_wait3A_429 = arith.constant 0 : i32
      %dma_wait3A_430 = tpu.memref_slice %arg4[%dma_wait3A_429] : memref<1600000xi32, #tpu.memory_space<hbm>> -> memref<8192xi32, #tpu.memory_space<hbm>>
      tpu.wait_dma2 semaphore(%arg17 : memref<!tpu.dma_semaphore, #tpu.memory_space<semaphore_mem>>) src(%dma_wait3A_430 : memref<8192xi32, #tpu.memory_space<hbm>>) dst(%dma_wait3A_428 : memref<8192xi32, #tpu.memory_space<vmem>>)
      %dma_wait3A_431 = arith.constant 0 : i32
      %dma_wait3A_432 = tpu.memref_slice %arg13[%dma_wait3A_431] : memref<16384xf32, #tpu.memory_space<vmem>> -> memref<8192xf32, #tpu.memory_space<vmem>>
      %dma_wait3A_433 = arith.constant 0 : i32
      %dma_wait3A_434 = tpu.memref_slice %arg2[%dma_wait3A_433] : memref<1600000xf32, #tpu.memory_space<hbm>> -> memref<8192xf32, #tpu.memory_space<hbm>>
      %dma_wait3A_435 = arith.constant 0 : i32
      %dma_wait3A_436 = tpu.memref_slice %arg13[%dma_wait3A_435] : memref<16384xf32, #tpu.memory_space<vmem>> -> memref<8192xf32, #tpu.memory_space<vmem>>
      %dma_wait3A_437 = arith.constant 0 : i32
      %dma_wait3A_438 = tpu.memref_slice %arg2[%dma_wait3A_437] : memref<1600000xf32, #tpu.memory_space<hbm>> -> memref<8192xf32, #tpu.memory_space<hbm>>
      tpu.wait_dma2 semaphore(%arg17 : memref<!tpu.dma_semaphore, #tpu.memory_space<semaphore_mem>>) src(%dma_wait3A_438 : memref<8192xf32, #tpu.memory_space<hbm>>) dst(%dma_wait3A_436 : memref<8192xf32, #tpu.memory_space<vmem>>)
      %dma_wait3A_439 = arith.constant 0 : i32
      %dma_wait3A_440 = tpu.memref_slice %arg14[%dma_wait3A_439] : memref<16384xi32, #tpu.memory_space<vmem>> -> memref<8192xi32, #tpu.memory_space<vmem>>
      %dma_wait3A_441 = arith.constant 0 : i32
      %dma_wait3A_442 = tpu.memref_slice %arg5[%dma_wait3A_441] : memref<1600000xi32, #tpu.memory_space<hbm>> -> memref<8192xi32, #tpu.memory_space<hbm>>
      %dma_wait3A_443 = arith.constant 0 : i32
      %dma_wait3A_444 = tpu.memref_slice %arg14[%dma_wait3A_443] : memref<16384xi32, #tpu.memory_space<vmem>> -> memref<8192xi32, #tpu.memory_space<vmem>>
      %dma_wait3A_445 = arith.constant 0 : i32
      %dma_wait3A_446 = tpu.memref_slice %arg5[%dma_wait3A_445] : memref<1600000xi32, #tpu.memory_space<hbm>> -> memref<8192xi32, #tpu.memory_space<hbm>>
      tpu.wait_dma2 semaphore(%arg17 : memref<!tpu.dma_semaphore, #tpu.memory_space<semaphore_mem>>) src(%dma_wait3A_446 : memref<8192xi32, #tpu.memory_space<hbm>>) dst(%dma_wait3A_444 : memref<8192xi32, #tpu.memory_space<vmem>>)
      %shift_left3A_447 = arith.constant 13 : i32
      %shift_left3A_448 = arith.shli %shift_left3A_417, %shift_left3A_447 : i32
      %add3A_449 = arith.addi %and3A_16, %shift_left3A_448 : i32
      %min3A = arith.constant 1591808 : i32
      %min3A_450 = arith.minsi %add3A_449, %min3A : i32
      %max3A = arith.maxsi %squeeze3A, %add3A_449 : i32
      %broadcast_in_dim3A_451 = vector.broadcast %max3A : i32 to vector<16xi32>
      %broadcast_in_dim3A_452 = vector.broadcast %min3A_450 : i32 to vector<16xi32>
      %add3A_453 = arith.addi %broadcast_in_dim3A_452, %iota3A : vector<16xi32>
      %scan3A_454 = arith.constant 0 : i32
      %scan3A_455 = arith.constant 128 : i32
      %scan3A_456 = arith.addi %scan3A_454, %scan3A_455 : i32
      %scan3A_457 = arith.constant 1 : i32
      %scan3A_458 = scf.for %scan3A_471 = %scan3A_454 to %scan3A_456 step %scan3A_457 iter_args(%scan3A_472 = %add3A_453) -> (vector<16xi32>)  : i32 {
        %shift_left3A_473 = arith.constant 6 : i32
        %shift_left3A_474 = arith.shli %scan3A_471, %shift_left3A_473 : i32
        %add3A_475 = arith.constant 0 : i32
        %add3A_476 = arith.addi %add3A_475, %shift_left3A_474 : i32
        %add3A_477 = arith.constant 0 : i32
        %add3A_478 = arith.addi %add3A_476, %add3A_477 : i32
        %get3A_479 = arith.index_cast %add3A_478 : i32 to index
        %get3A_480 = tpu.vector_load %arg12[%get3A_479] {strides = array<i32>} : memref<16384xi32, #tpu.memory_space<vmem>>, vector<16xi32>,
        %get3A_481 = arith.index_cast %add3A_478 : i32 to index
        %get3A_482 = tpu.vector_load %arg13[%get3A_481] {strides = array<i32>} : memref<16384xf32, #tpu.memory_space<vmem>>, vector<16xf32>,
        %get3A_483 = arith.index_cast %add3A_478 : i32 to index
        %get3A_484 = tpu.vector_load %arg14[%get3A_483] {strides = array<i32>} : memref<16384xi32, #tpu.memory_space<vmem>>, vector<16xi32>,
        %ge3A = arith.cmpi sge, %scan3A_472, %broadcast_in_dim3A_451 : vector<16xi32>
        %lt3A_485 = arith.cmpi slt, %scan3A_472, %broadcast_in_dim3A_27 : vector<16xi32>
        %and3A_486 = arith.andi %ge3A, %lt3A_485 : vector<16xi1>
        %sub3A_487 = arith.subi %get3A_480, %broadcast_in_dim3A_22 : vector<16xi32>
        %select_n3A = arith.select %and3A_486, %sub3A_487, %broadcast_in_dim3A_24 : vector<16xi1>, vector<16xi32>
        %gather3A = tpu.vector_load_idx %arg9[%select_n3A] : memref<1584xf32, #tpu.memory_space<vmem>>[vector<16xi32>], vector<16xf32>,
        %sub3A_488 = arith.subf %gather3A, %get3A_482 : vector<16xf32>
        %gather3A_489 = tpu.vector_load_idx %arg15[%get3A_484] : memref<16xf32, #tpu.memory_space<vmem>>[vector<16xi32>], vector<16xf32>,
        %mul3A_490 = arith.mulf %gather3A_489, %sub3A_488 : vector<16xf32>
        %exp3A = math.exp %mul3A_490 : vector<16xf32>
        %mul3A_491 = arith.muli %get3A_484, %broadcast_in_dim3A_26 : vector<16xi32>
        %add3A_492 = arith.addi %mul3A_491, %select_n3A : vector<16xi32>
        tpu.vector_store_idx %arg10[%add3A_492], %exp3A masked %and3A_486 {add = true} : memref<25344xf32, #tpu.memory_space<vmem>>[vector<16xi32>], vector<16xf32>, vector<16xi1>
        tpu.vector_store_idx %arg11[%add3A_492], %broadcast_in_dim3A_29 masked %and3A_486 {add = true} : memref<25344xf32, #tpu.memory_space<vmem>>[vector<16xi32>], vector<16xf32>, vector<16xi1>
        %add3A_493 = arith.constant 16 : i32
        %add3A_494 = arith.addi %add3A_476, %add3A_493 : i32
        %get3A_495 = arith.index_cast %add3A_494 : i32 to index
        %get3A_496 = tpu.vector_load %arg12[%get3A_495] {strides = array<i32>} : memref<16384xi32, #tpu.memory_space<vmem>>, vector<16xi32>,
        %get3A_497 = arith.index_cast %add3A_494 : i32 to index
        %get3A_498 = tpu.vector_load %arg13[%get3A_497] {strides = array<i32>} : memref<16384xf32, #tpu.memory_space<vmem>>, vector<16xf32>,
        %get3A_499 = arith.index_cast %add3A_494 : i32 to index
        %get3A_500 = tpu.vector_load %arg14[%get3A_499] {strides = array<i32>} : memref<16384xi32, #tpu.memory_space<vmem>>, vector<16xi32>,
        %broadcast_in_dim3A_501 = arith.constant 16 : i32
        %broadcast_in_dim3A_502 = vector.broadcast %broadcast_in_dim3A_501 : i32 to vector<16xi32>
        %add3A_503 = arith.addi %scan3A_472, %broadcast_in_dim3A_502 : vector<16xi32>
        %ge3A_504 = arith.cmpi sge, %add3A_503, %broadcast_in_dim3A_451 : vector<16xi32>
        %lt3A_505 = arith.cmpi slt, %add3A_503, %broadcast_in_dim3A_27 : vector<16xi32>
        %and3A_506 = arith.andi %ge3A_504, %lt3A_505 : vector<16xi1>
        %sub3A_507 = arith.subi %get3A_496, %broadcast_in_dim3A_22 : vector<16xi32>
        %select_n3A_508 = arith.select %and3A_506, %sub3A_507, %broadcast_in_dim3A_24 : vector<16xi1>, vector<16xi32>
        %gather3A_509 = tpu.vector_load_idx %arg9[%select_n3A_508] : memref<1584xf32, #tpu.memory_space<vmem>>[vector<16xi32>], vector<16xf32>,
        %sub3A_510 = arith.subf %gather3A_509, %get3A_498 : vector<16xf32>
        %gather3A_511 = tpu.vector_load_idx %arg15[%get3A_500] : memref<16xf32, #tpu.memory_space<vmem>>[vector<16xi32>], vector<16xf32>,
        %mul3A_512 = arith.mulf %gather3A_511, %sub3A_510 : vector<16xf32>
        %exp3A_513 = math.exp %mul3A_512 : vector<16xf32>
        %mul3A_514 = arith.muli %get3A_500, %broadcast_in_dim3A_26 : vector<16xi32>
        %add3A_515 = arith.addi %mul3A_514, %select_n3A_508 : vector<16xi32>
        tpu.vector_store_idx %arg10[%add3A_515], %exp3A_513 masked %and3A_506 {add = true} : memref<25344xf32, #tpu.memory_space<vmem>>[vector<16xi32>], vector<16xf32>, vector<16xi1>
        tpu.vector_store_idx %arg11[%add3A_515], %broadcast_in_dim3A_29 masked %and3A_506 {add = true} : memref<25344xf32, #tpu.memory_space<vmem>>[vector<16xi32>], vector<16xf32>, vector<16xi1>
        %add3A_516 = arith.constant 32 : i32
        %add3A_517 = arith.addi %add3A_476, %add3A_516 : i32
        %get3A_518 = arith.index_cast %add3A_517 : i32 to index
        %get3A_519 = tpu.vector_load %arg12[%get3A_518] {strides = array<i32>} : memref<16384xi32, #tpu.memory_space<vmem>>, vector<16xi32>,
        %get3A_520 = arith.index_cast %add3A_517 : i32 to index
        %get3A_521 = tpu.vector_load %arg13[%get3A_520] {strides = array<i32>} : memref<16384xf32, #tpu.memory_space<vmem>>, vector<16xf32>,
        %get3A_522 = arith.index_cast %add3A_517 : i32 to index
        %get3A_523 = tpu.vector_load %arg14[%get3A_522] {strides = array<i32>} : memref<16384xi32, #tpu.memory_space<vmem>>, vector<16xi32>,
        %broadcast_in_dim3A_524 = arith.constant 32 : i32
        %broadcast_in_dim3A_525 = vector.broadcast %broadcast_in_dim3A_524 : i32 to vector<16xi32>
        %add3A_526 = arith.addi %scan3A_472, %broadcast_in_dim3A_525 : vector<16xi32>
        %ge3A_527 = arith.cmpi sge, %add3A_526, %broadcast_in_dim3A_451 : vector<16xi32>
        %lt3A_528 = arith.cmpi slt, %add3A_526, %broadcast_in_dim3A_27 : vector<16xi32>
        %and3A_529 = arith.andi %ge3A_527, %lt3A_528 : vector<16xi1>
        %sub3A_530 = arith.subi %get3A_519, %broadcast_in_dim3A_22 : vector<16xi32>
        %select_n3A_531 = arith.select %and3A_529, %sub3A_530, %broadcast_in_dim3A_24 : vector<16xi1>, vector<16xi32>
        %gather3A_532 = tpu.vector_load_idx %arg9[%select_n3A_531] : memref<1584xf32, #tpu.memory_space<vmem>>[vector<16xi32>], vector<16xf32>,
        %sub3A_533 = arith.subf %gather3A_532, %get3A_521 : vector<16xf32>
        %gather3A_534 = tpu.vector_load_idx %arg15[%get3A_523] : memref<16xf32, #tpu.memory_space<vmem>>[vector<16xi32>], vector<16xf32>,
        %mul3A_535 = arith.mulf %gather3A_534, %sub3A_533 : vector<16xf32>
        %exp3A_536 = math.exp %mul3A_535 : vector<16xf32>
        %mul3A_537 = arith.muli %get3A_523, %broadcast_in_dim3A_26 : vector<16xi32>
        %add3A_538 = arith.addi %mul3A_537, %select_n3A_531 : vector<16xi32>
        tpu.vector_store_idx %arg10[%add3A_538], %exp3A_536 masked %and3A_529 {add = true} : memref<25344xf32, #tpu.memory_space<vmem>>[vector<16xi32>], vector<16xf32>, vector<16xi1>
        tpu.vector_store_idx %arg11[%add3A_538], %broadcast_in_dim3A_29 masked %and3A_529 {add = true} : memref<25344xf32, #tpu.memory_space<vmem>>[vector<16xi32>], vector<16xf32>, vector<16xi1>
        %add3A_539 = arith.constant 48 : i32
        %add3A_540 = arith.addi %add3A_476, %add3A_539 : i32
        %get3A_541 = arith.index_cast %add3A_540 : i32 to index
        %get3A_542 = tpu.vector_load %arg12[%get3A_541] {strides = array<i32>} : memref<16384xi32, #tpu.memory_space<vmem>>, vector<16xi32>,
        %get3A_543 = arith.index_cast %add3A_540 : i32 to index
        %get3A_544 = tpu.vector_load %arg13[%get3A_543] {strides = array<i32>} : memref<16384xf32, #tpu.memory_space<vmem>>, vector<16xf32>,
        %get3A_545 = arith.index_cast %add3A_540 : i32 to index
        %get3A_546 = tpu.vector_load %arg14[%get3A_545] {strides = array<i32>} : memref<16384xi32, #tpu.memory_space<vmem>>, vector<16xi32>,
        %broadcast_in_dim3A_547 = arith.constant 48 : i32
        %broadcast_in_dim3A_548 = vector.broadcast %broadcast_in_dim3A_547 : i32 to vector<16xi32>
        %add3A_549 = arith.addi %scan3A_472, %broadcast_in_dim3A_548 : vector<16xi32>
        %ge3A_550 = arith.cmpi sge, %add3A_549, %broadcast_in_dim3A_451 : vector<16xi32>
        %lt3A_551 = arith.cmpi slt, %add3A_549, %broadcast_in_dim3A_27 : vector<16xi32>
        %and3A_552 = arith.andi %ge3A_550, %lt3A_551 : vector<16xi1>
        %sub3A_553 = arith.subi %get3A_542, %broadcast_in_dim3A_22 : vector<16xi32>
        %select_n3A_554 = arith.select %and3A_552, %sub3A_553, %broadcast_in_dim3A_24 : vector<16xi1>, vector<16xi32>
        %gather3A_555 = tpu.vector_load_idx %arg9[%select_n3A_554] : memref<1584xf32, #tpu.memory_space<vmem>>[vector<16xi32>], vector<16xf32>,
        %sub3A_556 = arith.subf %gather3A_555, %get3A_544 : vector<16xf32>
        %gather3A_557 = tpu.vector_load_idx %arg15[%get3A_546] : memref<16xf32, #tpu.memory_space<vmem>>[vector<16xi32>], vector<16xf32>,
        %mul3A_558 = arith.mulf %gather3A_557, %sub3A_556 : vector<16xf32>
        %exp3A_559 = math.exp %mul3A_558 : vector<16xf32>
        %mul3A_560 = arith.muli %get3A_546, %broadcast_in_dim3A_26 : vector<16xi32>
        %add3A_561 = arith.addi %mul3A_560, %select_n3A_554 : vector<16xi32>
        tpu.vector_store_idx %arg10[%add3A_561], %exp3A_559 masked %and3A_552 {add = true} : memref<25344xf32, #tpu.memory_space<vmem>>[vector<16xi32>], vector<16xf32>, vector<16xi1>
        tpu.vector_store_idx %arg11[%add3A_561], %broadcast_in_dim3A_29 masked %and3A_552 {add = true} : memref<25344xf32, #tpu.memory_space<vmem>>[vector<16xi32>], vector<16xf32>, vector<16xi1>
        %add3A_562 = arith.addi %scan3A_472, %broadcast_in_dim3A_31 : vector<16xi32>
        scf.yield %add3A_562 : vector<16xi32>
      }
      %scan3A_459 = arith.constant 128 : i32
      %add3A_460 = arith.constant 1 : i32
      %add3A_461 = arith.addi %add3A_419, %add3A_460 : i32
      %lt3A_462 = arith.cmpi slt, %add3A_461, %shift_right_logical3A_19 : i32
      %convert_element_type3A_463 = arith.extui %lt3A_462 : i1 to i32
      %cond3A_464 = arith.constant 0 : i32
      %cond3A_465 = arith.cmpi ne, %convert_element_type3A_463, %cond3A_464 : i32
      scf.if %cond3A_465 {
        %add3A_471 = arith.constant 1 : i32
        %add3A_472 = arith.addi %add3A_419, %add3A_471 : i32
        %shift_left3A_473 = arith.constant 13 : i32
        %shift_left3A_474 = arith.shli %add3A_472, %shift_left3A_473 : i32
        %add3A_475 = arith.addi %and3A_16, %shift_left3A_474 : i32
        %min3A_476 = arith.constant 1591808 : i32
        %min3A_477 = arith.minsi %add3A_475, %min3A_476 : i32
        %multiple_of3A = tpu.assume_multiple %min3A_477, 8 : i32
        %dma_start3A_478 = arith.constant 0 : i32
        %dma_start3A_479 = tpu.memref_slice %arg12[%dma_start3A_478] : memref<16384xi32, #tpu.memory_space<vmem>> -> memref<8192xi32, #tpu.memory_space<vmem>>
        %dma_start3A_480 = tpu.memref_slice %arg4[%multiple_of3A] : memref<1600000xi32, #tpu.memory_space<hbm>> -> memref<8192xi32, #tpu.memory_space<hbm>>
        %dma_start3A_481 = arith.constant 0 : i32
        %dma_start3A_482 = tpu.memref_slice %arg12[%dma_start3A_481] : memref<16384xi32, #tpu.memory_space<vmem>> -> memref<8192xi32, #tpu.memory_space<vmem>>
        %dma_start3A_483 = tpu.memref_slice %arg4[%multiple_of3A] : memref<1600000xi32, #tpu.memory_space<hbm>> -> memref<8192xi32, #tpu.memory_space<hbm>>
        tpu.enqueue_dma source(%dma_start3A_483 : memref<8192xi32, #tpu.memory_space<hbm>>) target(%dma_start3A_482 : memref<8192xi32, #tpu.memory_space<vmem>>) target_semaphore(%arg17 : memref<!tpu.dma_semaphore, #tpu.memory_space<semaphore_mem>>)
        %dma_start3A_484 = arith.constant 0 : i32
        %dma_start3A_485 = tpu.memref_slice %arg13[%dma_start3A_484] : memref<16384xf32, #tpu.memory_space<vmem>> -> memref<8192xf32, #tpu.memory_space<vmem>>
        %dma_start3A_486 = tpu.memref_slice %arg2[%multiple_of3A] : memref<1600000xf32, #tpu.memory_space<hbm>> -> memref<8192xf32, #tpu.memory_space<hbm>>
        %dma_start3A_487 = arith.constant 0 : i32
        %dma_start3A_488 = tpu.memref_slice %arg13[%dma_start3A_487] : memref<16384xf32, #tpu.memory_space<vmem>> -> memref<8192xf32, #tpu.memory_space<vmem>>
        %dma_start3A_489 = tpu.memref_slice %arg2[%multiple_of3A] : memref<1600000xf32, #tpu.memory_space<hbm>> -> memref<8192xf32, #tpu.memory_space<hbm>>
        tpu.enqueue_dma source(%dma_start3A_489 : memref<8192xf32, #tpu.memory_space<hbm>>) target(%dma_start3A_488 : memref<8192xf32, #tpu.memory_space<vmem>>) target_semaphore(%arg17 : memref<!tpu.dma_semaphore, #tpu.memory_space<semaphore_mem>>)
        %dma_start3A_490 = arith.constant 0 : i32
        %dma_start3A_491 = tpu.memref_slice %arg14[%dma_start3A_490] : memref<16384xi32, #tpu.memory_space<vmem>> -> memref<8192xi32, #tpu.memory_space<vmem>>
        %dma_start3A_492 = tpu.memref_slice %arg5[%multiple_of3A] : memref<1600000xi32, #tpu.memory_space<hbm>> -> memref<8192xi32, #tpu.memory_space<hbm>>
        %dma_start3A_493 = arith.constant 0 : i32
        %dma_start3A_494 = tpu.memref_slice %arg14[%dma_start3A_493] : memref<16384xi32, #tpu.memory_space<vmem>> -> memref<8192xi32, #tpu.memory_space<vmem>>
        %dma_start3A_495 = tpu.memref_slice %arg5[%multiple_of3A] : memref<1600000xi32, #tpu.memory_space<hbm>> -> memref<8192xi32, #tpu.memory_space<hbm>>
        tpu.enqueue_dma source(%dma_start3A_495 : memref<8192xi32, #tpu.memory_space<hbm>>) target(%dma_start3A_494 : memref<8192xi32, #tpu.memory_space<vmem>>) target_semaphore(%arg17 : memref<!tpu.dma_semaphore, #tpu.memory_space<semaphore_mem>>)
      } else {
      }
      %lt3A_466 = arith.cmpi slt, %add3A_419, %shift_right_logical3A_19 : i32
      %convert_element_type3A_467 = arith.extui %lt3A_466 : i1 to i32
      %cond3A_468 = arith.constant 0 : i32
      %cond3A_469 = arith.cmpi ne, %convert_element_type3A_467, %cond3A_468 : i32
      scf.if %cond3A_469 {
        %dma_wait3A_471 = arith.constant 8192 : i32
        %dma_wait3A_472 = tpu.memref_slice %arg12[%dma_wait3A_471] : memref<16384xi32, #tpu.memory_space<vmem>> -> memref<8192xi32, #tpu.memory_space<vmem>>
        %dma_wait3A_473 = arith.constant 0 : i32
        %dma_wait3A_474 = tpu.memref_slice %arg4[%dma_wait3A_473] : memref<1600000xi32, #tpu.memory_space<hbm>> -> memref<8192xi32, #tpu.memory_space<hbm>>
        %dma_wait3A_475 = arith.constant 8192 : i32
        %dma_wait3A_476 = tpu.memref_slice %arg12[%dma_wait3A_475] : memref<16384xi32, #tpu.memory_space<vmem>> -> memref<8192xi32, #tpu.memory_space<vmem>>
        %dma_wait3A_477 = arith.constant 0 : i32
        %dma_wait3A_478 = tpu.memref_slice %arg4[%dma_wait3A_477] : memref<1600000xi32, #tpu.memory_space<hbm>> -> memref<8192xi32, #tpu.memory_space<hbm>>
        tpu.wait_dma2 semaphore(%arg18 : memref<!tpu.dma_semaphore, #tpu.memory_space<semaphore_mem>>) src(%dma_wait3A_478 : memref<8192xi32, #tpu.memory_space<hbm>>) dst(%dma_wait3A_476 : memref<8192xi32, #tpu.memory_space<vmem>>)
        %dma_wait3A_479 = arith.constant 8192 : i32
        %dma_wait3A_480 = tpu.memref_slice %arg13[%dma_wait3A_479] : memref<16384xf32, #tpu.memory_space<vmem>> -> memref<8192xf32, #tpu.memory_space<vmem>>
        %dma_wait3A_481 = arith.constant 0 : i32
        %dma_wait3A_482 = tpu.memref_slice %arg2[%dma_wait3A_481] : memref<1600000xf32, #tpu.memory_space<hbm>> -> memref<8192xf32, #tpu.memory_space<hbm>>
        %dma_wait3A_483 = arith.constant 8192 : i32
        %dma_wait3A_484 = tpu.memref_slice %arg13[%dma_wait3A_483] : memref<16384xf32, #tpu.memory_space<vmem>> -> memref<8192xf32, #tpu.memory_space<vmem>>
        %dma_wait3A_485 = arith.constant 0 : i32
        %dma_wait3A_486 = tpu.memref_slice %arg2[%dma_wait3A_485] : memref<1600000xf32, #tpu.memory_space<hbm>> -> memref<8192xf32, #tpu.memory_space<hbm>>
        tpu.wait_dma2 semaphore(%arg18 : memref<!tpu.dma_semaphore, #tpu.memory_space<semaphore_mem>>) src(%dma_wait3A_486 : memref<8192xf32, #tpu.memory_space<hbm>>) dst(%dma_wait3A_484 : memref<8192xf32, #tpu.memory_space<vmem>>)
        %dma_wait3A_487 = arith.constant 8192 : i32
        %dma_wait3A_488 = tpu.memref_slice %arg14[%dma_wait3A_487] : memref<16384xi32, #tpu.memory_space<vmem>> -> memref<8192xi32, #tpu.memory_space<vmem>>
        %dma_wait3A_489 = arith.constant 0 : i32
        %dma_wait3A_490 = tpu.memref_slice %arg5[%dma_wait3A_489] : memref<1600000xi32, #tpu.memory_space<hbm>> -> memref<8192xi32, #tpu.memory_space<hbm>>
        %dma_wait3A_491 = arith.constant 8192 : i32
        %dma_wait3A_492 = tpu.memref_slice %arg14[%dma_wait3A_491] : memref<16384xi32, #tpu.memory_space<vmem>> -> memref<8192xi32, #tpu.memory_space<vmem>>
        %dma_wait3A_493 = arith.constant 0 : i32
        %dma_wait3A_494 = tpu.memref_slice %arg5[%dma_wait3A_493] : memref<1600000xi32, #tpu.memory_space<hbm>> -> memref<8192xi32, #tpu.memory_space<hbm>>
        tpu.wait_dma2 semaphore(%arg18 : memref<!tpu.dma_semaphore, #tpu.memory_space<semaphore_mem>>) src(%dma_wait3A_494 : memref<8192xi32, #tpu.memory_space<hbm>>) dst(%dma_wait3A_492 : memref<8192xi32, #tpu.memory_space<vmem>>)
        %shift_left3A_495 = arith.constant 13 : i32
        %shift_left3A_496 = arith.shli %add3A_419, %shift_left3A_495 : i32
        %add3A_497 = arith.addi %and3A_16, %shift_left3A_496 : i32
        %min3A_498 = arith.constant 1591808 : i32
        %min3A_499 = arith.minsi %add3A_497, %min3A_498 : i32
        %max3A_500 = arith.maxsi %squeeze3A, %add3A_497 : i32
        %broadcast_in_dim3A_501 = vector.broadcast %max3A_500 : i32 to vector<16xi32>
        %broadcast_in_dim3A_502 = vector.broadcast %min3A_499 : i32 to vector<16xi32>
        %add3A_503 = arith.addi %broadcast_in_dim3A_502, %iota3A : vector<16xi32>
        %scan3A_504 = arith.constant 0 : i32
        %scan3A_505 = arith.constant 128 : i32
        %scan3A_506 = arith.addi %scan3A_504, %scan3A_505 : i32
        %scan3A_507 = arith.constant 1 : i32
        %scan3A_508 = scf.for %scan3A_510 = %scan3A_504 to %scan3A_506 step %scan3A_507 iter_args(%scan3A_511 = %add3A_503) -> (vector<16xi32>)  : i32 {
          %shift_left3A_512 = arith.constant 6 : i32
          %shift_left3A_513 = arith.shli %scan3A_510, %shift_left3A_512 : i32
          %add3A_514 = arith.constant 8192 : i32
          %add3A_515 = arith.addi %add3A_514, %shift_left3A_513 : i32
          %add3A_516 = arith.constant 0 : i32
          %add3A_517 = arith.addi %add3A_515, %add3A_516 : i32
          %get3A_518 = arith.index_cast %add3A_517 : i32 to index
          %get3A_519 = tpu.vector_load %arg12[%get3A_518] {strides = array<i32>} : memref<16384xi32, #tpu.memory_space<vmem>>, vector<16xi32>,
          %get3A_520 = arith.index_cast %add3A_517 : i32 to index
          %get3A_521 = tpu.vector_load %arg13[%get3A_520] {strides = array<i32>} : memref<16384xf32, #tpu.memory_space<vmem>>, vector<16xf32>,
          %get3A_522 = arith.index_cast %add3A_517 : i32 to index
          %get3A_523 = tpu.vector_load %arg14[%get3A_522] {strides = array<i32>} : memref<16384xi32, #tpu.memory_space<vmem>>, vector<16xi32>,
          %ge3A = arith.cmpi sge, %scan3A_511, %broadcast_in_dim3A_501 : vector<16xi32>
          %lt3A_524 = arith.cmpi slt, %scan3A_511, %broadcast_in_dim3A_27 : vector<16xi32>
          %and3A_525 = arith.andi %ge3A, %lt3A_524 : vector<16xi1>
          %sub3A_526 = arith.subi %get3A_519, %broadcast_in_dim3A_22 : vector<16xi32>
          %select_n3A = arith.select %and3A_525, %sub3A_526, %broadcast_in_dim3A_24 : vector<16xi1>, vector<16xi32>
          %gather3A = tpu.vector_load_idx %arg9[%select_n3A] : memref<1584xf32, #tpu.memory_space<vmem>>[vector<16xi32>], vector<16xf32>,
          %sub3A_527 = arith.subf %gather3A, %get3A_521 : vector<16xf32>
          %gather3A_528 = tpu.vector_load_idx %arg15[%get3A_523] : memref<16xf32, #tpu.memory_space<vmem>>[vector<16xi32>], vector<16xf32>,
          %mul3A_529 = arith.mulf %gather3A_528, %sub3A_527 : vector<16xf32>
          %exp3A = math.exp %mul3A_529 : vector<16xf32>
          %mul3A_530 = arith.muli %get3A_523, %broadcast_in_dim3A_26 : vector<16xi32>
          %add3A_531 = arith.addi %mul3A_530, %select_n3A : vector<16xi32>
          tpu.vector_store_idx %arg10[%add3A_531], %exp3A masked %and3A_525 {add = true} : memref<25344xf32, #tpu.memory_space<vmem>>[vector<16xi32>], vector<16xf32>, vector<16xi1>
          tpu.vector_store_idx %arg11[%add3A_531], %broadcast_in_dim3A_29 masked %and3A_525 {add = true} : memref<25344xf32, #tpu.memory_space<vmem>>[vector<16xi32>], vector<16xf32>, vector<16xi1>
          %add3A_532 = arith.constant 16 : i32
          %add3A_533 = arith.addi %add3A_515, %add3A_532 : i32
          %get3A_534 = arith.index_cast %add3A_533 : i32 to index
          %get3A_535 = tpu.vector_load %arg12[%get3A_534] {strides = array<i32>} : memref<16384xi32, #tpu.memory_space<vmem>>, vector<16xi32>,
          %get3A_536 = arith.index_cast %add3A_533 : i32 to index
          %get3A_537 = tpu.vector_load %arg13[%get3A_536] {strides = array<i32>} : memref<16384xf32, #tpu.memory_space<vmem>>, vector<16xf32>,
          %get3A_538 = arith.index_cast %add3A_533 : i32 to index
          %get3A_539 = tpu.vector_load %arg14[%get3A_538] {strides = array<i32>} : memref<16384xi32, #tpu.memory_space<vmem>>, vector<16xi32>,
          %broadcast_in_dim3A_540 = arith.constant 16 : i32
          %broadcast_in_dim3A_541 = vector.broadcast %broadcast_in_dim3A_540 : i32 to vector<16xi32>
          %add3A_542 = arith.addi %scan3A_511, %broadcast_in_dim3A_541 : vector<16xi32>
          %ge3A_543 = arith.cmpi sge, %add3A_542, %broadcast_in_dim3A_501 : vector<16xi32>
          %lt3A_544 = arith.cmpi slt, %add3A_542, %broadcast_in_dim3A_27 : vector<16xi32>
          %and3A_545 = arith.andi %ge3A_543, %lt3A_544 : vector<16xi1>
          %sub3A_546 = arith.subi %get3A_535, %broadcast_in_dim3A_22 : vector<16xi32>
          %select_n3A_547 = arith.select %and3A_545, %sub3A_546, %broadcast_in_dim3A_24 : vector<16xi1>, vector<16xi32>
          %gather3A_548 = tpu.vector_load_idx %arg9[%select_n3A_547] : memref<1584xf32, #tpu.memory_space<vmem>>[vector<16xi32>], vector<16xf32>,
          %sub3A_549 = arith.subf %gather3A_548, %get3A_537 : vector<16xf32>
          %gather3A_550 = tpu.vector_load_idx %arg15[%get3A_539] : memref<16xf32, #tpu.memory_space<vmem>>[vector<16xi32>], vector<16xf32>,
          %mul3A_551 = arith.mulf %gather3A_550, %sub3A_549 : vector<16xf32>
          %exp3A_552 = math.exp %mul3A_551 : vector<16xf32>
          %mul3A_553 = arith.muli %get3A_539, %broadcast_in_dim3A_26 : vector<16xi32>
          %add3A_554 = arith.addi %mul3A_553, %select_n3A_547 : vector<16xi32>
          tpu.vector_store_idx %arg10[%add3A_554], %exp3A_552 masked %and3A_545 {add = true} : memref<25344xf32, #tpu.memory_space<vmem>>[vector<16xi32>], vector<16xf32>, vector<16xi1>
          tpu.vector_store_idx %arg11[%add3A_554], %broadcast_in_dim3A_29 masked %and3A_545 {add = true} : memref<25344xf32, #tpu.memory_space<vmem>>[vector<16xi32>], vector<16xf32>, vector<16xi1>
          %add3A_555 = arith.constant 32 : i32
          %add3A_556 = arith.addi %add3A_515, %add3A_555 : i32
          %get3A_557 = arith.index_cast %add3A_556 : i32 to index
          %get3A_558 = tpu.vector_load %arg12[%get3A_557] {strides = array<i32>} : memref<16384xi32, #tpu.memory_space<vmem>>, vector<16xi32>,
          %get3A_559 = arith.index_cast %add3A_556 : i32 to index
          %get3A_560 = tpu.vector_load %arg13[%get3A_559] {strides = array<i32>} : memref<16384xf32, #tpu.memory_space<vmem>>, vector<16xf32>,
          %get3A_561 = arith.index_cast %add3A_556 : i32 to index
          %get3A_562 = tpu.vector_load %arg14[%get3A_561] {strides = array<i32>} : memref<16384xi32, #tpu.memory_space<vmem>>, vector<16xi32>,
          %broadcast_in_dim3A_563 = arith.constant 32 : i32
          %broadcast_in_dim3A_564 = vector.broadcast %broadcast_in_dim3A_563 : i32 to vector<16xi32>
          %add3A_565 = arith.addi %scan3A_511, %broadcast_in_dim3A_564 : vector<16xi32>
          %ge3A_566 = arith.cmpi sge, %add3A_565, %broadcast_in_dim3A_501 : vector<16xi32>
          %lt3A_567 = arith.cmpi slt, %add3A_565, %broadcast_in_dim3A_27 : vector<16xi32>
          %and3A_568 = arith.andi %ge3A_566, %lt3A_567 : vector<16xi1>
          %sub3A_569 = arith.subi %get3A_558, %broadcast_in_dim3A_22 : vector<16xi32>
          %select_n3A_570 = arith.select %and3A_568, %sub3A_569, %broadcast_in_dim3A_24 : vector<16xi1>, vector<16xi32>
          %gather3A_571 = tpu.vector_load_idx %arg9[%select_n3A_570] : memref<1584xf32, #tpu.memory_space<vmem>>[vector<16xi32>], vector<16xf32>,
          %sub3A_572 = arith.subf %gather3A_571, %get3A_560 : vector<16xf32>
          %gather3A_573 = tpu.vector_load_idx %arg15[%get3A_562] : memref<16xf32, #tpu.memory_space<vmem>>[vector<16xi32>], vector<16xf32>,
          %mul3A_574 = arith.mulf %gather3A_573, %sub3A_572 : vector<16xf32>
          %exp3A_575 = math.exp %mul3A_574 : vector<16xf32>
          %mul3A_576 = arith.muli %get3A_562, %broadcast_in_dim3A_26 : vector<16xi32>
          %add3A_577 = arith.addi %mul3A_576, %select_n3A_570 : vector<16xi32>
          tpu.vector_store_idx %arg10[%add3A_577], %exp3A_575 masked %and3A_568 {add = true} : memref<25344xf32, #tpu.memory_space<vmem>>[vector<16xi32>], vector<16xf32>, vector<16xi1>
          tpu.vector_store_idx %arg11[%add3A_577], %broadcast_in_dim3A_29 masked %and3A_568 {add = true} : memref<25344xf32, #tpu.memory_space<vmem>>[vector<16xi32>], vector<16xf32>, vector<16xi1>
          %add3A_578 = arith.constant 48 : i32
          %add3A_579 = arith.addi %add3A_515, %add3A_578 : i32
          %get3A_580 = arith.index_cast %add3A_579 : i32 to index
          %get3A_581 = tpu.vector_load %arg12[%get3A_580] {strides = array<i32>} : memref<16384xi32, #tpu.memory_space<vmem>>, vector<16xi32>,
          %get3A_582 = arith.index_cast %add3A_579 : i32 to index
          %get3A_583 = tpu.vector_load %arg13[%get3A_582] {strides = array<i32>} : memref<16384xf32, #tpu.memory_space<vmem>>, vector<16xf32>,
          %get3A_584 = arith.index_cast %add3A_579 : i32 to index
          %get3A_585 = tpu.vector_load %arg14[%get3A_584] {strides = array<i32>} : memref<16384xi32, #tpu.memory_space<vmem>>, vector<16xi32>,
          %broadcast_in_dim3A_586 = arith.constant 48 : i32
          %broadcast_in_dim3A_587 = vector.broadcast %broadcast_in_dim3A_586 : i32 to vector<16xi32>
          %add3A_588 = arith.addi %scan3A_511, %broadcast_in_dim3A_587 : vector<16xi32>
          %ge3A_589 = arith.cmpi sge, %add3A_588, %broadcast_in_dim3A_501 : vector<16xi32>
          %lt3A_590 = arith.cmpi slt, %add3A_588, %broadcast_in_dim3A_27 : vector<16xi32>
          %and3A_591 = arith.andi %ge3A_589, %lt3A_590 : vector<16xi1>
          %sub3A_592 = arith.subi %get3A_581, %broadcast_in_dim3A_22 : vector<16xi32>
          %select_n3A_593 = arith.select %and3A_591, %sub3A_592, %broadcast_in_dim3A_24 : vector<16xi1>, vector<16xi32>
          %gather3A_594 = tpu.vector_load_idx %arg9[%select_n3A_593] : memref<1584xf32, #tpu.memory_space<vmem>>[vector<16xi32>], vector<16xf32>,
          %sub3A_595 = arith.subf %gather3A_594, %get3A_583 : vector<16xf32>
          %gather3A_596 = tpu.vector_load_idx %arg15[%get3A_585] : memref<16xf32, #tpu.memory_space<vmem>>[vector<16xi32>], vector<16xf32>,
          %mul3A_597 = arith.mulf %gather3A_596, %sub3A_595 : vector<16xf32>
          %exp3A_598 = math.exp %mul3A_597 : vector<16xf32>
          %mul3A_599 = arith.muli %get3A_585, %broadcast_in_dim3A_26 : vector<16xi32>
          %add3A_600 = arith.addi %mul3A_599, %select_n3A_593 : vector<16xi32>
          tpu.vector_store_idx %arg10[%add3A_600], %exp3A_598 masked %and3A_591 {add = true} : memref<25344xf32, #tpu.memory_space<vmem>>[vector<16xi32>], vector<16xf32>, vector<16xi1>
          tpu.vector_store_idx %arg11[%add3A_600], %broadcast_in_dim3A_29 masked %and3A_591 {add = true} : memref<25344xf32, #tpu.memory_space<vmem>>[vector<16xi32>], vector<16xf32>, vector<16xi1>
          %add3A_601 = arith.addi %scan3A_511, %broadcast_in_dim3A_31 : vector<16xi32>
          scf.yield %add3A_601 : vector<16xi32>
        }
        %scan3A_509 = arith.constant 128 : i32
      } else {
      }
      %while3A_470 = arith.constant 0 : i32
      scf.yield %while3A_470 : i32
    }
    %while3A_47 = arith.constant 1 : i32
    %while3A_48 = scf.for %while3A_415 = %while3A_44 to %while3A_40 step %while3A_47 iter_args(%while3A_416 = %while3A_46) -> (i32)  : i32 {
      %shift_left3A = arith.constant 1 : i32
      %shift_left3A_417 = arith.shli %while3A_415, %shift_left3A : i32
      %add3A_418 = arith.constant 1 : i32
      %add3A_419 = arith.addi %shift_left3A_417, %add3A_418 : i32
      %lt3A = arith.cmpi slt, %add3A_419, %shift_right_logical3A_19 : i32
      %convert_element_type3A_420 = arith.extui %lt3A : i1 to i32
      %cond3A_421 = arith.constant 0 : i32
      %cond3A_422 = arith.cmpi ne, %convert_element_type3A_420, %cond3A_421 : i32
      scf.if %cond3A_422 {
        %shift_left3A_471 = arith.constant 13 : i32
        %shift_left3A_472 = arith.shli %add3A_419, %shift_left3A_471 : i32
        %add3A_473 = arith.addi %and3A_16, %shift_left3A_472 : i32
        %min3A_474 = arith.constant 1591808 : i32
        %min3A_475 = arith.minsi %add3A_473, %min3A_474 : i32
        %multiple_of3A = tpu.assume_multiple %min3A_475, 8 : i32
        %dma_start3A_476 = arith.constant 8192 : i32
        %dma_start3A_477 = tpu.memref_slice %arg12[%dma_start3A_476] : memref<16384xi32, #tpu.memory_space<vmem>> -> memref<8192xi32, #tpu.memory_space<vmem>>
        %dma_start3A_478 = tpu.memref_slice %arg4[%multiple_of3A] : memref<1600000xi32, #tpu.memory_space<hbm>> -> memref<8192xi32, #tpu.memory_space<hbm>>
        %dma_start3A_479 = arith.constant 8192 : i32
        %dma_start3A_480 = tpu.memref_slice %arg12[%dma_start3A_479] : memref<16384xi32, #tpu.memory_space<vmem>> -> memref<8192xi32, #tpu.memory_space<vmem>>
        %dma_start3A_481 = tpu.memref_slice %arg4[%multiple_of3A] : memref<1600000xi32, #tpu.memory_space<hbm>> -> memref<8192xi32, #tpu.memory_space<hbm>>
        tpu.enqueue_dma source(%dma_start3A_481 : memref<8192xi32, #tpu.memory_space<hbm>>) target(%dma_start3A_480 : memref<8192xi32, #tpu.memory_space<vmem>>) target_semaphore(%arg18 : memref<!tpu.dma_semaphore, #tpu.memory_space<semaphore_mem>>)
        %dma_start3A_482 = arith.constant 8192 : i32
        %dma_start3A_483 = tpu.memref_slice %arg13[%dma_start3A_482] : memref<16384xf32, #tpu.memory_space<vmem>> -> memref<8192xf32, #tpu.memory_space<vmem>>
        %dma_start3A_484 = tpu.memref_slice %arg2[%multiple_of3A] : memref<1600000xf32, #tpu.memory_space<hbm>> -> memref<8192xf32, #tpu.memory_space<hbm>>
        %dma_start3A_485 = arith.constant 8192 : i32
        %dma_start3A_486 = tpu.memref_slice %arg13[%dma_start3A_485] : memref<16384xf32, #tpu.memory_space<vmem>> -> memref<8192xf32, #tpu.memory_space<vmem>>
        %dma_start3A_487 = tpu.memref_slice %arg2[%multiple_of3A] : memref<1600000xf32, #tpu.memory_space<hbm>> -> memref<8192xf32, #tpu.memory_space<hbm>>
        tpu.enqueue_dma source(%dma_start3A_487 : memref<8192xf32, #tpu.memory_space<hbm>>) target(%dma_start3A_486 : memref<8192xf32, #tpu.memory_space<vmem>>) target_semaphore(%arg18 : memref<!tpu.dma_semaphore, #tpu.memory_space<semaphore_mem>>)
        %dma_start3A_488 = arith.constant 8192 : i32
        %dma_start3A_489 = tpu.memref_slice %arg14[%dma_start3A_488] : memref<16384xi32, #tpu.memory_space<vmem>> -> memref<8192xi32, #tpu.memory_space<vmem>>
        %dma_start3A_490 = tpu.memref_slice %arg5[%multiple_of3A] : memref<1600000xi32, #tpu.memory_space<hbm>> -> memref<8192xi32, #tpu.memory_space<hbm>>
        %dma_start3A_491 = arith.constant 8192 : i32
        %dma_start3A_492 = tpu.memref_slice %arg14[%dma_start3A_491] : memref<16384xi32, #tpu.memory_space<vmem>> -> memref<8192xi32, #tpu.memory_space<vmem>>
        %dma_start3A_493 = tpu.memref_slice %arg5[%multiple_of3A] : memref<1600000xi32, #tpu.memory_space<hbm>> -> memref<8192xi32, #tpu.memory_space<hbm>>
        tpu.enqueue_dma source(%dma_start3A_493 : memref<8192xi32, #tpu.memory_space<hbm>>) target(%dma_start3A_492 : memref<8192xi32, #tpu.memory_space<vmem>>) target_semaphore(%arg18 : memref<!tpu.dma_semaphore, #tpu.memory_space<semaphore_mem>>)
      } else {
      }
      %dma_wait3A_423 = arith.constant 0 : i32
      %dma_wait3A_424 = tpu.memref_slice %arg12[%dma_wait3A_423] : memref<16384xi32, #tpu.memory_space<vmem>> -> memref<8192xi32, #tpu.memory_space<vmem>>
      %dma_wait3A_425 = arith.constant 0 : i32
      %dma_wait3A_426 = tpu.memref_slice %arg4[%dma_wait3A_425] : memref<1600000xi32, #tpu.memory_space<hbm>> -> memref<8192xi32, #tpu.memory_space<hbm>>
      %dma_wait3A_427 = arith.constant 0 : i32
      %dma_wait3A_428 = tpu.memref_slice %arg12[%dma_wait3A_427] : memref<16384xi32, #tpu.memory_space<vmem>> -> memref<8192xi32, #tpu.memory_space<vmem>>
      %dma_wait3A_429 = arith.constant 0 : i32
      %dma_wait3A_430 = tpu.memref_slice %arg4[%dma_wait3A_429] : memref<1600000xi32, #tpu.memory_space<hbm>> -> memref<8192xi32, #tpu.memory_space<hbm>>
      tpu.wait_dma2 semaphore(%arg17 : memref<!tpu.dma_semaphore, #tpu.memory_space<semaphore_mem>>) src(%dma_wait3A_430 : memref<8192xi32, #tpu.memory_space<hbm>>) dst(%dma_wait3A_428 : memref<8192xi32, #tpu.memory_space<vmem>>)
      %dma_wait3A_431 = arith.constant 0 : i32
      %dma_wait3A_432 = tpu.memref_slice %arg13[%dma_wait3A_431] : memref<16384xf32, #tpu.memory_space<vmem>> -> memref<8192xf32, #tpu.memory_space<vmem>>
      %dma_wait3A_433 = arith.constant 0 : i32
      %dma_wait3A_434 = tpu.memref_slice %arg2[%dma_wait3A_433] : memref<1600000xf32, #tpu.memory_space<hbm>> -> memref<8192xf32, #tpu.memory_space<hbm>>
      %dma_wait3A_435 = arith.constant 0 : i32
      %dma_wait3A_436 = tpu.memref_slice %arg13[%dma_wait3A_435] : memref<16384xf32, #tpu.memory_space<vmem>> -> memref<8192xf32, #tpu.memory_space<vmem>>
      %dma_wait3A_437 = arith.constant 0 : i32
      %dma_wait3A_438 = tpu.memref_slice %arg2[%dma_wait3A_437] : memref<1600000xf32, #tpu.memory_space<hbm>> -> memref<8192xf32, #tpu.memory_space<hbm>>
      tpu.wait_dma2 semaphore(%arg17 : memref<!tpu.dma_semaphore, #tpu.memory_space<semaphore_mem>>) src(%dma_wait3A_438 : memref<8192xf32, #tpu.memory_space<hbm>>) dst(%dma_wait3A_436 : memref<8192xf32, #tpu.memory_space<vmem>>)
      %dma_wait3A_439 = arith.constant 0 : i32
      %dma_wait3A_440 = tpu.memref_slice %arg14[%dma_wait3A_439] : memref<16384xi32, #tpu.memory_space<vmem>> -> memref<8192xi32, #tpu.memory_space<vmem>>
      %dma_wait3A_441 = arith.constant 0 : i32
      %dma_wait3A_442 = tpu.memref_slice %arg5[%dma_wait3A_441] : memref<1600000xi32, #tpu.memory_space<hbm>> -> memref<8192xi32, #tpu.memory_space<hbm>>
      %dma_wait3A_443 = arith.constant 0 : i32
      %dma_wait3A_444 = tpu.memref_slice %arg14[%dma_wait3A_443] : memref<16384xi32, #tpu.memory_space<vmem>> -> memref<8192xi32, #tpu.memory_space<vmem>>
      %dma_wait3A_445 = arith.constant 0 : i32
      %dma_wait3A_446 = tpu.memref_slice %arg5[%dma_wait3A_445] : memref<1600000xi32, #tpu.memory_space<hbm>> -> memref<8192xi32, #tpu.memory_space<hbm>>
      tpu.wait_dma2 semaphore(%arg17 : memref<!tpu.dma_semaphore, #tpu.memory_space<semaphore_mem>>) src(%dma_wait3A_446 : memref<8192xi32, #tpu.memory_space<hbm>>) dst(%dma_wait3A_444 : memref<8192xi32, #tpu.memory_space<vmem>>)
      %shift_left3A_447 = arith.constant 13 : i32
      %shift_left3A_448 = arith.shli %shift_left3A_417, %shift_left3A_447 : i32
      %add3A_449 = arith.addi %and3A_16, %shift_left3A_448 : i32
      %min3A = arith.constant 1591808 : i32
      %min3A_450 = arith.minsi %add3A_449, %min3A : i32
      %max3A = arith.maxsi %squeeze3A, %add3A_449 : i32
      %broadcast_in_dim3A_451 = vector.broadcast %max3A : i32 to vector<16xi32>
      %broadcast_in_dim3A_452 = vector.broadcast %min3A_450 : i32 to vector<16xi32>
      %add3A_453 = arith.addi %broadcast_in_dim3A_452, %iota3A : vector<16xi32>
      %scan3A_454 = arith.constant 0 : i32
      %scan3A_455 = arith.constant 128 : i32
      %scan3A_456 = arith.addi %scan3A_454, %scan3A_455 : i32
      %scan3A_457 = arith.constant 1 : i32
      %scan3A_458 = scf.for %scan3A_471 = %scan3A_454 to %scan3A_456 step %scan3A_457 iter_args(%scan3A_472 = %add3A_453) -> (vector<16xi32>)  : i32 {
        %shift_left3A_473 = arith.constant 6 : i32
        %shift_left3A_474 = arith.shli %scan3A_471, %shift_left3A_473 : i32
        %add3A_475 = arith.constant 0 : i32
        %add3A_476 = arith.addi %add3A_475, %shift_left3A_474 : i32
        %add3A_477 = arith.constant 0 : i32
        %add3A_478 = arith.addi %add3A_476, %add3A_477 : i32
        %get3A_479 = arith.index_cast %add3A_478 : i32 to index
        %get3A_480 = tpu.vector_load %arg12[%get3A_479] {strides = array<i32>} : memref<16384xi32, #tpu.memory_space<vmem>>, vector<16xi32>,
        %get3A_481 = arith.index_cast %add3A_478 : i32 to index
        %get3A_482 = tpu.vector_load %arg13[%get3A_481] {strides = array<i32>} : memref<16384xf32, #tpu.memory_space<vmem>>, vector<16xf32>,
        %get3A_483 = arith.index_cast %add3A_478 : i32 to index
        %get3A_484 = tpu.vector_load %arg14[%get3A_483] {strides = array<i32>} : memref<16384xi32, #tpu.memory_space<vmem>>, vector<16xi32>,
        %ge3A = arith.cmpi sge, %scan3A_472, %broadcast_in_dim3A_451 : vector<16xi32>
        %lt3A_485 = arith.cmpi slt, %scan3A_472, %broadcast_in_dim3A_27 : vector<16xi32>
        %and3A_486 = arith.andi %ge3A, %lt3A_485 : vector<16xi1>
        %sub3A_487 = arith.subi %get3A_480, %broadcast_in_dim3A_22 : vector<16xi32>
        %select_n3A = arith.select %and3A_486, %sub3A_487, %broadcast_in_dim3A_24 : vector<16xi1>, vector<16xi32>
        %gather3A = tpu.vector_load_idx %arg9[%select_n3A] : memref<1584xf32, #tpu.memory_space<vmem>>[vector<16xi32>], vector<16xf32>,
        %sub3A_488 = arith.subf %gather3A, %get3A_482 : vector<16xf32>
        %gather3A_489 = tpu.vector_load_idx %arg15[%get3A_484] : memref<16xf32, #tpu.memory_space<vmem>>[vector<16xi32>], vector<16xf32>,
        %mul3A_490 = arith.mulf %gather3A_489, %sub3A_488 : vector<16xf32>
        %exp3A = math.exp %mul3A_490 : vector<16xf32>
        %mul3A_491 = arith.muli %get3A_484, %broadcast_in_dim3A_26 : vector<16xi32>
        %add3A_492 = arith.addi %mul3A_491, %select_n3A : vector<16xi32>
        tpu.vector_store_idx %arg10[%add3A_492], %exp3A masked %and3A_486 {add = true} : memref<25344xf32, #tpu.memory_space<vmem>>[vector<16xi32>], vector<16xf32>, vector<16xi1>
        tpu.vector_store_idx %arg11[%add3A_492], %broadcast_in_dim3A_29 masked %and3A_486 {add = true} : memref<25344xf32, #tpu.memory_space<vmem>>[vector<16xi32>], vector<16xf32>, vector<16xi1>
        %add3A_493 = arith.constant 16 : i32
        %add3A_494 = arith.addi %add3A_476, %add3A_493 : i32
        %get3A_495 = arith.index_cast %add3A_494 : i32 to index
        %get3A_496 = tpu.vector_load %arg12[%get3A_495] {strides = array<i32>} : memref<16384xi32, #tpu.memory_space<vmem>>, vector<16xi32>,
        %get3A_497 = arith.index_cast %add3A_494 : i32 to index
        %get3A_498 = tpu.vector_load %arg13[%get3A_497] {strides = array<i32>} : memref<16384xf32, #tpu.memory_space<vmem>>, vector<16xf32>,
        %get3A_499 = arith.index_cast %add3A_494 : i32 to index
        %get3A_500 = tpu.vector_load %arg14[%get3A_499] {strides = array<i32>} : memref<16384xi32, #tpu.memory_space<vmem>>, vector<16xi32>,
        %broadcast_in_dim3A_501 = arith.constant 16 : i32
        %broadcast_in_dim3A_502 = vector.broadcast %broadcast_in_dim3A_501 : i32 to vector<16xi32>
        %add3A_503 = arith.addi %scan3A_472, %broadcast_in_dim3A_502 : vector<16xi32>
        %ge3A_504 = arith.cmpi sge, %add3A_503, %broadcast_in_dim3A_451 : vector<16xi32>
        %lt3A_505 = arith.cmpi slt, %add3A_503, %broadcast_in_dim3A_27 : vector<16xi32>
        %and3A_506 = arith.andi %ge3A_504, %lt3A_505 : vector<16xi1>
        %sub3A_507 = arith.subi %get3A_496, %broadcast_in_dim3A_22 : vector<16xi32>
        %select_n3A_508 = arith.select %and3A_506, %sub3A_507, %broadcast_in_dim3A_24 : vector<16xi1>, vector<16xi32>
        %gather3A_509 = tpu.vector_load_idx %arg9[%select_n3A_508] : memref<1584xf32, #tpu.memory_space<vmem>>[vector<16xi32>], vector<16xf32>,
        %sub3A_510 = arith.subf %gather3A_509, %get3A_498 : vector<16xf32>
        %gather3A_511 = tpu.vector_load_idx %arg15[%get3A_500] : memref<16xf32, #tpu.memory_space<vmem>>[vector<16xi32>], vector<16xf32>,
        %mul3A_512 = arith.mulf %gather3A_511, %sub3A_510 : vector<16xf32>
        %exp3A_513 = math.exp %mul3A_512 : vector<16xf32>
        %mul3A_514 = arith.muli %get3A_500, %broadcast_in_dim3A_26 : vector<16xi32>
        %add3A_515 = arith.addi %mul3A_514, %select_n3A_508 : vector<16xi32>
        tpu.vector_store_idx %arg10[%add3A_515], %exp3A_513 masked %and3A_506 {add = true} : memref<25344xf32, #tpu.memory_space<vmem>>[vector<16xi32>], vector<16xf32>, vector<16xi1>
        tpu.vector_store_idx %arg11[%add3A_515], %broadcast_in_dim3A_29 masked %and3A_506 {add = true} : memref<25344xf32, #tpu.memory_space<vmem>>[vector<16xi32>], vector<16xf32>, vector<16xi1>
        %add3A_516 = arith.constant 32 : i32
        %add3A_517 = arith.addi %add3A_476, %add3A_516 : i32
        %get3A_518 = arith.index_cast %add3A_517 : i32 to index
        %get3A_519 = tpu.vector_load %arg12[%get3A_518] {strides = array<i32>} : memref<16384xi32, #tpu.memory_space<vmem>>, vector<16xi32>,
        %get3A_520 = arith.index_cast %add3A_517 : i32 to index
        %get3A_521 = tpu.vector_load %arg13[%get3A_520] {strides = array<i32>} : memref<16384xf32, #tpu.memory_space<vmem>>, vector<16xf32>,
        %get3A_522 = arith.index_cast %add3A_517 : i32 to index
        %get3A_523 = tpu.vector_load %arg14[%get3A_522] {strides = array<i32>} : memref<16384xi32, #tpu.memory_space<vmem>>, vector<16xi32>,
        %broadcast_in_dim3A_524 = arith.constant 32 : i32
        %broadcast_in_dim3A_525 = vector.broadcast %broadcast_in_dim3A_524 : i32 to vector<16xi32>
        %add3A_526 = arith.addi %scan3A_472, %broadcast_in_dim3A_525 : vector<16xi32>
        %ge3A_527 = arith.cmpi sge, %add3A_526, %broadcast_in_dim3A_451 : vector<16xi32>
        %lt3A_528 = arith.cmpi slt, %add3A_526, %broadcast_in_dim3A_27 : vector<16xi32>
        %and3A_529 = arith.andi %ge3A_527, %lt3A_528 : vector<16xi1>
        %sub3A_530 = arith.subi %get3A_519, %broadcast_in_dim3A_22 : vector<16xi32>
        %select_n3A_531 = arith.select %and3A_529, %sub3A_530, %broadcast_in_dim3A_24 : vector<16xi1>, vector<16xi32>
        %gather3A_532 = tpu.vector_load_idx %arg9[%select_n3A_531] : memref<1584xf32, #tpu.memory_space<vmem>>[vector<16xi32>], vector<16xf32>,
        %sub3A_533 = arith.subf %gather3A_532, %get3A_521 : vector<16xf32>
        %gather3A_534 = tpu.vector_load_idx %arg15[%get3A_523] : memref<16xf32, #tpu.memory_space<vmem>>[vector<16xi32>], vector<16xf32>,
        %mul3A_535 = arith.mulf %gather3A_534, %sub3A_533 : vector<16xf32>
        %exp3A_536 = math.exp %mul3A_535 : vector<16xf32>
        %mul3A_537 = arith.muli %get3A_523, %broadcast_in_dim3A_26 : vector<16xi32>
        %add3A_538 = arith.addi %mul3A_537, %select_n3A_531 : vector<16xi32>
        tpu.vector_store_idx %arg10[%add3A_538], %exp3A_536 masked %and3A_529 {add = true} : memref<25344xf32, #tpu.memory_space<vmem>>[vector<16xi32>], vector<16xf32>, vector<16xi1>
        tpu.vector_store_idx %arg11[%add3A_538], %broadcast_in_dim3A_29 masked %and3A_529 {add = true} : memref<25344xf32, #tpu.memory_space<vmem>>[vector<16xi32>], vector<16xf32>, vector<16xi1>
        %add3A_539 = arith.constant 48 : i32
        %add3A_540 = arith.addi %add3A_476, %add3A_539 : i32
        %get3A_541 = arith.index_cast %add3A_540 : i32 to index
        %get3A_542 = tpu.vector_load %arg12[%get3A_541] {strides = array<i32>} : memref<16384xi32, #tpu.memory_space<vmem>>, vector<16xi32>,
        %get3A_543 = arith.index_cast %add3A_540 : i32 to index
        %get3A_544 = tpu.vector_load %arg13[%get3A_543] {strides = array<i32>} : memref<16384xf32, #tpu.memory_space<vmem>>, vector<16xf32>,
        %get3A_545 = arith.index_cast %add3A_540 : i32 to index
        %get3A_546 = tpu.vector_load %arg14[%get3A_545] {strides = array<i32>} : memref<16384xi32, #tpu.memory_space<vmem>>, vector<16xi32>,
        %broadcast_in_dim3A_547 = arith.constant 48 : i32
        %broadcast_in_dim3A_548 = vector.broadcast %broadcast_in_dim3A_547 : i32 to vector<16xi32>
        %add3A_549 = arith.addi %scan3A_472, %broadcast_in_dim3A_548 : vector<16xi32>
        %ge3A_550 = arith.cmpi sge, %add3A_549, %broadcast_in_dim3A_451 : vector<16xi32>
        %lt3A_551 = arith.cmpi slt, %add3A_549, %broadcast_in_dim3A_27 : vector<16xi32>
        %and3A_552 = arith.andi %ge3A_550, %lt3A_551 : vector<16xi1>
        %sub3A_553 = arith.subi %get3A_542, %broadcast_in_dim3A_22 : vector<16xi32>
        %select_n3A_554 = arith.select %and3A_552, %sub3A_553, %broadcast_in_dim3A_24 : vector<16xi1>, vector<16xi32>
        %gather3A_555 = tpu.vector_load_idx %arg9[%select_n3A_554] : memref<1584xf32, #tpu.memory_space<vmem>>[vector<16xi32>], vector<16xf32>,
        %sub3A_556 = arith.subf %gather3A_555, %get3A_544 : vector<16xf32>
        %gather3A_557 = tpu.vector_load_idx %arg15[%get3A_546] : memref<16xf32, #tpu.memory_space<vmem>>[vector<16xi32>], vector<16xf32>,
        %mul3A_558 = arith.mulf %gather3A_557, %sub3A_556 : vector<16xf32>
        %exp3A_559 = math.exp %mul3A_558 : vector<16xf32>
        %mul3A_560 = arith.muli %get3A_546, %broadcast_in_dim3A_26 : vector<16xi32>
        %add3A_561 = arith.addi %mul3A_560, %select_n3A_554 : vector<16xi32>
        tpu.vector_store_idx %arg10[%add3A_561], %exp3A_559 masked %and3A_552 {add = true} : memref<25344xf32, #tpu.memory_space<vmem>>[vector<16xi32>], vector<16xf32>, vector<16xi1>
        tpu.vector_store_idx %arg11[%add3A_561], %broadcast_in_dim3A_29 masked %and3A_552 {add = true} : memref<25344xf32, #tpu.memory_space<vmem>>[vector<16xi32>], vector<16xf32>, vector<16xi1>
        %add3A_562 = arith.addi %scan3A_472, %broadcast_in_dim3A_31 : vector<16xi32>
        scf.yield %add3A_562 : vector<16xi32>
      }
      %scan3A_459 = arith.constant 128 : i32
      %add3A_460 = arith.constant 1 : i32
      %add3A_461 = arith.addi %add3A_419, %add3A_460 : i32
      %lt3A_462 = arith.cmpi slt, %add3A_461, %shift_right_logical3A_19 : i32
      %convert_element_type3A_463 = arith.extui %lt3A_462 : i1 to i32
      %cond3A_464 = arith.constant 0 : i32
      %cond3A_465 = arith.cmpi ne, %convert_element_type3A_463, %cond3A_464 : i32
      scf.if %cond3A_465 {
        %add3A_471 = arith.constant 1 : i32
        %add3A_472 = arith.addi %add3A_419, %add3A_471 : i32
        %shift_left3A_473 = arith.constant 13 : i32
        %shift_left3A_474 = arith.shli %add3A_472, %shift_left3A_473 : i32
        %add3A_475 = arith.addi %and3A_16, %shift_left3A_474 : i32
        %min3A_476 = arith.constant 1591808 : i32
        %min3A_477 = arith.minsi %add3A_475, %min3A_476 : i32
        %multiple_of3A = tpu.assume_multiple %min3A_477, 8 : i32
        %dma_start3A_478 = arith.constant 0 : i32
        %dma_start3A_479 = tpu.memref_slice %arg12[%dma_start3A_478] : memref<16384xi32, #tpu.memory_space<vmem>> -> memref<8192xi32, #tpu.memory_space<vmem>>
        %dma_start3A_480 = tpu.memref_slice %arg4[%multiple_of3A] : memref<1600000xi32, #tpu.memory_space<hbm>> -> memref<8192xi32, #tpu.memory_space<hbm>>
        %dma_start3A_481 = arith.constant 0 : i32
        %dma_start3A_482 = tpu.memref_slice %arg12[%dma_start3A_481] : memref<16384xi32, #tpu.memory_space<vmem>> -> memref<8192xi32, #tpu.memory_space<vmem>>
        %dma_start3A_483 = tpu.memref_slice %arg4[%multiple_of3A] : memref<1600000xi32, #tpu.memory_space<hbm>> -> memref<8192xi32, #tpu.memory_space<hbm>>
        tpu.enqueue_dma source(%dma_start3A_483 : memref<8192xi32, #tpu.memory_space<hbm>>) target(%dma_start3A_482 : memref<8192xi32, #tpu.memory_space<vmem>>) target_semaphore(%arg17 : memref<!tpu.dma_semaphore, #tpu.memory_space<semaphore_mem>>)
        %dma_start3A_484 = arith.constant 0 : i32
        %dma_start3A_485 = tpu.memref_slice %arg13[%dma_start3A_484] : memref<16384xf32, #tpu.memory_space<vmem>> -> memref<8192xf32, #tpu.memory_space<vmem>>
        %dma_start3A_486 = tpu.memref_slice %arg2[%multiple_of3A] : memref<1600000xf32, #tpu.memory_space<hbm>> -> memref<8192xf32, #tpu.memory_space<hbm>>
        %dma_start3A_487 = arith.constant 0 : i32
        %dma_start3A_488 = tpu.memref_slice %arg13[%dma_start3A_487] : memref<16384xf32, #tpu.memory_space<vmem>> -> memref<8192xf32, #tpu.memory_space<vmem>>
        %dma_start3A_489 = tpu.memref_slice %arg2[%multiple_of3A] : memref<1600000xf32, #tpu.memory_space<hbm>> -> memref<8192xf32, #tpu.memory_space<hbm>>
        tpu.enqueue_dma source(%dma_start3A_489 : memref<8192xf32, #tpu.memory_space<hbm>>) target(%dma_start3A_488 : memref<8192xf32, #tpu.memory_space<vmem>>) target_semaphore(%arg17 : memref<!tpu.dma_semaphore, #tpu.memory_space<semaphore_mem>>)
        %dma_start3A_490 = arith.constant 0 : i32
        %dma_start3A_491 = tpu.memref_slice %arg14[%dma_start3A_490] : memref<16384xi32, #tpu.memory_space<vmem>> -> memref<8192xi32, #tpu.memory_space<vmem>>
        %dma_start3A_492 = tpu.memref_slice %arg5[%multiple_of3A] : memref<1600000xi32, #tpu.memory_space<hbm>> -> memref<8192xi32, #tpu.memory_space<hbm>>
        %dma_start3A_493 = arith.constant 0 : i32
        %dma_start3A_494 = tpu.memref_slice %arg14[%dma_start3A_493] : memref<16384xi32, #tpu.memory_space<vmem>> -> memref<8192xi32, #tpu.memory_space<vmem>>
        %dma_start3A_495 = tpu.memref_slice %arg5[%multiple_of3A] : memref<1600000xi32, #tpu.memory_space<hbm>> -> memref<8192xi32, #tpu.memory_space<hbm>>
        tpu.enqueue_dma source(%dma_start3A_495 : memref<8192xi32, #tpu.memory_space<hbm>>) target(%dma_start3A_494 : memref<8192xi32, #tpu.memory_space<vmem>>) target_semaphore(%arg17 : memref<!tpu.dma_semaphore, #tpu.memory_space<semaphore_mem>>)
      } else {
      }
      %lt3A_466 = arith.cmpi slt, %add3A_419, %shift_right_logical3A_19 : i32
      %convert_element_type3A_467 = arith.extui %lt3A_466 : i1 to i32
      %cond3A_468 = arith.constant 0 : i32
      %cond3A_469 = arith.cmpi ne, %convert_element_type3A_467, %cond3A_468 : i32
      scf.if %cond3A_469 {
        %dma_wait3A_471 = arith.constant 8192 : i32
        %dma_wait3A_472 = tpu.memref_slice %arg12[%dma_wait3A_471] : memref<16384xi32, #tpu.memory_space<vmem>> -> memref<8192xi32, #tpu.memory_space<vmem>>
        %dma_wait3A_473 = arith.constant 0 : i32
        %dma_wait3A_474 = tpu.memref_slice %arg4[%dma_wait3A_473] : memref<1600000xi32, #tpu.memory_space<hbm>> -> memref<8192xi32, #tpu.memory_space<hbm>>
        %dma_wait3A_475 = arith.constant 8192 : i32
        %dma_wait3A_476 = tpu.memref_slice %arg12[%dma_wait3A_475] : memref<16384xi32, #tpu.memory_space<vmem>> -> memref<8192xi32, #tpu.memory_space<vmem>>
        %dma_wait3A_477 = arith.constant 0 : i32
        %dma_wait3A_478 = tpu.memref_slice %arg4[%dma_wait3A_477] : memref<1600000xi32, #tpu.memory_space<hbm>> -> memref<8192xi32, #tpu.memory_space<hbm>>
        tpu.wait_dma2 semaphore(%arg18 : memref<!tpu.dma_semaphore, #tpu.memory_space<semaphore_mem>>) src(%dma_wait3A_478 : memref<8192xi32, #tpu.memory_space<hbm>>) dst(%dma_wait3A_476 : memref<8192xi32, #tpu.memory_space<vmem>>)
        %dma_wait3A_479 = arith.constant 8192 : i32
        %dma_wait3A_480 = tpu.memref_slice %arg13[%dma_wait3A_479] : memref<16384xf32, #tpu.memory_space<vmem>> -> memref<8192xf32, #tpu.memory_space<vmem>>
        %dma_wait3A_481 = arith.constant 0 : i32
        %dma_wait3A_482 = tpu.memref_slice %arg2[%dma_wait3A_481] : memref<1600000xf32, #tpu.memory_space<hbm>> -> memref<8192xf32, #tpu.memory_space<hbm>>
        %dma_wait3A_483 = arith.constant 8192 : i32
        %dma_wait3A_484 = tpu.memref_slice %arg13[%dma_wait3A_483] : memref<16384xf32, #tpu.memory_space<vmem>> -> memref<8192xf32, #tpu.memory_space<vmem>>
        %dma_wait3A_485 = arith.constant 0 : i32
        %dma_wait3A_486 = tpu.memref_slice %arg2[%dma_wait3A_485] : memref<1600000xf32, #tpu.memory_space<hbm>> -> memref<8192xf32, #tpu.memory_space<hbm>>
        tpu.wait_dma2 semaphore(%arg18 : memref<!tpu.dma_semaphore, #tpu.memory_space<semaphore_mem>>) src(%dma_wait3A_486 : memref<8192xf32, #tpu.memory_space<hbm>>) dst(%dma_wait3A_484 : memref<8192xf32, #tpu.memory_space<vmem>>)
        %dma_wait3A_487 = arith.constant 8192 : i32
        %dma_wait3A_488 = tpu.memref_slice %arg14[%dma_wait3A_487] : memref<16384xi32, #tpu.memory_space<vmem>> -> memref<8192xi32, #tpu.memory_space<vmem>>
        %dma_wait3A_489 = arith.constant 0 : i32
        %dma_wait3A_490 = tpu.memref_slice %arg5[%dma_wait3A_489] : memref<1600000xi32, #tpu.memory_space<hbm>> -> memref<8192xi32, #tpu.memory_space<hbm>>
        %dma_wait3A_491 = arith.constant 8192 : i32
        %dma_wait3A_492 = tpu.memref_slice %arg14[%dma_wait3A_491] : memref<16384xi32, #tpu.memory_space<vmem>> -> memref<8192xi32, #tpu.memory_space<vmem>>
        %dma_wait3A_493 = arith.constant 0 : i32
        %dma_wait3A_494 = tpu.memref_slice %arg5[%dma_wait3A_493] : memref<1600000xi32, #tpu.memory_space<hbm>> -> memref<8192xi32, #tpu.memory_space<hbm>>
        tpu.wait_dma2 semaphore(%arg18 : memref<!tpu.dma_semaphore, #tpu.memory_space<semaphore_mem>>) src(%dma_wait3A_494 : memref<8192xi32, #tpu.memory_space<hbm>>) dst(%dma_wait3A_492 : memref<8192xi32, #tpu.memory_space<vmem>>)
        %shift_left3A_495 = arith.constant 13 : i32
        %shift_left3A_496 = arith.shli %add3A_419, %shift_left3A_495 : i32
        %add3A_497 = arith.addi %and3A_16, %shift_left3A_496 : i32
        %min3A_498 = arith.constant 1591808 : i32
        %min3A_499 = arith.minsi %add3A_497, %min3A_498 : i32
        %max3A_500 = arith.maxsi %squeeze3A, %add3A_497 : i32
        %broadcast_in_dim3A_501 = vector.broadcast %max3A_500 : i32 to vector<16xi32>
        %broadcast_in_dim3A_502 = vector.broadcast %min3A_499 : i32 to vector<16xi32>
        %add3A_503 = arith.addi %broadcast_in_dim3A_502, %iota3A : vector<16xi32>
        %scan3A_504 = arith.constant 0 : i32
        %scan3A_505 = arith.constant 128 : i32
        %scan3A_506 = arith.addi %scan3A_504, %scan3A_505 : i32
        %scan3A_507 = arith.constant 1 : i32
        %scan3A_508 = scf.for %scan3A_510 = %scan3A_504 to %scan3A_506 step %scan3A_507 iter_args(%scan3A_511 = %add3A_503) -> (vector<16xi32>)  : i32 {
          %shift_left3A_512 = arith.constant 6 : i32
          %shift_left3A_513 = arith.shli %scan3A_510, %shift_left3A_512 : i32
          %add3A_514 = arith.constant 8192 : i32
          %add3A_515 = arith.addi %add3A_514, %shift_left3A_513 : i32
          %add3A_516 = arith.constant 0 : i32
          %add3A_517 = arith.addi %add3A_515, %add3A_516 : i32
          %get3A_518 = arith.index_cast %add3A_517 : i32 to index
          %get3A_519 = tpu.vector_load %arg12[%get3A_518] {strides = array<i32>} : memref<16384xi32, #tpu.memory_space<vmem>>, vector<16xi32>,
          %get3A_520 = arith.index_cast %add3A_517 : i32 to index
          %get3A_521 = tpu.vector_load %arg13[%get3A_520] {strides = array<i32>} : memref<16384xf32, #tpu.memory_space<vmem>>, vector<16xf32>,
          %get3A_522 = arith.index_cast %add3A_517 : i32 to index
          %get3A_523 = tpu.vector_load %arg14[%get3A_522] {strides = array<i32>} : memref<16384xi32, #tpu.memory_space<vmem>>, vector<16xi32>,
          %ge3A = arith.cmpi sge, %scan3A_511, %broadcast_in_dim3A_501 : vector<16xi32>
          %lt3A_524 = arith.cmpi slt, %scan3A_511, %broadcast_in_dim3A_27 : vector<16xi32>
          %and3A_525 = arith.andi %ge3A, %lt3A_524 : vector<16xi1>
          %sub3A_526 = arith.subi %get3A_519, %broadcast_in_dim3A_22 : vector<16xi32>
          %select_n3A = arith.select %and3A_525, %sub3A_526, %broadcast_in_dim3A_24 : vector<16xi1>, vector<16xi32>
          %gather3A = tpu.vector_load_idx %arg9[%select_n3A] : memref<1584xf32, #tpu.memory_space<vmem>>[vector<16xi32>], vector<16xf32>,
          %sub3A_527 = arith.subf %gather3A, %get3A_521 : vector<16xf32>
          %gather3A_528 = tpu.vector_load_idx %arg15[%get3A_523] : memref<16xf32, #tpu.memory_space<vmem>>[vector<16xi32>], vector<16xf32>,
          %mul3A_529 = arith.mulf %gather3A_528, %sub3A_527 : vector<16xf32>
          %exp3A = math.exp %mul3A_529 : vector<16xf32>
          %mul3A_530 = arith.muli %get3A_523, %broadcast_in_dim3A_26 : vector<16xi32>
          %add3A_531 = arith.addi %mul3A_530, %select_n3A : vector<16xi32>
          tpu.vector_store_idx %arg10[%add3A_531], %exp3A masked %and3A_525 {add = true} : memref<25344xf32, #tpu.memory_space<vmem>>[vector<16xi32>], vector<16xf32>, vector<16xi1>
          tpu.vector_store_idx %arg11[%add3A_531], %broadcast_in_dim3A_29 masked %and3A_525 {add = true} : memref<25344xf32, #tpu.memory_space<vmem>>[vector<16xi32>], vector<16xf32>, vector<16xi1>
          %add3A_532 = arith.constant 16 : i32
          %add3A_533 = arith.addi %add3A_515, %add3A_532 : i32
          %get3A_534 = arith.index_cast %add3A_533 : i32 to index
          %get3A_535 = tpu.vector_load %arg12[%get3A_534] {strides = array<i32>} : memref<16384xi32, #tpu.memory_space<vmem>>, vector<16xi32>,
          %get3A_536 = arith.index_cast %add3A_533 : i32 to index
          %get3A_537 = tpu.vector_load %arg13[%get3A_536] {strides = array<i32>} : memref<16384xf32, #tpu.memory_space<vmem>>, vector<16xf32>,
          %get3A_538 = arith.index_cast %add3A_533 : i32 to index
          %get3A_539 = tpu.vector_load %arg14[%get3A_538] {strides = array<i32>} : memref<16384xi32, #tpu.memory_space<vmem>>, vector<16xi32>,
          %broadcast_in_dim3A_540 = arith.constant 16 : i32
          %broadcast_in_dim3A_541 = vector.broadcast %broadcast_in_dim3A_540 : i32 to vector<16xi32>
          %add3A_542 = arith.addi %scan3A_511, %broadcast_in_dim3A_541 : vector<16xi32>
          %ge3A_543 = arith.cmpi sge, %add3A_542, %broadcast_in_dim3A_501 : vector<16xi32>
          %lt3A_544 = arith.cmpi slt, %add3A_542, %broadcast_in_dim3A_27 : vector<16xi32>
          %and3A_545 = arith.andi %ge3A_543, %lt3A_544 : vector<16xi1>
          %sub3A_546 = arith.subi %get3A_535, %broadcast_in_dim3A_22 : vector<16xi32>
          %select_n3A_547 = arith.select %and3A_545, %sub3A_546, %broadcast_in_dim3A_24 : vector<16xi1>, vector<16xi32>
          %gather3A_548 = tpu.vector_load_idx %arg9[%select_n3A_547] : memref<1584xf32, #tpu.memory_space<vmem>>[vector<16xi32>], vector<16xf32>,
          %sub3A_549 = arith.subf %gather3A_548, %get3A_537 : vector<16xf32>
          %gather3A_550 = tpu.vector_load_idx %arg15[%get3A_539] : memref<16xf32, #tpu.memory_space<vmem>>[vector<16xi32>], vector<16xf32>,
          %mul3A_551 = arith.mulf %gather3A_550, %sub3A_549 : vector<16xf32>
          %exp3A_552 = math.exp %mul3A_551 : vector<16xf32>
          %mul3A_553 = arith.muli %get3A_539, %broadcast_in_dim3A_26 : vector<16xi32>
          %add3A_554 = arith.addi %mul3A_553, %select_n3A_547 : vector<16xi32>
          tpu.vector_store_idx %arg10[%add3A_554], %exp3A_552 masked %and3A_545 {add = true} : memref<25344xf32, #tpu.memory_space<vmem>>[vector<16xi32>], vector<16xf32>, vector<16xi1>
          tpu.vector_store_idx %arg11[%add3A_554], %broadcast_in_dim3A_29 masked %and3A_545 {add = true} : memref<25344xf32, #tpu.memory_space<vmem>>[vector<16xi32>], vector<16xf32>, vector<16xi1>
          %add3A_555 = arith.constant 32 : i32
          %add3A_556 = arith.addi %add3A_515, %add3A_555 : i32
          %get3A_557 = arith.index_cast %add3A_556 : i32 to index
          %get3A_558 = tpu.vector_load %arg12[%get3A_557] {strides = array<i32>} : memref<16384xi32, #tpu.memory_space<vmem>>, vector<16xi32>,
          %get3A_559 = arith.index_cast %add3A_556 : i32 to index
          %get3A_560 = tpu.vector_load %arg13[%get3A_559] {strides = array<i32>} : memref<16384xf32, #tpu.memory_space<vmem>>, vector<16xf32>,
          %get3A_561 = arith.index_cast %add3A_556 : i32 to index
          %get3A_562 = tpu.vector_load %arg14[%get3A_561] {strides = array<i32>} : memref<16384xi32, #tpu.memory_space<vmem>>, vector<16xi32>,
          %broadcast_in_dim3A_563 = arith.constant 32 : i32
          %broadcast_in_dim3A_564 = vector.broadcast %broadcast_in_dim3A_563 : i32 to vector<16xi32>
          %add3A_565 = arith.addi %scan3A_511, %broadcast_in_dim3A_564 : vector<16xi32>
          %ge3A_566 = arith.cmpi sge, %add3A_565, %broadcast_in_dim3A_501 : vector<16xi32>
          %lt3A_567 = arith.cmpi slt, %add3A_565, %broadcast_in_dim3A_27 : vector<16xi32>
          %and3A_568 = arith.andi %ge3A_566, %lt3A_567 : vector<16xi1>
          %sub3A_569 = arith.subi %get3A_558, %broadcast_in_dim3A_22 : vector<16xi32>
          %select_n3A_570 = arith.select %and3A_568, %sub3A_569, %broadcast_in_dim3A_24 : vector<16xi1>, vector<16xi32>
          %gather3A_571 = tpu.vector_load_idx %arg9[%select_n3A_570] : memref<1584xf32, #tpu.memory_space<vmem>>[vector<16xi32>], vector<16xf32>,
          %sub3A_572 = arith.subf %gather3A_571, %get3A_560 : vector<16xf32>
          %gather3A_573 = tpu.vector_load_idx %arg15[%get3A_562] : memref<16xf32, #tpu.memory_space<vmem>>[vector<16xi32>], vector<16xf32>,
          %mul3A_574 = arith.mulf %gather3A_573, %sub3A_572 : vector<16xf32>
          %exp3A_575 = math.exp %mul3A_574 : vector<16xf32>
          %mul3A_576 = arith.muli %get3A_562, %broadcast_in_dim3A_26 : vector<16xi32>
          %add3A_577 = arith.addi %mul3A_576, %select_n3A_570 : vector<16xi32>
          tpu.vector_store_idx %arg10[%add3A_577], %exp3A_575 masked %and3A_568 {add = true} : memref<25344xf32, #tpu.memory_space<vmem>>[vector<16xi32>], vector<16xf32>, vector<16xi1>
          tpu.vector_store_idx %arg11[%add3A_577], %broadcast_in_dim3A_29 masked %and3A_568 {add = true} : memref<25344xf32, #tpu.memory_space<vmem>>[vector<16xi32>], vector<16xf32>, vector<16xi1>
          %add3A_578 = arith.constant 48 : i32
          %add3A_579 = arith.addi %add3A_515, %add3A_578 : i32
          %get3A_580 = arith.index_cast %add3A_579 : i32 to index
          %get3A_581 = tpu.vector_load %arg12[%get3A_580] {strides = array<i32>} : memref<16384xi32, #tpu.memory_space<vmem>>, vector<16xi32>,
          %get3A_582 = arith.index_cast %add3A_579 : i32 to index
          %get3A_583 = tpu.vector_load %arg13[%get3A_582] {strides = array<i32>} : memref<16384xf32, #tpu.memory_space<vmem>>, vector<16xf32>,
          %get3A_584 = arith.index_cast %add3A_579 : i32 to index
          %get3A_585 = tpu.vector_load %arg14[%get3A_584] {strides = array<i32>} : memref<16384xi32, #tpu.memory_space<vmem>>, vector<16xi32>,
          %broadcast_in_dim3A_586 = arith.constant 48 : i32
          %broadcast_in_dim3A_587 = vector.broadcast %broadcast_in_dim3A_586 : i32 to vector<16xi32>
          %add3A_588 = arith.addi %scan3A_511, %broadcast_in_dim3A_587 : vector<16xi32>
          %ge3A_589 = arith.cmpi sge, %add3A_588, %broadcast_in_dim3A_501 : vector<16xi32>
          %lt3A_590 = arith.cmpi slt, %add3A_588, %broadcast_in_dim3A_27 : vector<16xi32>
          %and3A_591 = arith.andi %ge3A_589, %lt3A_590 : vector<16xi1>
          %sub3A_592 = arith.subi %get3A_581, %broadcast_in_dim3A_22 : vector<16xi32>
          %select_n3A_593 = arith.select %and3A_591, %sub3A_592, %broadcast_in_dim3A_24 : vector<16xi1>, vector<16xi32>
          %gather3A_594 = tpu.vector_load_idx %arg9[%select_n3A_593] : memref<1584xf32, #tpu.memory_space<vmem>>[vector<16xi32>], vector<16xf32>,
          %sub3A_595 = arith.subf %gather3A_594, %get3A_583 : vector<16xf32>
          %gather3A_596 = tpu.vector_load_idx %arg15[%get3A_585] : memref<16xf32, #tpu.memory_space<vmem>>[vector<16xi32>], vector<16xf32>,
          %mul3A_597 = arith.mulf %gather3A_596, %sub3A_595 : vector<16xf32>
          %exp3A_598 = math.exp %mul3A_597 : vector<16xf32>
          %mul3A_599 = arith.muli %get3A_585, %broadcast_in_dim3A_26 : vector<16xi32>
          %add3A_600 = arith.addi %mul3A_599, %select_n3A_593 : vector<16xi32>
          tpu.vector_store_idx %arg10[%add3A_600], %exp3A_598 masked %and3A_591 {add = true} : memref<25344xf32, #tpu.memory_space<vmem>>[vector<16xi32>], vector<16xf32>, vector<16xi1>
          tpu.vector_store_idx %arg11[%add3A_600], %broadcast_in_dim3A_29 masked %and3A_591 {add = true} : memref<25344xf32, #tpu.memory_space<vmem>>[vector<16xi32>], vector<16xf32>, vector<16xi1>
          %add3A_601 = arith.addi %scan3A_511, %broadcast_in_dim3A_31 : vector<16xi32>
          scf.yield %add3A_601 : vector<16xi32>
        }
        %scan3A_509 = arith.constant 128 : i32
      } else {
      }
      %while3A_470 = arith.constant 0 : i32
      scf.yield %while3A_470 : i32
    }
    %scan3A_49 = arith.constant 0 : i32
    %scan3A_50 = arith.constant 0 : i32
    %scan3A_51 = arith.constant 49 : i32
    %scan3A_52 = arith.addi %scan3A_50, %scan3A_51 : i32
    %scan3A_53 = arith.constant 1 : i32
    %scan3A_54 = scf.for %scan3A_415 = %scan3A_50 to %scan3A_52 step %scan3A_53 iter_args(%scan3A_416 = %scan3A_49) -> (i32)  : i32 {
      %mul3A_417 = arith.constant 32 : i32
      %mul3A_418 = arith.muli %scan3A_415, %mul3A_417 : i32
      %add3A_419 = arith.constant 0 : i32
      %add3A_420 = arith.addi %add3A_419, %mul3A_418 : i32
      %add3A_421 = arith.constant 0 : i32
      %add3A_422 = arith.addi %add3A_420, %add3A_421 : i32
      %get3A_423 = arith.index_cast %add3A_422 : i32 to index
      %get3A_424 = tpu.vector_load %arg10[%get3A_423] {strides = array<i32>} : memref<25344xf32, #tpu.memory_space<vmem>>, vector<16xf32>,
      %get3A_425 = arith.index_cast %add3A_422 : i32 to index
      %get3A_426 = tpu.vector_load %arg11[%get3A_425] {strides = array<i32>} : memref<25344xf32, #tpu.memory_space<vmem>>, vector<16xf32>,
      %max3A = arith.maximumf %get3A_426, %broadcast_in_dim3A_29 : vector<16xf32>
      %div3A = arith.divf %get3A_424, %max3A : vector<16xf32>
      %swap3A_427 = arith.index_cast %add3A_422 : i32 to index
      %swap3A_428 = tpu.vector_load %arg10[%swap3A_427] {strides = array<i32>} : memref<25344xf32, #tpu.memory_space<vmem>>, vector<16xf32>,
      tpu.vector_store %arg10[%swap3A_427], %div3A {strides = array<i32>} : memref<25344xf32, #tpu.memory_space<vmem>>, vector<16xf32>,
      %add3A_429 = arith.constant 16 : i32
      %add3A_430 = arith.addi %add3A_420, %add3A_429 : i32
      %get3A_431 = arith.index_cast %add3A_430 : i32 to index
      %get3A_432 = tpu.vector_load %arg10[%get3A_431] {strides = array<i32>} : memref<25344xf32, #tpu.memory_space<vmem>>, vector<16xf32>,
      %get3A_433 = arith.index_cast %add3A_430 : i32 to index
      %get3A_434 = tpu.vector_load %arg11[%get3A_433] {strides = array<i32>} : memref<25344xf32, #tpu.memory_space<vmem>>, vector<16xf32>,
      %max3A_435 = arith.maximumf %get3A_434, %broadcast_in_dim3A_29 : vector<16xf32>
      %div3A_436 = arith.divf %get3A_432, %max3A_435 : vector<16xf32>
      %swap3A_437 = arith.index_cast %add3A_430 : i32 to index
      %swap3A_438 = tpu.vector_load %arg10[%swap3A_437] {strides = array<i32>} : memref<25344xf32, #tpu.memory_space<vmem>>, vector<16xf32>,
      tpu.vector_store %arg10[%swap3A_437], %div3A_436 {strides = array<i32>} : memref<25344xf32, #tpu.memory_space<vmem>>, vector<16xf32>,
      %scan3A_439 = arith.constant 0 : i32
      scf.yield %scan3A_439 : i32
    }
    %scan3A_55 = arith.constant 49 : i32
    %add3A_56 = arith.constant 0 : i32
    %add3A_57 = arith.addi %add3A_56, %mul3A_2 : i32
    %dma_start3A = arith.constant 0 : i32
    %dma_start3A_58 = tpu.memref_slice %arg10[%dma_start3A] : memref<25344xf32, #tpu.memory_space<vmem>> -> memref<1568xf32, #tpu.memory_space<vmem>>
    %dma_start3A_59 = tpu.memref_slice %arg8[%add3A_57] : memref<802816xf32, #tpu.memory_space<hbm>> -> memref<1568xf32, #tpu.memory_space<hbm>>
    %dma_start3A_60 = tpu.memref_slice %arg8[%add3A_57] : memref<802816xf32, #tpu.memory_space<hbm>> -> memref<1568xf32, #tpu.memory_space<hbm>>
    %dma_start3A_61 = arith.constant 0 : i32
    %dma_start3A_62 = tpu.memref_slice %arg10[%dma_start3A_61] : memref<25344xf32, #tpu.memory_space<vmem>> -> memref<1568xf32, #tpu.memory_space<vmem>>
    tpu.enqueue_dma source(%dma_start3A_62 : memref<1568xf32, #tpu.memory_space<vmem>>) target(%dma_start3A_60 : memref<1568xf32, #tpu.memory_space<hbm>>) target_semaphore(%arg17 : memref<!tpu.dma_semaphore, #tpu.memory_space<semaphore_mem>>)
    %scan3A_63 = arith.constant 0 : i32
    %scan3A_64 = arith.constant 0 : i32
    %scan3A_65 = arith.constant 49 : i32
    %scan3A_66 = arith.addi %scan3A_64, %scan3A_65 : i32
    %scan3A_67 = arith.constant 1 : i32
    %scan3A_68 = scf.for %scan3A_415 = %scan3A_64 to %scan3A_66 step %scan3A_67 iter_args(%scan3A_416 = %scan3A_63) -> (i32)  : i32 {
      %mul3A_417 = arith.constant 32 : i32
      %mul3A_418 = arith.muli %scan3A_415, %mul3A_417 : i32
      %add3A_419 = arith.constant 1584 : i32
      %add3A_420 = arith.addi %add3A_419, %mul3A_418 : i32
      %add3A_421 = arith.constant 0 : i32
      %add3A_422 = arith.addi %add3A_420, %add3A_421 : i32
      %get3A_423 = arith.index_cast %add3A_422 : i32 to index
      %get3A_424 = tpu.vector_load %arg10[%get3A_423] {strides = array<i32>} : memref<25344xf32, #tpu.memory_space<vmem>>, vector<16xf32>,
      %get3A_425 = arith.index_cast %add3A_422 : i32 to index
      %get3A_426 = tpu.vector_load %arg11[%get3A_425] {strides = array<i32>} : memref<25344xf32, #tpu.memory_space<vmem>>, vector<16xf32>,
      %max3A = arith.maximumf %get3A_426, %broadcast_in_dim3A_29 : vector<16xf32>
      %div3A = arith.divf %get3A_424, %max3A : vector<16xf32>
      %swap3A_427 = arith.index_cast %add3A_422 : i32 to index
      %swap3A_428 = tpu.vector_load %arg10[%swap3A_427] {strides = array<i32>} : memref<25344xf32, #tpu.memory_space<vmem>>, vector<16xf32>,
      tpu.vector_store %arg10[%swap3A_427], %div3A {strides = array<i32>} : memref<25344xf32, #tpu.memory_space<vmem>>, vector<16xf32>,
      %add3A_429 = arith.constant 16 : i32
      %add3A_430 = arith.addi %add3A_420, %add3A_429 : i32
      %get3A_431 = arith.index_cast %add3A_430 : i32 to index
      %get3A_432 = tpu.vector_load %arg10[%get3A_431] {strides = array<i32>} : memref<25344xf32, #tpu.memory_space<vmem>>, vector<16xf32>,
      %get3A_433 = arith.index_cast %add3A_430 : i32 to index
      %get3A_434 = tpu.vector_load %arg11[%get3A_433] {strides = array<i32>} : memref<25344xf32, #tpu.memory_space<vmem>>, vector<16xf32>,
      %max3A_435 = arith.maximumf %get3A_434, %broadcast_in_dim3A_29 : vector<16xf32>
      %div3A_436 = arith.divf %get3A_432, %max3A_435 : vector<16xf32>
      %swap3A_437 = arith.index_cast %add3A_430 : i32 to index
      %swap3A_438 = tpu.vector_load %arg10[%swap3A_437] {strides = array<i32>} : memref<25344xf32, #tpu.memory_space<vmem>>, vector<16xf32>,
      tpu.vector_store %arg10[%swap3A_437], %div3A_436 {strides = array<i32>} : memref<25344xf32, #tpu.memory_space<vmem>>, vector<16xf32>,
      %scan3A_439 = arith.constant 0 : i32
      scf.yield %scan3A_439 : i32
    }
    %scan3A_69 = arith.constant 49 : i32
    %add3A_70 = arith.constant 50176 : i32
    %add3A_71 = arith.addi %add3A_70, %mul3A_2 : i32
    %dma_start3A_72 = arith.constant 1584 : i32
    %dma_start3A_73 = tpu.memref_slice %arg10[%dma_start3A_72] : memref<25344xf32, #tpu.memory_space<vmem>> -> memref<1568xf32, #tpu.memory_space<vmem>>
    %dma_start3A_74 = tpu.memref_slice %arg8[%add3A_71] : memref<802816xf32, #tpu.memory_space<hbm>> -> memref<1568xf32, #tpu.memory_space<hbm>>
    %dma_start3A_75 = tpu.memref_slice %arg8[%add3A_71] : memref<802816xf32, #tpu.memory_space<hbm>> -> memref<1568xf32, #tpu.memory_space<hbm>>
    %dma_start3A_76 = arith.constant 1584 : i32
    %dma_start3A_77 = tpu.memref_slice %arg10[%dma_start3A_76] : memref<25344xf32, #tpu.memory_space<vmem>> -> memref<1568xf32, #tpu.memory_space<vmem>>
    tpu.enqueue_dma source(%dma_start3A_77 : memref<1568xf32, #tpu.memory_space<vmem>>) target(%dma_start3A_75 : memref<1568xf32, #tpu.memory_space<hbm>>) target_semaphore(%arg17 : memref<!tpu.dma_semaphore, #tpu.memory_space<semaphore_mem>>)
    %scan3A_78 = arith.constant 0 : i32
    %scan3A_79 = arith.constant 0 : i32
    %scan3A_80 = arith.constant 49 : i32
    %scan3A_81 = arith.addi %scan3A_79, %scan3A_80 : i32
    %scan3A_82 = arith.constant 1 : i32
    %scan3A_83 = scf.for %scan3A_415 = %scan3A_79 to %scan3A_81 step %scan3A_82 iter_args(%scan3A_416 = %scan3A_78) -> (i32)  : i32 {
      %mul3A_417 = arith.constant 32 : i32
      %mul3A_418 = arith.muli %scan3A_415, %mul3A_417 : i32
      %add3A_419 = arith.constant 3168 : i32
      %add3A_420 = arith.addi %add3A_419, %mul3A_418 : i32
      %add3A_421 = arith.constant 0 : i32
      %add3A_422 = arith.addi %add3A_420, %add3A_421 : i32
      %get3A_423 = arith.index_cast %add3A_422 : i32 to index
      %get3A_424 = tpu.vector_load %arg10[%get3A_423] {strides = array<i32>} : memref<25344xf32, #tpu.memory_space<vmem>>, vector<16xf32>,
      %get3A_425 = arith.index_cast %add3A_422 : i32 to index
      %get3A_426 = tpu.vector_load %arg11[%get3A_425] {strides = array<i32>} : memref<25344xf32, #tpu.memory_space<vmem>>, vector<16xf32>,
      %max3A = arith.maximumf %get3A_426, %broadcast_in_dim3A_29 : vector<16xf32>
      %div3A = arith.divf %get3A_424, %max3A : vector<16xf32>
      %swap3A_427 = arith.index_cast %add3A_422 : i32 to index
      %swap3A_428 = tpu.vector_load %arg10[%swap3A_427] {strides = array<i32>} : memref<25344xf32, #tpu.memory_space<vmem>>, vector<16xf32>,
      tpu.vector_store %arg10[%swap3A_427], %div3A {strides = array<i32>} : memref<25344xf32, #tpu.memory_space<vmem>>, vector<16xf32>,
      %add3A_429 = arith.constant 16 : i32
      %add3A_430 = arith.addi %add3A_420, %add3A_429 : i32
      %get3A_431 = arith.index_cast %add3A_430 : i32 to index
      %get3A_432 = tpu.vector_load %arg10[%get3A_431] {strides = array<i32>} : memref<25344xf32, #tpu.memory_space<vmem>>, vector<16xf32>,
      %get3A_433 = arith.index_cast %add3A_430 : i32 to index
      %get3A_434 = tpu.vector_load %arg11[%get3A_433] {strides = array<i32>} : memref<25344xf32, #tpu.memory_space<vmem>>, vector<16xf32>,
      %max3A_435 = arith.maximumf %get3A_434, %broadcast_in_dim3A_29 : vector<16xf32>
      %div3A_436 = arith.divf %get3A_432, %max3A_435 : vector<16xf32>
      %swap3A_437 = arith.index_cast %add3A_430 : i32 to index
      %swap3A_438 = tpu.vector_load %arg10[%swap3A_437] {strides = array<i32>} : memref<25344xf32, #tpu.memory_space<vmem>>, vector<16xf32>,
      tpu.vector_store %arg10[%swap3A_437], %div3A_436 {strides = array<i32>} : memref<25344xf32, #tpu.memory_space<vmem>>, vector<16xf32>,
      %scan3A_439 = arith.constant 0 : i32
      scf.yield %scan3A_439 : i32
    }
    %scan3A_84 = arith.constant 49 : i32
    %add3A_85 = arith.constant 100352 : i32
    %add3A_86 = arith.addi %add3A_85, %mul3A_2 : i32
    %dma_start3A_87 = arith.constant 3168 : i32
    %dma_start3A_88 = tpu.memref_slice %arg10[%dma_start3A_87] : memref<25344xf32, #tpu.memory_space<vmem>> -> memref<1568xf32, #tpu.memory_space<vmem>>
    %dma_start3A_89 = tpu.memref_slice %arg8[%add3A_86] : memref<802816xf32, #tpu.memory_space<hbm>> -> memref<1568xf32, #tpu.memory_space<hbm>>
    %dma_start3A_90 = tpu.memref_slice %arg8[%add3A_86] : memref<802816xf32, #tpu.memory_space<hbm>> -> memref<1568xf32, #tpu.memory_space<hbm>>
    %dma_start3A_91 = arith.constant 3168 : i32
    %dma_start3A_92 = tpu.memref_slice %arg10[%dma_start3A_91] : memref<25344xf32, #tpu.memory_space<vmem>> -> memref<1568xf32, #tpu.memory_space<vmem>>
    tpu.enqueue_dma source(%dma_start3A_92 : memref<1568xf32, #tpu.memory_space<vmem>>) target(%dma_start3A_90 : memref<1568xf32, #tpu.memory_space<hbm>>) target_semaphore(%arg17 : memref<!tpu.dma_semaphore, #tpu.memory_space<semaphore_mem>>)
    %scan3A_93 = arith.constant 0 : i32
    %scan3A_94 = arith.constant 0 : i32
    %scan3A_95 = arith.constant 49 : i32
    %scan3A_96 = arith.addi %scan3A_94, %scan3A_95 : i32
    %scan3A_97 = arith.constant 1 : i32
    %scan3A_98 = scf.for %scan3A_415 = %scan3A_94 to %scan3A_96 step %scan3A_97 iter_args(%scan3A_416 = %scan3A_93) -> (i32)  : i32 {
      %mul3A_417 = arith.constant 32 : i32
      %mul3A_418 = arith.muli %scan3A_415, %mul3A_417 : i32
      %add3A_419 = arith.constant 4752 : i32
      %add3A_420 = arith.addi %add3A_419, %mul3A_418 : i32
      %add3A_421 = arith.constant 0 : i32
      %add3A_422 = arith.addi %add3A_420, %add3A_421 : i32
      %get3A_423 = arith.index_cast %add3A_422 : i32 to index
      %get3A_424 = tpu.vector_load %arg10[%get3A_423] {strides = array<i32>} : memref<25344xf32, #tpu.memory_space<vmem>>, vector<16xf32>,
      %get3A_425 = arith.index_cast %add3A_422 : i32 to index
      %get3A_426 = tpu.vector_load %arg11[%get3A_425] {strides = array<i32>} : memref<25344xf32, #tpu.memory_space<vmem>>, vector<16xf32>,
      %max3A = arith.maximumf %get3A_426, %broadcast_in_dim3A_29 : vector<16xf32>
      %div3A = arith.divf %get3A_424, %max3A : vector<16xf32>
      %swap3A_427 = arith.index_cast %add3A_422 : i32 to index
      %swap3A_428 = tpu.vector_load %arg10[%swap3A_427] {strides = array<i32>} : memref<25344xf32, #tpu.memory_space<vmem>>, vector<16xf32>,
      tpu.vector_store %arg10[%swap3A_427], %div3A {strides = array<i32>} : memref<25344xf32, #tpu.memory_space<vmem>>, vector<16xf32>,
      %add3A_429 = arith.constant 16 : i32
      %add3A_430 = arith.addi %add3A_420, %add3A_429 : i32
      %get3A_431 = arith.index_cast %add3A_430 : i32 to index
      %get3A_432 = tpu.vector_load %arg10[%get3A_431] {strides = array<i32>} : memref<25344xf32, #tpu.memory_space<vmem>>, vector<16xf32>,
      %get3A_433 = arith.index_cast %add3A_430 : i32 to index
      %get3A_434 = tpu.vector_load %arg11[%get3A_433] {strides = array<i32>} : memref<25344xf32, #tpu.memory_space<vmem>>, vector<16xf32>,
      %max3A_435 = arith.maximumf %get3A_434, %broadcast_in_dim3A_29 : vector<16xf32>
      %div3A_436 = arith.divf %get3A_432, %max3A_435 : vector<16xf32>
      %swap3A_437 = arith.index_cast %add3A_430 : i32 to index
      %swap3A_438 = tpu.vector_load %arg10[%swap3A_437] {strides = array<i32>} : memref<25344xf32, #tpu.memory_space<vmem>>, vector<16xf32>,
      tpu.vector_store %arg10[%swap3A_437], %div3A_436 {strides = array<i32>} : memref<25344xf32, #tpu.memory_space<vmem>>, vector<16xf32>,
      %scan3A_439 = arith.constant 0 : i32
      scf.yield %scan3A_439 : i32
    }
    %scan3A_99 = arith.constant 49 : i32
    %add3A_100 = arith.constant 150528 : i32
    %add3A_101 = arith.addi %add3A_100, %mul3A_2 : i32
    %dma_start3A_102 = arith.constant 4752 : i32
    %dma_start3A_103 = tpu.memref_slice %arg10[%dma_start3A_102] : memref<25344xf32, #tpu.memory_space<vmem>> -> memref<1568xf32, #tpu.memory_space<vmem>>
    %dma_start3A_104 = tpu.memref_slice %arg8[%add3A_101] : memref<802816xf32, #tpu.memory_space<hbm>> -> memref<1568xf32, #tpu.memory_space<hbm>>
    %dma_start3A_105 = tpu.memref_slice %arg8[%add3A_101] : memref<802816xf32, #tpu.memory_space<hbm>> -> memref<1568xf32, #tpu.memory_space<hbm>>
    %dma_start3A_106 = arith.constant 4752 : i32
    %dma_start3A_107 = tpu.memref_slice %arg10[%dma_start3A_106] : memref<25344xf32, #tpu.memory_space<vmem>> -> memref<1568xf32, #tpu.memory_space<vmem>>
    tpu.enqueue_dma source(%dma_start3A_107 : memref<1568xf32, #tpu.memory_space<vmem>>) target(%dma_start3A_105 : memref<1568xf32, #tpu.memory_space<hbm>>) target_semaphore(%arg17 : memref<!tpu.dma_semaphore, #tpu.memory_space<semaphore_mem>>)
    %scan3A_108 = arith.constant 0 : i32
    %scan3A_109 = arith.constant 0 : i32
    %scan3A_110 = arith.constant 49 : i32
    %scan3A_111 = arith.addi %scan3A_109, %scan3A_110 : i32
    %scan3A_112 = arith.constant 1 : i32
    %scan3A_113 = scf.for %scan3A_415 = %scan3A_109 to %scan3A_111 step %scan3A_112 iter_args(%scan3A_416 = %scan3A_108) -> (i32)  : i32 {
      %mul3A_417 = arith.constant 32 : i32
      %mul3A_418 = arith.muli %scan3A_415, %mul3A_417 : i32
      %add3A_419 = arith.constant 6336 : i32
      %add3A_420 = arith.addi %add3A_419, %mul3A_418 : i32
      %add3A_421 = arith.constant 0 : i32
      %add3A_422 = arith.addi %add3A_420, %add3A_421 : i32
      %get3A_423 = arith.index_cast %add3A_422 : i32 to index
      %get3A_424 = tpu.vector_load %arg10[%get3A_423] {strides = array<i32>} : memref<25344xf32, #tpu.memory_space<vmem>>, vector<16xf32>,
      %get3A_425 = arith.index_cast %add3A_422 : i32 to index
      %get3A_426 = tpu.vector_load %arg11[%get3A_425] {strides = array<i32>} : memref<25344xf32, #tpu.memory_space<vmem>>, vector<16xf32>,
      %max3A = arith.maximumf %get3A_426, %broadcast_in_dim3A_29 : vector<16xf32>
      %div3A = arith.divf %get3A_424, %max3A : vector<16xf32>
      %swap3A_427 = arith.index_cast %add3A_422 : i32 to index
      %swap3A_428 = tpu.vector_load %arg10[%swap3A_427] {strides = array<i32>} : memref<25344xf32, #tpu.memory_space<vmem>>, vector<16xf32>,
      tpu.vector_store %arg10[%swap3A_427], %div3A {strides = array<i32>} : memref<25344xf32, #tpu.memory_space<vmem>>, vector<16xf32>,
      %add3A_429 = arith.constant 16 : i32
      %add3A_430 = arith.addi %add3A_420, %add3A_429 : i32
      %get3A_431 = arith.index_cast %add3A_430 : i32 to index
      %get3A_432 = tpu.vector_load %arg10[%get3A_431] {strides = array<i32>} : memref<25344xf32, #tpu.memory_space<vmem>>, vector<16xf32>,
      %get3A_433 = arith.index_cast %add3A_430 : i32 to index
      %get3A_434 = tpu.vector_load %arg11[%get3A_433] {strides = array<i32>} : memref<25344xf32, #tpu.memory_space<vmem>>, vector<16xf32>,
      %max3A_435 = arith.maximumf %get3A_434, %broadcast_in_dim3A_29 : vector<16xf32>
      %div3A_436 = arith.divf %get3A_432, %max3A_435 : vector<16xf32>
      %swap3A_437 = arith.index_cast %add3A_430 : i32 to index
      %swap3A_438 = tpu.vector_load %arg10[%swap3A_437] {strides = array<i32>} : memref<25344xf32, #tpu.memory_space<vmem>>, vector<16xf32>,
      tpu.vector_store %arg10[%swap3A_437], %div3A_436 {strides = array<i32>} : memref<25344xf32, #tpu.memory_space<vmem>>, vector<16xf32>,
      %scan3A_439 = arith.constant 0 : i32
      scf.yield %scan3A_439 : i32
    }
    %scan3A_114 = arith.constant 49 : i32
    %add3A_115 = arith.constant 200704 : i32
    %add3A_116 = arith.addi %add3A_115, %mul3A_2 : i32
    %dma_start3A_117 = arith.constant 6336 : i32
    %dma_start3A_118 = tpu.memref_slice %arg10[%dma_start3A_117] : memref<25344xf32, #tpu.memory_space<vmem>> -> memref<1568xf32, #tpu.memory_space<vmem>>
    %dma_start3A_119 = tpu.memref_slice %arg8[%add3A_116] : memref<802816xf32, #tpu.memory_space<hbm>> -> memref<1568xf32, #tpu.memory_space<hbm>>
    %dma_start3A_120 = tpu.memref_slice %arg8[%add3A_116] : memref<802816xf32, #tpu.memory_space<hbm>> -> memref<1568xf32, #tpu.memory_space<hbm>>
    %dma_start3A_121 = arith.constant 6336 : i32
    %dma_start3A_122 = tpu.memref_slice %arg10[%dma_start3A_121] : memref<25344xf32, #tpu.memory_space<vmem>> -> memref<1568xf32, #tpu.memory_space<vmem>>
    tpu.enqueue_dma source(%dma_start3A_122 : memref<1568xf32, #tpu.memory_space<vmem>>) target(%dma_start3A_120 : memref<1568xf32, #tpu.memory_space<hbm>>) target_semaphore(%arg17 : memref<!tpu.dma_semaphore, #tpu.memory_space<semaphore_mem>>)
    %scan3A_123 = arith.constant 0 : i32
    %scan3A_124 = arith.constant 0 : i32
    %scan3A_125 = arith.constant 49 : i32
    %scan3A_126 = arith.addi %scan3A_124, %scan3A_125 : i32
    %scan3A_127 = arith.constant 1 : i32
    %scan3A_128 = scf.for %scan3A_415 = %scan3A_124 to %scan3A_126 step %scan3A_127 iter_args(%scan3A_416 = %scan3A_123) -> (i32)  : i32 {
      %mul3A_417 = arith.constant 32 : i32
      %mul3A_418 = arith.muli %scan3A_415, %mul3A_417 : i32
      %add3A_419 = arith.constant 7920 : i32
      %add3A_420 = arith.addi %add3A_419, %mul3A_418 : i32
      %add3A_421 = arith.constant 0 : i32
      %add3A_422 = arith.addi %add3A_420, %add3A_421 : i32
      %get3A_423 = arith.index_cast %add3A_422 : i32 to index
      %get3A_424 = tpu.vector_load %arg10[%get3A_423] {strides = array<i32>} : memref<25344xf32, #tpu.memory_space<vmem>>, vector<16xf32>,
      %get3A_425 = arith.index_cast %add3A_422 : i32 to index
      %get3A_426 = tpu.vector_load %arg11[%get3A_425] {strides = array<i32>} : memref<25344xf32, #tpu.memory_space<vmem>>, vector<16xf32>,
      %max3A = arith.maximumf %get3A_426, %broadcast_in_dim3A_29 : vector<16xf32>
      %div3A = arith.divf %get3A_424, %max3A : vector<16xf32>
      %swap3A_427 = arith.index_cast %add3A_422 : i32 to index
      %swap3A_428 = tpu.vector_load %arg10[%swap3A_427] {strides = array<i32>} : memref<25344xf32, #tpu.memory_space<vmem>>, vector<16xf32>,
      tpu.vector_store %arg10[%swap3A_427], %div3A {strides = array<i32>} : memref<25344xf32, #tpu.memory_space<vmem>>, vector<16xf32>,
      %add3A_429 = arith.constant 16 : i32
      %add3A_430 = arith.addi %add3A_420, %add3A_429 : i32
      %get3A_431 = arith.index_cast %add3A_430 : i32 to index
      %get3A_432 = tpu.vector_load %arg10[%get3A_431] {strides = array<i32>} : memref<25344xf32, #tpu.memory_space<vmem>>, vector<16xf32>,
      %get3A_433 = arith.index_cast %add3A_430 : i32 to index
      %get3A_434 = tpu.vector_load %arg11[%get3A_433] {strides = array<i32>} : memref<25344xf32, #tpu.memory_space<vmem>>, vector<16xf32>,
      %max3A_435 = arith.maximumf %get3A_434, %broadcast_in_dim3A_29 : vector<16xf32>
      %div3A_436 = arith.divf %get3A_432, %max3A_435 : vector<16xf32>
      %swap3A_437 = arith.index_cast %add3A_430 : i32 to index
      %swap3A_438 = tpu.vector_load %arg10[%swap3A_437] {strides = array<i32>} : memref<25344xf32, #tpu.memory_space<vmem>>, vector<16xf32>,
      tpu.vector_store %arg10[%swap3A_437], %div3A_436 {strides = array<i32>} : memref<25344xf32, #tpu.memory_space<vmem>>, vector<16xf32>,
      %scan3A_439 = arith.constant 0 : i32
      scf.yield %scan3A_439 : i32
    }
    %scan3A_129 = arith.constant 49 : i32
    %add3A_130 = arith.constant 250880 : i32
    %add3A_131 = arith.addi %add3A_130, %mul3A_2 : i32
    %dma_start3A_132 = arith.constant 7920 : i32
    %dma_start3A_133 = tpu.memref_slice %arg10[%dma_start3A_132] : memref<25344xf32, #tpu.memory_space<vmem>> -> memref<1568xf32, #tpu.memory_space<vmem>>
    %dma_start3A_134 = tpu.memref_slice %arg8[%add3A_131] : memref<802816xf32, #tpu.memory_space<hbm>> -> memref<1568xf32, #tpu.memory_space<hbm>>
    %dma_start3A_135 = tpu.memref_slice %arg8[%add3A_131] : memref<802816xf32, #tpu.memory_space<hbm>> -> memref<1568xf32, #tpu.memory_space<hbm>>
    %dma_start3A_136 = arith.constant 7920 : i32
    %dma_start3A_137 = tpu.memref_slice %arg10[%dma_start3A_136] : memref<25344xf32, #tpu.memory_space<vmem>> -> memref<1568xf32, #tpu.memory_space<vmem>>
    tpu.enqueue_dma source(%dma_start3A_137 : memref<1568xf32, #tpu.memory_space<vmem>>) target(%dma_start3A_135 : memref<1568xf32, #tpu.memory_space<hbm>>) target_semaphore(%arg17 : memref<!tpu.dma_semaphore, #tpu.memory_space<semaphore_mem>>)
    %scan3A_138 = arith.constant 0 : i32
    %scan3A_139 = arith.constant 0 : i32
    %scan3A_140 = arith.constant 49 : i32
    %scan3A_141 = arith.addi %scan3A_139, %scan3A_140 : i32
    %scan3A_142 = arith.constant 1 : i32
    %scan3A_143 = scf.for %scan3A_415 = %scan3A_139 to %scan3A_141 step %scan3A_142 iter_args(%scan3A_416 = %scan3A_138) -> (i32)  : i32 {
      %mul3A_417 = arith.constant 32 : i32
      %mul3A_418 = arith.muli %scan3A_415, %mul3A_417 : i32
      %add3A_419 = arith.constant 9504 : i32
      %add3A_420 = arith.addi %add3A_419, %mul3A_418 : i32
      %add3A_421 = arith.constant 0 : i32
      %add3A_422 = arith.addi %add3A_420, %add3A_421 : i32
      %get3A_423 = arith.index_cast %add3A_422 : i32 to index
      %get3A_424 = tpu.vector_load %arg10[%get3A_423] {strides = array<i32>} : memref<25344xf32, #tpu.memory_space<vmem>>, vector<16xf32>,
      %get3A_425 = arith.index_cast %add3A_422 : i32 to index
      %get3A_426 = tpu.vector_load %arg11[%get3A_425] {strides = array<i32>} : memref<25344xf32, #tpu.memory_space<vmem>>, vector<16xf32>,
      %max3A = arith.maximumf %get3A_426, %broadcast_in_dim3A_29 : vector<16xf32>
      %div3A = arith.divf %get3A_424, %max3A : vector<16xf32>
      %swap3A_427 = arith.index_cast %add3A_422 : i32 to index
      %swap3A_428 = tpu.vector_load %arg10[%swap3A_427] {strides = array<i32>} : memref<25344xf32, #tpu.memory_space<vmem>>, vector<16xf32>,
      tpu.vector_store %arg10[%swap3A_427], %div3A {strides = array<i32>} : memref<25344xf32, #tpu.memory_space<vmem>>, vector<16xf32>,
      %add3A_429 = arith.constant 16 : i32
      %add3A_430 = arith.addi %add3A_420, %add3A_429 : i32
      %get3A_431 = arith.index_cast %add3A_430 : i32 to index
      %get3A_432 = tpu.vector_load %arg10[%get3A_431] {strides = array<i32>} : memref<25344xf32, #tpu.memory_space<vmem>>, vector<16xf32>,
      %get3A_433 = arith.index_cast %add3A_430 : i32 to index
      %get3A_434 = tpu.vector_load %arg11[%get3A_433] {strides = array<i32>} : memref<25344xf32, #tpu.memory_space<vmem>>, vector<16xf32>,
      %max3A_435 = arith.maximumf %get3A_434, %broadcast_in_dim3A_29 : vector<16xf32>
      %div3A_436 = arith.divf %get3A_432, %max3A_435 : vector<16xf32>
      %swap3A_437 = arith.index_cast %add3A_430 : i32 to index
      %swap3A_438 = tpu.vector_load %arg10[%swap3A_437] {strides = array<i32>} : memref<25344xf32, #tpu.memory_space<vmem>>, vector<16xf32>,
      tpu.vector_store %arg10[%swap3A_437], %div3A_436 {strides = array<i32>} : memref<25344xf32, #tpu.memory_space<vmem>>, vector<16xf32>,
      %scan3A_439 = arith.constant 0 : i32
      scf.yield %scan3A_439 : i32
    }
    %scan3A_144 = arith.constant 49 : i32
    %add3A_145 = arith.constant 301056 : i32
    %add3A_146 = arith.addi %add3A_145, %mul3A_2 : i32
    %dma_start3A_147 = arith.constant 9504 : i32
    %dma_start3A_148 = tpu.memref_slice %arg10[%dma_start3A_147] : memref<25344xf32, #tpu.memory_space<vmem>> -> memref<1568xf32, #tpu.memory_space<vmem>>
    %dma_start3A_149 = tpu.memref_slice %arg8[%add3A_146] : memref<802816xf32, #tpu.memory_space<hbm>> -> memref<1568xf32, #tpu.memory_space<hbm>>
    %dma_start3A_150 = tpu.memref_slice %arg8[%add3A_146] : memref<802816xf32, #tpu.memory_space<hbm>> -> memref<1568xf32, #tpu.memory_space<hbm>>
    %dma_start3A_151 = arith.constant 9504 : i32
    %dma_start3A_152 = tpu.memref_slice %arg10[%dma_start3A_151] : memref<25344xf32, #tpu.memory_space<vmem>> -> memref<1568xf32, #tpu.memory_space<vmem>>
    tpu.enqueue_dma source(%dma_start3A_152 : memref<1568xf32, #tpu.memory_space<vmem>>) target(%dma_start3A_150 : memref<1568xf32, #tpu.memory_space<hbm>>) target_semaphore(%arg17 : memref<!tpu.dma_semaphore, #tpu.memory_space<semaphore_mem>>)
    %scan3A_153 = arith.constant 0 : i32
    %scan3A_154 = arith.constant 0 : i32
    %scan3A_155 = arith.constant 49 : i32
    %scan3A_156 = arith.addi %scan3A_154, %scan3A_155 : i32
    %scan3A_157 = arith.constant 1 : i32
    %scan3A_158 = scf.for %scan3A_415 = %scan3A_154 to %scan3A_156 step %scan3A_157 iter_args(%scan3A_416 = %scan3A_153) -> (i32)  : i32 {
      %mul3A_417 = arith.constant 32 : i32
      %mul3A_418 = arith.muli %scan3A_415, %mul3A_417 : i32
      %add3A_419 = arith.constant 11088 : i32
      %add3A_420 = arith.addi %add3A_419, %mul3A_418 : i32
      %add3A_421 = arith.constant 0 : i32
      %add3A_422 = arith.addi %add3A_420, %add3A_421 : i32
      %get3A_423 = arith.index_cast %add3A_422 : i32 to index
      %get3A_424 = tpu.vector_load %arg10[%get3A_423] {strides = array<i32>} : memref<25344xf32, #tpu.memory_space<vmem>>, vector<16xf32>,
      %get3A_425 = arith.index_cast %add3A_422 : i32 to index
      %get3A_426 = tpu.vector_load %arg11[%get3A_425] {strides = array<i32>} : memref<25344xf32, #tpu.memory_space<vmem>>, vector<16xf32>,
      %max3A = arith.maximumf %get3A_426, %broadcast_in_dim3A_29 : vector<16xf32>
      %div3A = arith.divf %get3A_424, %max3A : vector<16xf32>
      %swap3A_427 = arith.index_cast %add3A_422 : i32 to index
      %swap3A_428 = tpu.vector_load %arg10[%swap3A_427] {strides = array<i32>} : memref<25344xf32, #tpu.memory_space<vmem>>, vector<16xf32>,
      tpu.vector_store %arg10[%swap3A_427], %div3A {strides = array<i32>} : memref<25344xf32, #tpu.memory_space<vmem>>, vector<16xf32>,
      %add3A_429 = arith.constant 16 : i32
      %add3A_430 = arith.addi %add3A_420, %add3A_429 : i32
      %get3A_431 = arith.index_cast %add3A_430 : i32 to index
      %get3A_432 = tpu.vector_load %arg10[%get3A_431] {strides = array<i32>} : memref<25344xf32, #tpu.memory_space<vmem>>, vector<16xf32>,
      %get3A_433 = arith.index_cast %add3A_430 : i32 to index
      %get3A_434 = tpu.vector_load %arg11[%get3A_433] {strides = array<i32>} : memref<25344xf32, #tpu.memory_space<vmem>>, vector<16xf32>,
      %max3A_435 = arith.maximumf %get3A_434, %broadcast_in_dim3A_29 : vector<16xf32>
      %div3A_436 = arith.divf %get3A_432, %max3A_435 : vector<16xf32>
      %swap3A_437 = arith.index_cast %add3A_430 : i32 to index
      %swap3A_438 = tpu.vector_load %arg10[%swap3A_437] {strides = array<i32>} : memref<25344xf32, #tpu.memory_space<vmem>>, vector<16xf32>,
      tpu.vector_store %arg10[%swap3A_437], %div3A_436 {strides = array<i32>} : memref<25344xf32, #tpu.memory_space<vmem>>, vector<16xf32>,
      %scan3A_439 = arith.constant 0 : i32
      scf.yield %scan3A_439 : i32
    }
    %scan3A_159 = arith.constant 49 : i32
    %add3A_160 = arith.constant 351232 : i32
    %add3A_161 = arith.addi %add3A_160, %mul3A_2 : i32
    %dma_start3A_162 = arith.constant 11088 : i32
    %dma_start3A_163 = tpu.memref_slice %arg10[%dma_start3A_162] : memref<25344xf32, #tpu.memory_space<vmem>> -> memref<1568xf32, #tpu.memory_space<vmem>>
    %dma_start3A_164 = tpu.memref_slice %arg8[%add3A_161] : memref<802816xf32, #tpu.memory_space<hbm>> -> memref<1568xf32, #tpu.memory_space<hbm>>
    %dma_start3A_165 = tpu.memref_slice %arg8[%add3A_161] : memref<802816xf32, #tpu.memory_space<hbm>> -> memref<1568xf32, #tpu.memory_space<hbm>>
    %dma_start3A_166 = arith.constant 11088 : i32
    %dma_start3A_167 = tpu.memref_slice %arg10[%dma_start3A_166] : memref<25344xf32, #tpu.memory_space<vmem>> -> memref<1568xf32, #tpu.memory_space<vmem>>
    tpu.enqueue_dma source(%dma_start3A_167 : memref<1568xf32, #tpu.memory_space<vmem>>) target(%dma_start3A_165 : memref<1568xf32, #tpu.memory_space<hbm>>) target_semaphore(%arg17 : memref<!tpu.dma_semaphore, #tpu.memory_space<semaphore_mem>>)
    %scan3A_168 = arith.constant 0 : i32
    %scan3A_169 = arith.constant 0 : i32
    %scan3A_170 = arith.constant 49 : i32
    %scan3A_171 = arith.addi %scan3A_169, %scan3A_170 : i32
    %scan3A_172 = arith.constant 1 : i32
    %scan3A_173 = scf.for %scan3A_415 = %scan3A_169 to %scan3A_171 step %scan3A_172 iter_args(%scan3A_416 = %scan3A_168) -> (i32)  : i32 {
      %mul3A_417 = arith.constant 32 : i32
      %mul3A_418 = arith.muli %scan3A_415, %mul3A_417 : i32
      %add3A_419 = arith.constant 12672 : i32
      %add3A_420 = arith.addi %add3A_419, %mul3A_418 : i32
      %add3A_421 = arith.constant 0 : i32
      %add3A_422 = arith.addi %add3A_420, %add3A_421 : i32
      %get3A_423 = arith.index_cast %add3A_422 : i32 to index
      %get3A_424 = tpu.vector_load %arg10[%get3A_423] {strides = array<i32>} : memref<25344xf32, #tpu.memory_space<vmem>>, vector<16xf32>,
      %get3A_425 = arith.index_cast %add3A_422 : i32 to index
      %get3A_426 = tpu.vector_load %arg11[%get3A_425] {strides = array<i32>} : memref<25344xf32, #tpu.memory_space<vmem>>, vector<16xf32>,
      %max3A = arith.maximumf %get3A_426, %broadcast_in_dim3A_29 : vector<16xf32>
      %div3A = arith.divf %get3A_424, %max3A : vector<16xf32>
      %swap3A_427 = arith.index_cast %add3A_422 : i32 to index
      %swap3A_428 = tpu.vector_load %arg10[%swap3A_427] {strides = array<i32>} : memref<25344xf32, #tpu.memory_space<vmem>>, vector<16xf32>,
      tpu.vector_store %arg10[%swap3A_427], %div3A {strides = array<i32>} : memref<25344xf32, #tpu.memory_space<vmem>>, vector<16xf32>,
      %add3A_429 = arith.constant 16 : i32
      %add3A_430 = arith.addi %add3A_420, %add3A_429 : i32
      %get3A_431 = arith.index_cast %add3A_430 : i32 to index
      %get3A_432 = tpu.vector_load %arg10[%get3A_431] {strides = array<i32>} : memref<25344xf32, #tpu.memory_space<vmem>>, vector<16xf32>,
      %get3A_433 = arith.index_cast %add3A_430 : i32 to index
      %get3A_434 = tpu.vector_load %arg11[%get3A_433] {strides = array<i32>} : memref<25344xf32, #tpu.memory_space<vmem>>, vector<16xf32>,
      %max3A_435 = arith.maximumf %get3A_434, %broadcast_in_dim3A_29 : vector<16xf32>
      %div3A_436 = arith.divf %get3A_432, %max3A_435 : vector<16xf32>
      %swap3A_437 = arith.index_cast %add3A_430 : i32 to index
      %swap3A_438 = tpu.vector_load %arg10[%swap3A_437] {strides = array<i32>} : memref<25344xf32, #tpu.memory_space<vmem>>, vector<16xf32>,
      tpu.vector_store %arg10[%swap3A_437], %div3A_436 {strides = array<i32>} : memref<25344xf32, #tpu.memory_space<vmem>>, vector<16xf32>,
      %scan3A_439 = arith.constant 0 : i32
      scf.yield %scan3A_439 : i32
    }
    %scan3A_174 = arith.constant 49 : i32
    %add3A_175 = arith.constant 401408 : i32
    %add3A_176 = arith.addi %add3A_175, %mul3A_2 : i32
    %dma_start3A_177 = arith.constant 12672 : i32
    %dma_start3A_178 = tpu.memref_slice %arg10[%dma_start3A_177] : memref<25344xf32, #tpu.memory_space<vmem>> -> memref<1568xf32, #tpu.memory_space<vmem>>
    %dma_start3A_179 = tpu.memref_slice %arg8[%add3A_176] : memref<802816xf32, #tpu.memory_space<hbm>> -> memref<1568xf32, #tpu.memory_space<hbm>>
    %dma_start3A_180 = tpu.memref_slice %arg8[%add3A_176] : memref<802816xf32, #tpu.memory_space<hbm>> -> memref<1568xf32, #tpu.memory_space<hbm>>
    %dma_start3A_181 = arith.constant 12672 : i32
    %dma_start3A_182 = tpu.memref_slice %arg10[%dma_start3A_181] : memref<25344xf32, #tpu.memory_space<vmem>> -> memref<1568xf32, #tpu.memory_space<vmem>>
    tpu.enqueue_dma source(%dma_start3A_182 : memref<1568xf32, #tpu.memory_space<vmem>>) target(%dma_start3A_180 : memref<1568xf32, #tpu.memory_space<hbm>>) target_semaphore(%arg17 : memref<!tpu.dma_semaphore, #tpu.memory_space<semaphore_mem>>)
    %scan3A_183 = arith.constant 0 : i32
    %scan3A_184 = arith.constant 0 : i32
    %scan3A_185 = arith.constant 49 : i32
    %scan3A_186 = arith.addi %scan3A_184, %scan3A_185 : i32
    %scan3A_187 = arith.constant 1 : i32
    %scan3A_188 = scf.for %scan3A_415 = %scan3A_184 to %scan3A_186 step %scan3A_187 iter_args(%scan3A_416 = %scan3A_183) -> (i32)  : i32 {
      %mul3A_417 = arith.constant 32 : i32
      %mul3A_418 = arith.muli %scan3A_415, %mul3A_417 : i32
      %add3A_419 = arith.constant 14256 : i32
      %add3A_420 = arith.addi %add3A_419, %mul3A_418 : i32
      %add3A_421 = arith.constant 0 : i32
      %add3A_422 = arith.addi %add3A_420, %add3A_421 : i32
      %get3A_423 = arith.index_cast %add3A_422 : i32 to index
      %get3A_424 = tpu.vector_load %arg10[%get3A_423] {strides = array<i32>} : memref<25344xf32, #tpu.memory_space<vmem>>, vector<16xf32>,
      %get3A_425 = arith.index_cast %add3A_422 : i32 to index
      %get3A_426 = tpu.vector_load %arg11[%get3A_425] {strides = array<i32>} : memref<25344xf32, #tpu.memory_space<vmem>>, vector<16xf32>,
      %max3A = arith.maximumf %get3A_426, %broadcast_in_dim3A_29 : vector<16xf32>
      %div3A = arith.divf %get3A_424, %max3A : vector<16xf32>
      %swap3A_427 = arith.index_cast %add3A_422 : i32 to index
      %swap3A_428 = tpu.vector_load %arg10[%swap3A_427] {strides = array<i32>} : memref<25344xf32, #tpu.memory_space<vmem>>, vector<16xf32>,
      tpu.vector_store %arg10[%swap3A_427], %div3A {strides = array<i32>} : memref<25344xf32, #tpu.memory_space<vmem>>, vector<16xf32>,
      %add3A_429 = arith.constant 16 : i32
      %add3A_430 = arith.addi %add3A_420, %add3A_429 : i32
      %get3A_431 = arith.index_cast %add3A_430 : i32 to index
      %get3A_432 = tpu.vector_load %arg10[%get3A_431] {strides = array<i32>} : memref<25344xf32, #tpu.memory_space<vmem>>, vector<16xf32>,
      %get3A_433 = arith.index_cast %add3A_430 : i32 to index
      %get3A_434 = tpu.vector_load %arg11[%get3A_433] {strides = array<i32>} : memref<25344xf32, #tpu.memory_space<vmem>>, vector<16xf32>,
      %max3A_435 = arith.maximumf %get3A_434, %broadcast_in_dim3A_29 : vector<16xf32>
      %div3A_436 = arith.divf %get3A_432, %max3A_435 : vector<16xf32>
      %swap3A_437 = arith.index_cast %add3A_430 : i32 to index
      %swap3A_438 = tpu.vector_load %arg10[%swap3A_437] {strides = array<i32>} : memref<25344xf32, #tpu.memory_space<vmem>>, vector<16xf32>,
      tpu.vector_store %arg10[%swap3A_437], %div3A_436 {strides = array<i32>} : memref<25344xf32, #tpu.memory_space<vmem>>, vector<16xf32>,
      %scan3A_439 = arith.constant 0 : i32
      scf.yield %scan3A_439 : i32
    }
    %scan3A_189 = arith.constant 49 : i32
    %add3A_190 = arith.constant 451584 : i32
    %add3A_191 = arith.addi %add3A_190, %mul3A_2 : i32
    %dma_start3A_192 = arith.constant 14256 : i32
    %dma_start3A_193 = tpu.memref_slice %arg10[%dma_start3A_192] : memref<25344xf32, #tpu.memory_space<vmem>> -> memref<1568xf32, #tpu.memory_space<vmem>>
    %dma_start3A_194 = tpu.memref_slice %arg8[%add3A_191] : memref<802816xf32, #tpu.memory_space<hbm>> -> memref<1568xf32, #tpu.memory_space<hbm>>
    %dma_start3A_195 = tpu.memref_slice %arg8[%add3A_191] : memref<802816xf32, #tpu.memory_space<hbm>> -> memref<1568xf32, #tpu.memory_space<hbm>>
    %dma_start3A_196 = arith.constant 14256 : i32
    %dma_start3A_197 = tpu.memref_slice %arg10[%dma_start3A_196] : memref<25344xf32, #tpu.memory_space<vmem>> -> memref<1568xf32, #tpu.memory_space<vmem>>
    tpu.enqueue_dma source(%dma_start3A_197 : memref<1568xf32, #tpu.memory_space<vmem>>) target(%dma_start3A_195 : memref<1568xf32, #tpu.memory_space<hbm>>) target_semaphore(%arg17 : memref<!tpu.dma_semaphore, #tpu.memory_space<semaphore_mem>>)
    %scan3A_198 = arith.constant 0 : i32
    %scan3A_199 = arith.constant 0 : i32
    %scan3A_200 = arith.constant 49 : i32
    %scan3A_201 = arith.addi %scan3A_199, %scan3A_200 : i32
    %scan3A_202 = arith.constant 1 : i32
    %scan3A_203 = scf.for %scan3A_415 = %scan3A_199 to %scan3A_201 step %scan3A_202 iter_args(%scan3A_416 = %scan3A_198) -> (i32)  : i32 {
      %mul3A_417 = arith.constant 32 : i32
      %mul3A_418 = arith.muli %scan3A_415, %mul3A_417 : i32
      %add3A_419 = arith.constant 15840 : i32
      %add3A_420 = arith.addi %add3A_419, %mul3A_418 : i32
      %add3A_421 = arith.constant 0 : i32
      %add3A_422 = arith.addi %add3A_420, %add3A_421 : i32
      %get3A_423 = arith.index_cast %add3A_422 : i32 to index
      %get3A_424 = tpu.vector_load %arg10[%get3A_423] {strides = array<i32>} : memref<25344xf32, #tpu.memory_space<vmem>>, vector<16xf32>,
      %get3A_425 = arith.index_cast %add3A_422 : i32 to index
      %get3A_426 = tpu.vector_load %arg11[%get3A_425] {strides = array<i32>} : memref<25344xf32, #tpu.memory_space<vmem>>, vector<16xf32>,
      %max3A = arith.maximumf %get3A_426, %broadcast_in_dim3A_29 : vector<16xf32>
      %div3A = arith.divf %get3A_424, %max3A : vector<16xf32>
      %swap3A_427 = arith.index_cast %add3A_422 : i32 to index
      %swap3A_428 = tpu.vector_load %arg10[%swap3A_427] {strides = array<i32>} : memref<25344xf32, #tpu.memory_space<vmem>>, vector<16xf32>,
      tpu.vector_store %arg10[%swap3A_427], %div3A {strides = array<i32>} : memref<25344xf32, #tpu.memory_space<vmem>>, vector<16xf32>,
      %add3A_429 = arith.constant 16 : i32
      %add3A_430 = arith.addi %add3A_420, %add3A_429 : i32
      %get3A_431 = arith.index_cast %add3A_430 : i32 to index
      %get3A_432 = tpu.vector_load %arg10[%get3A_431] {strides = array<i32>} : memref<25344xf32, #tpu.memory_space<vmem>>, vector<16xf32>,
      %get3A_433 = arith.index_cast %add3A_430 : i32 to index
      %get3A_434 = tpu.vector_load %arg11[%get3A_433] {strides = array<i32>} : memref<25344xf32, #tpu.memory_space<vmem>>, vector<16xf32>,
      %max3A_435 = arith.maximumf %get3A_434, %broadcast_in_dim3A_29 : vector<16xf32>
      %div3A_436 = arith.divf %get3A_432, %max3A_435 : vector<16xf32>
      %swap3A_437 = arith.index_cast %add3A_430 : i32 to index
      %swap3A_438 = tpu.vector_load %arg10[%swap3A_437] {strides = array<i32>} : memref<25344xf32, #tpu.memory_space<vmem>>, vector<16xf32>,
      tpu.vector_store %arg10[%swap3A_437], %div3A_436 {strides = array<i32>} : memref<25344xf32, #tpu.memory_space<vmem>>, vector<16xf32>,
      %scan3A_439 = arith.constant 0 : i32
      scf.yield %scan3A_439 : i32
    }
    %scan3A_204 = arith.constant 49 : i32
    %add3A_205 = arith.constant 501760 : i32
    %add3A_206 = arith.addi %add3A_205, %mul3A_2 : i32
    %dma_start3A_207 = arith.constant 15840 : i32
    %dma_start3A_208 = tpu.memref_slice %arg10[%dma_start3A_207] : memref<25344xf32, #tpu.memory_space<vmem>> -> memref<1568xf32, #tpu.memory_space<vmem>>
    %dma_start3A_209 = tpu.memref_slice %arg8[%add3A_206] : memref<802816xf32, #tpu.memory_space<hbm>> -> memref<1568xf32, #tpu.memory_space<hbm>>
    %dma_start3A_210 = tpu.memref_slice %arg8[%add3A_206] : memref<802816xf32, #tpu.memory_space<hbm>> -> memref<1568xf32, #tpu.memory_space<hbm>>
    %dma_start3A_211 = arith.constant 15840 : i32
    %dma_start3A_212 = tpu.memref_slice %arg10[%dma_start3A_211] : memref<25344xf32, #tpu.memory_space<vmem>> -> memref<1568xf32, #tpu.memory_space<vmem>>
    tpu.enqueue_dma source(%dma_start3A_212 : memref<1568xf32, #tpu.memory_space<vmem>>) target(%dma_start3A_210 : memref<1568xf32, #tpu.memory_space<hbm>>) target_semaphore(%arg17 : memref<!tpu.dma_semaphore, #tpu.memory_space<semaphore_mem>>)
    %scan3A_213 = arith.constant 0 : i32
    %scan3A_214 = arith.constant 0 : i32
    %scan3A_215 = arith.constant 49 : i32
    %scan3A_216 = arith.addi %scan3A_214, %scan3A_215 : i32
    %scan3A_217 = arith.constant 1 : i32
    %scan3A_218 = scf.for %scan3A_415 = %scan3A_214 to %scan3A_216 step %scan3A_217 iter_args(%scan3A_416 = %scan3A_213) -> (i32)  : i32 {
      %mul3A_417 = arith.constant 32 : i32
      %mul3A_418 = arith.muli %scan3A_415, %mul3A_417 : i32
      %add3A_419 = arith.constant 17424 : i32
      %add3A_420 = arith.addi %add3A_419, %mul3A_418 : i32
      %add3A_421 = arith.constant 0 : i32
      %add3A_422 = arith.addi %add3A_420, %add3A_421 : i32
      %get3A_423 = arith.index_cast %add3A_422 : i32 to index
      %get3A_424 = tpu.vector_load %arg10[%get3A_423] {strides = array<i32>} : memref<25344xf32, #tpu.memory_space<vmem>>, vector<16xf32>,
      %get3A_425 = arith.index_cast %add3A_422 : i32 to index
      %get3A_426 = tpu.vector_load %arg11[%get3A_425] {strides = array<i32>} : memref<25344xf32, #tpu.memory_space<vmem>>, vector<16xf32>,
      %max3A = arith.maximumf %get3A_426, %broadcast_in_dim3A_29 : vector<16xf32>
      %div3A = arith.divf %get3A_424, %max3A : vector<16xf32>
      %swap3A_427 = arith.index_cast %add3A_422 : i32 to index
      %swap3A_428 = tpu.vector_load %arg10[%swap3A_427] {strides = array<i32>} : memref<25344xf32, #tpu.memory_space<vmem>>, vector<16xf32>,
      tpu.vector_store %arg10[%swap3A_427], %div3A {strides = array<i32>} : memref<25344xf32, #tpu.memory_space<vmem>>, vector<16xf32>,
      %add3A_429 = arith.constant 16 : i32
      %add3A_430 = arith.addi %add3A_420, %add3A_429 : i32
      %get3A_431 = arith.index_cast %add3A_430 : i32 to index
      %get3A_432 = tpu.vector_load %arg10[%get3A_431] {strides = array<i32>} : memref<25344xf32, #tpu.memory_space<vmem>>, vector<16xf32>,
      %get3A_433 = arith.index_cast %add3A_430 : i32 to index
      %get3A_434 = tpu.vector_load %arg11[%get3A_433] {strides = array<i32>} : memref<25344xf32, #tpu.memory_space<vmem>>, vector<16xf32>,
      %max3A_435 = arith.maximumf %get3A_434, %broadcast_in_dim3A_29 : vector<16xf32>
      %div3A_436 = arith.divf %get3A_432, %max3A_435 : vector<16xf32>
      %swap3A_437 = arith.index_cast %add3A_430 : i32 to index
      %swap3A_438 = tpu.vector_load %arg10[%swap3A_437] {strides = array<i32>} : memref<25344xf32, #tpu.memory_space<vmem>>, vector<16xf32>,
      tpu.vector_store %arg10[%swap3A_437], %div3A_436 {strides = array<i32>} : memref<25344xf32, #tpu.memory_space<vmem>>, vector<16xf32>,
      %scan3A_439 = arith.constant 0 : i32
      scf.yield %scan3A_439 : i32
    }
    %scan3A_219 = arith.constant 49 : i32
    %add3A_220 = arith.constant 551936 : i32
    %add3A_221 = arith.addi %add3A_220, %mul3A_2 : i32
    %dma_start3A_222 = arith.constant 17424 : i32
    %dma_start3A_223 = tpu.memref_slice %arg10[%dma_start3A_222] : memref<25344xf32, #tpu.memory_space<vmem>> -> memref<1568xf32, #tpu.memory_space<vmem>>
    %dma_start3A_224 = tpu.memref_slice %arg8[%add3A_221] : memref<802816xf32, #tpu.memory_space<hbm>> -> memref<1568xf32, #tpu.memory_space<hbm>>
    %dma_start3A_225 = tpu.memref_slice %arg8[%add3A_221] : memref<802816xf32, #tpu.memory_space<hbm>> -> memref<1568xf32, #tpu.memory_space<hbm>>
    %dma_start3A_226 = arith.constant 17424 : i32
    %dma_start3A_227 = tpu.memref_slice %arg10[%dma_start3A_226] : memref<25344xf32, #tpu.memory_space<vmem>> -> memref<1568xf32, #tpu.memory_space<vmem>>
    tpu.enqueue_dma source(%dma_start3A_227 : memref<1568xf32, #tpu.memory_space<vmem>>) target(%dma_start3A_225 : memref<1568xf32, #tpu.memory_space<hbm>>) target_semaphore(%arg17 : memref<!tpu.dma_semaphore, #tpu.memory_space<semaphore_mem>>)
    %scan3A_228 = arith.constant 0 : i32
    %scan3A_229 = arith.constant 0 : i32
    %scan3A_230 = arith.constant 49 : i32
    %scan3A_231 = arith.addi %scan3A_229, %scan3A_230 : i32
    %scan3A_232 = arith.constant 1 : i32
    %scan3A_233 = scf.for %scan3A_415 = %scan3A_229 to %scan3A_231 step %scan3A_232 iter_args(%scan3A_416 = %scan3A_228) -> (i32)  : i32 {
      %mul3A_417 = arith.constant 32 : i32
      %mul3A_418 = arith.muli %scan3A_415, %mul3A_417 : i32
      %add3A_419 = arith.constant 19008 : i32
      %add3A_420 = arith.addi %add3A_419, %mul3A_418 : i32
      %add3A_421 = arith.constant 0 : i32
      %add3A_422 = arith.addi %add3A_420, %add3A_421 : i32
      %get3A_423 = arith.index_cast %add3A_422 : i32 to index
      %get3A_424 = tpu.vector_load %arg10[%get3A_423] {strides = array<i32>} : memref<25344xf32, #tpu.memory_space<vmem>>, vector<16xf32>,
      %get3A_425 = arith.index_cast %add3A_422 : i32 to index
      %get3A_426 = tpu.vector_load %arg11[%get3A_425] {strides = array<i32>} : memref<25344xf32, #tpu.memory_space<vmem>>, vector<16xf32>,
      %max3A = arith.maximumf %get3A_426, %broadcast_in_dim3A_29 : vector<16xf32>
      %div3A = arith.divf %get3A_424, %max3A : vector<16xf32>
      %swap3A_427 = arith.index_cast %add3A_422 : i32 to index
      %swap3A_428 = tpu.vector_load %arg10[%swap3A_427] {strides = array<i32>} : memref<25344xf32, #tpu.memory_space<vmem>>, vector<16xf32>,
      tpu.vector_store %arg10[%swap3A_427], %div3A {strides = array<i32>} : memref<25344xf32, #tpu.memory_space<vmem>>, vector<16xf32>,
      %add3A_429 = arith.constant 16 : i32
      %add3A_430 = arith.addi %add3A_420, %add3A_429 : i32
      %get3A_431 = arith.index_cast %add3A_430 : i32 to index
      %get3A_432 = tpu.vector_load %arg10[%get3A_431] {strides = array<i32>} : memref<25344xf32, #tpu.memory_space<vmem>>, vector<16xf32>,
      %get3A_433 = arith.index_cast %add3A_430 : i32 to index
      %get3A_434 = tpu.vector_load %arg11[%get3A_433] {strides = array<i32>} : memref<25344xf32, #tpu.memory_space<vmem>>, vector<16xf32>,
      %max3A_435 = arith.maximumf %get3A_434, %broadcast_in_dim3A_29 : vector<16xf32>
      %div3A_436 = arith.divf %get3A_432, %max3A_435 : vector<16xf32>
      %swap3A_437 = arith.index_cast %add3A_430 : i32 to index
      %swap3A_438 = tpu.vector_load %arg10[%swap3A_437] {strides = array<i32>} : memref<25344xf32, #tpu.memory_space<vmem>>, vector<16xf32>,
      tpu.vector_store %arg10[%swap3A_437], %div3A_436 {strides = array<i32>} : memref<25344xf32, #tpu.memory_space<vmem>>, vector<16xf32>,
      %scan3A_439 = arith.constant 0 : i32
      scf.yield %scan3A_439 : i32
    }
    %scan3A_234 = arith.constant 49 : i32
    %add3A_235 = arith.constant 602112 : i32
    %add3A_236 = arith.addi %add3A_235, %mul3A_2 : i32
    %dma_start3A_237 = arith.constant 19008 : i32
    %dma_start3A_238 = tpu.memref_slice %arg10[%dma_start3A_237] : memref<25344xf32, #tpu.memory_space<vmem>> -> memref<1568xf32, #tpu.memory_space<vmem>>
    %dma_start3A_239 = tpu.memref_slice %arg8[%add3A_236] : memref<802816xf32, #tpu.memory_space<hbm>> -> memref<1568xf32, #tpu.memory_space<hbm>>
    %dma_start3A_240 = tpu.memref_slice %arg8[%add3A_236] : memref<802816xf32, #tpu.memory_space<hbm>> -> memref<1568xf32, #tpu.memory_space<hbm>>
    %dma_start3A_241 = arith.constant 19008 : i32
    %dma_start3A_242 = tpu.memref_slice %arg10[%dma_start3A_241] : memref<25344xf32, #tpu.memory_space<vmem>> -> memref<1568xf32, #tpu.memory_space<vmem>>
    tpu.enqueue_dma source(%dma_start3A_242 : memref<1568xf32, #tpu.memory_space<vmem>>) target(%dma_start3A_240 : memref<1568xf32, #tpu.memory_space<hbm>>) target_semaphore(%arg17 : memref<!tpu.dma_semaphore, #tpu.memory_space<semaphore_mem>>)
    %scan3A_243 = arith.constant 0 : i32
    %scan3A_244 = arith.constant 0 : i32
    %scan3A_245 = arith.constant 49 : i32
    %scan3A_246 = arith.addi %scan3A_244, %scan3A_245 : i32
    %scan3A_247 = arith.constant 1 : i32
    %scan3A_248 = scf.for %scan3A_415 = %scan3A_244 to %scan3A_246 step %scan3A_247 iter_args(%scan3A_416 = %scan3A_243) -> (i32)  : i32 {
      %mul3A_417 = arith.constant 32 : i32
      %mul3A_418 = arith.muli %scan3A_415, %mul3A_417 : i32
      %add3A_419 = arith.constant 20592 : i32
      %add3A_420 = arith.addi %add3A_419, %mul3A_418 : i32
      %add3A_421 = arith.constant 0 : i32
      %add3A_422 = arith.addi %add3A_420, %add3A_421 : i32
      %get3A_423 = arith.index_cast %add3A_422 : i32 to index
      %get3A_424 = tpu.vector_load %arg10[%get3A_423] {strides = array<i32>} : memref<25344xf32, #tpu.memory_space<vmem>>, vector<16xf32>,
      %get3A_425 = arith.index_cast %add3A_422 : i32 to index
      %get3A_426 = tpu.vector_load %arg11[%get3A_425] {strides = array<i32>} : memref<25344xf32, #tpu.memory_space<vmem>>, vector<16xf32>,
      %max3A = arith.maximumf %get3A_426, %broadcast_in_dim3A_29 : vector<16xf32>
      %div3A = arith.divf %get3A_424, %max3A : vector<16xf32>
      %swap3A_427 = arith.index_cast %add3A_422 : i32 to index
      %swap3A_428 = tpu.vector_load %arg10[%swap3A_427] {strides = array<i32>} : memref<25344xf32, #tpu.memory_space<vmem>>, vector<16xf32>,
      tpu.vector_store %arg10[%swap3A_427], %div3A {strides = array<i32>} : memref<25344xf32, #tpu.memory_space<vmem>>, vector<16xf32>,
      %add3A_429 = arith.constant 16 : i32
      %add3A_430 = arith.addi %add3A_420, %add3A_429 : i32
      %get3A_431 = arith.index_cast %add3A_430 : i32 to index
      %get3A_432 = tpu.vector_load %arg10[%get3A_431] {strides = array<i32>} : memref<25344xf32, #tpu.memory_space<vmem>>, vector<16xf32>,
      %get3A_433 = arith.index_cast %add3A_430 : i32 to index
      %get3A_434 = tpu.vector_load %arg11[%get3A_433] {strides = array<i32>} : memref<25344xf32, #tpu.memory_space<vmem>>, vector<16xf32>,
      %max3A_435 = arith.maximumf %get3A_434, %broadcast_in_dim3A_29 : vector<16xf32>
      %div3A_436 = arith.divf %get3A_432, %max3A_435 : vector<16xf32>
      %swap3A_437 = arith.index_cast %add3A_430 : i32 to index
      %swap3A_438 = tpu.vector_load %arg10[%swap3A_437] {strides = array<i32>} : memref<25344xf32, #tpu.memory_space<vmem>>, vector<16xf32>,
      tpu.vector_store %arg10[%swap3A_437], %div3A_436 {strides = array<i32>} : memref<25344xf32, #tpu.memory_space<vmem>>, vector<16xf32>,
      %scan3A_439 = arith.constant 0 : i32
      scf.yield %scan3A_439 : i32
    }
    %scan3A_249 = arith.constant 49 : i32
    %add3A_250 = arith.constant 652288 : i32
    %add3A_251 = arith.addi %add3A_250, %mul3A_2 : i32
    %dma_start3A_252 = arith.constant 20592 : i32
    %dma_start3A_253 = tpu.memref_slice %arg10[%dma_start3A_252] : memref<25344xf32, #tpu.memory_space<vmem>> -> memref<1568xf32, #tpu.memory_space<vmem>>
    %dma_start3A_254 = tpu.memref_slice %arg8[%add3A_251] : memref<802816xf32, #tpu.memory_space<hbm>> -> memref<1568xf32, #tpu.memory_space<hbm>>
    %dma_start3A_255 = tpu.memref_slice %arg8[%add3A_251] : memref<802816xf32, #tpu.memory_space<hbm>> -> memref<1568xf32, #tpu.memory_space<hbm>>
    %dma_start3A_256 = arith.constant 20592 : i32
    %dma_start3A_257 = tpu.memref_slice %arg10[%dma_start3A_256] : memref<25344xf32, #tpu.memory_space<vmem>> -> memref<1568xf32, #tpu.memory_space<vmem>>
    tpu.enqueue_dma source(%dma_start3A_257 : memref<1568xf32, #tpu.memory_space<vmem>>) target(%dma_start3A_255 : memref<1568xf32, #tpu.memory_space<hbm>>) target_semaphore(%arg17 : memref<!tpu.dma_semaphore, #tpu.memory_space<semaphore_mem>>)
    %scan3A_258 = arith.constant 0 : i32
    %scan3A_259 = arith.constant 0 : i32
    %scan3A_260 = arith.constant 49 : i32
    %scan3A_261 = arith.addi %scan3A_259, %scan3A_260 : i32
    %scan3A_262 = arith.constant 1 : i32
    %scan3A_263 = scf.for %scan3A_415 = %scan3A_259 to %scan3A_261 step %scan3A_262 iter_args(%scan3A_416 = %scan3A_258) -> (i32)  : i32 {
      %mul3A_417 = arith.constant 32 : i32
      %mul3A_418 = arith.muli %scan3A_415, %mul3A_417 : i32
      %add3A_419 = arith.constant 22176 : i32
      %add3A_420 = arith.addi %add3A_419, %mul3A_418 : i32
      %add3A_421 = arith.constant 0 : i32
      %add3A_422 = arith.addi %add3A_420, %add3A_421 : i32
      %get3A_423 = arith.index_cast %add3A_422 : i32 to index
      %get3A_424 = tpu.vector_load %arg10[%get3A_423] {strides = array<i32>} : memref<25344xf32, #tpu.memory_space<vmem>>, vector<16xf32>,
      %get3A_425 = arith.index_cast %add3A_422 : i32 to index
      %get3A_426 = tpu.vector_load %arg11[%get3A_425] {strides = array<i32>} : memref<25344xf32, #tpu.memory_space<vmem>>, vector<16xf32>,
      %max3A = arith.maximumf %get3A_426, %broadcast_in_dim3A_29 : vector<16xf32>
      %div3A = arith.divf %get3A_424, %max3A : vector<16xf32>
      %swap3A_427 = arith.index_cast %add3A_422 : i32 to index
      %swap3A_428 = tpu.vector_load %arg10[%swap3A_427] {strides = array<i32>} : memref<25344xf32, #tpu.memory_space<vmem>>, vector<16xf32>,
      tpu.vector_store %arg10[%swap3A_427], %div3A {strides = array<i32>} : memref<25344xf32, #tpu.memory_space<vmem>>, vector<16xf32>,
      %add3A_429 = arith.constant 16 : i32
      %add3A_430 = arith.addi %add3A_420, %add3A_429 : i32
      %get3A_431 = arith.index_cast %add3A_430 : i32 to index
      %get3A_432 = tpu.vector_load %arg10[%get3A_431] {strides = array<i32>} : memref<25344xf32, #tpu.memory_space<vmem>>, vector<16xf32>,
      %get3A_433 = arith.index_cast %add3A_430 : i32 to index
      %get3A_434 = tpu.vector_load %arg11[%get3A_433] {strides = array<i32>} : memref<25344xf32, #tpu.memory_space<vmem>>, vector<16xf32>,
      %max3A_435 = arith.maximumf %get3A_434, %broadcast_in_dim3A_29 : vector<16xf32>
      %div3A_436 = arith.divf %get3A_432, %max3A_435 : vector<16xf32>
      %swap3A_437 = arith.index_cast %add3A_430 : i32 to index
      %swap3A_438 = tpu.vector_load %arg10[%swap3A_437] {strides = array<i32>} : memref<25344xf32, #tpu.memory_space<vmem>>, vector<16xf32>,
      tpu.vector_store %arg10[%swap3A_437], %div3A_436 {strides = array<i32>} : memref<25344xf32, #tpu.memory_space<vmem>>, vector<16xf32>,
      %scan3A_439 = arith.constant 0 : i32
      scf.yield %scan3A_439 : i32
    }
    %scan3A_264 = arith.constant 49 : i32
    %add3A_265 = arith.constant 702464 : i32
    %add3A_266 = arith.addi %add3A_265, %mul3A_2 : i32
    %dma_start3A_267 = arith.constant 22176 : i32
    %dma_start3A_268 = tpu.memref_slice %arg10[%dma_start3A_267] : memref<25344xf32, #tpu.memory_space<vmem>> -> memref<1568xf32, #tpu.memory_space<vmem>>
    %dma_start3A_269 = tpu.memref_slice %arg8[%add3A_266] : memref<802816xf32, #tpu.memory_space<hbm>> -> memref<1568xf32, #tpu.memory_space<hbm>>
    %dma_start3A_270 = tpu.memref_slice %arg8[%add3A_266] : memref<802816xf32, #tpu.memory_space<hbm>> -> memref<1568xf32, #tpu.memory_space<hbm>>
    %dma_start3A_271 = arith.constant 22176 : i32
    %dma_start3A_272 = tpu.memref_slice %arg10[%dma_start3A_271] : memref<25344xf32, #tpu.memory_space<vmem>> -> memref<1568xf32, #tpu.memory_space<vmem>>
    tpu.enqueue_dma source(%dma_start3A_272 : memref<1568xf32, #tpu.memory_space<vmem>>) target(%dma_start3A_270 : memref<1568xf32, #tpu.memory_space<hbm>>) target_semaphore(%arg17 : memref<!tpu.dma_semaphore, #tpu.memory_space<semaphore_mem>>)
    %scan3A_273 = arith.constant 0 : i32
    %scan3A_274 = arith.constant 0 : i32
    %scan3A_275 = arith.constant 49 : i32
    %scan3A_276 = arith.addi %scan3A_274, %scan3A_275 : i32
    %scan3A_277 = arith.constant 1 : i32
    %scan3A_278 = scf.for %scan3A_415 = %scan3A_274 to %scan3A_276 step %scan3A_277 iter_args(%scan3A_416 = %scan3A_273) -> (i32)  : i32 {
      %mul3A_417 = arith.constant 32 : i32
      %mul3A_418 = arith.muli %scan3A_415, %mul3A_417 : i32
      %add3A_419 = arith.constant 23760 : i32
      %add3A_420 = arith.addi %add3A_419, %mul3A_418 : i32
      %add3A_421 = arith.constant 0 : i32
      %add3A_422 = arith.addi %add3A_420, %add3A_421 : i32
      %get3A_423 = arith.index_cast %add3A_422 : i32 to index
      %get3A_424 = tpu.vector_load %arg10[%get3A_423] {strides = array<i32>} : memref<25344xf32, #tpu.memory_space<vmem>>, vector<16xf32>,
      %get3A_425 = arith.index_cast %add3A_422 : i32 to index
      %get3A_426 = tpu.vector_load %arg11[%get3A_425] {strides = array<i32>} : memref<25344xf32, #tpu.memory_space<vmem>>, vector<16xf32>,
      %max3A = arith.maximumf %get3A_426, %broadcast_in_dim3A_29 : vector<16xf32>
      %div3A = arith.divf %get3A_424, %max3A : vector<16xf32>
      %swap3A_427 = arith.index_cast %add3A_422 : i32 to index
      %swap3A_428 = tpu.vector_load %arg10[%swap3A_427] {strides = array<i32>} : memref<25344xf32, #tpu.memory_space<vmem>>, vector<16xf32>,
      tpu.vector_store %arg10[%swap3A_427], %div3A {strides = array<i32>} : memref<25344xf32, #tpu.memory_space<vmem>>, vector<16xf32>,
      %add3A_429 = arith.constant 16 : i32
      %add3A_430 = arith.addi %add3A_420, %add3A_429 : i32
      %get3A_431 = arith.index_cast %add3A_430 : i32 to index
      %get3A_432 = tpu.vector_load %arg10[%get3A_431] {strides = array<i32>} : memref<25344xf32, #tpu.memory_space<vmem>>, vector<16xf32>,
      %get3A_433 = arith.index_cast %add3A_430 : i32 to index
      %get3A_434 = tpu.vector_load %arg11[%get3A_433] {strides = array<i32>} : memref<25344xf32, #tpu.memory_space<vmem>>, vector<16xf32>,
      %max3A_435 = arith.maximumf %get3A_434, %broadcast_in_dim3A_29 : vector<16xf32>
      %div3A_436 = arith.divf %get3A_432, %max3A_435 : vector<16xf32>
      %swap3A_437 = arith.index_cast %add3A_430 : i32 to index
      %swap3A_438 = tpu.vector_load %arg10[%swap3A_437] {strides = array<i32>} : memref<25344xf32, #tpu.memory_space<vmem>>, vector<16xf32>,
      tpu.vector_store %arg10[%swap3A_437], %div3A_436 {strides = array<i32>} : memref<25344xf32, #tpu.memory_space<vmem>>, vector<16xf32>,
      %scan3A_439 = arith.constant 0 : i32
      scf.yield %scan3A_439 : i32
    }
    %scan3A_279 = arith.constant 49 : i32
    %add3A_280 = arith.constant 752640 : i32
    %add3A_281 = arith.addi %add3A_280, %mul3A_2 : i32
    %dma_start3A_282 = arith.constant 23760 : i32
    %dma_start3A_283 = tpu.memref_slice %arg10[%dma_start3A_282] : memref<25344xf32, #tpu.memory_space<vmem>> -> memref<1568xf32, #tpu.memory_space<vmem>>
    %dma_start3A_284 = tpu.memref_slice %arg8[%add3A_281] : memref<802816xf32, #tpu.memory_space<hbm>> -> memref<1568xf32, #tpu.memory_space<hbm>>
    %dma_start3A_285 = tpu.memref_slice %arg8[%add3A_281] : memref<802816xf32, #tpu.memory_space<hbm>> -> memref<1568xf32, #tpu.memory_space<hbm>>
    %dma_start3A_286 = arith.constant 23760 : i32
    %dma_start3A_287 = tpu.memref_slice %arg10[%dma_start3A_286] : memref<25344xf32, #tpu.memory_space<vmem>> -> memref<1568xf32, #tpu.memory_space<vmem>>
    tpu.enqueue_dma source(%dma_start3A_287 : memref<1568xf32, #tpu.memory_space<vmem>>) target(%dma_start3A_285 : memref<1568xf32, #tpu.memory_space<hbm>>) target_semaphore(%arg17 : memref<!tpu.dma_semaphore, #tpu.memory_space<semaphore_mem>>)
    %add3A_288 = arith.constant 0 : i32
    %add3A_289 = arith.addi %add3A_288, %mul3A_2 : i32
    %dma_wait3A = arith.constant 0 : i32
    %dma_wait3A_290 = tpu.memref_slice %arg10[%dma_wait3A] : memref<25344xf32, #tpu.memory_space<vmem>> -> memref<1568xf32, #tpu.memory_space<vmem>>
    %dma_wait3A_291 = tpu.memref_slice %arg8[%add3A_289] : memref<802816xf32, #tpu.memory_space<hbm>> -> memref<1568xf32, #tpu.memory_space<hbm>>
    %dma_wait3A_292 = tpu.memref_slice %arg8[%add3A_289] : memref<802816xf32, #tpu.memory_space<hbm>> -> memref<1568xf32, #tpu.memory_space<hbm>>
    %dma_wait3A_293 = arith.constant 0 : i32
    %dma_wait3A_294 = tpu.memref_slice %arg10[%dma_wait3A_293] : memref<25344xf32, #tpu.memory_space<vmem>> -> memref<1568xf32, #tpu.memory_space<vmem>>
    tpu.wait_dma2 semaphore(%arg17 : memref<!tpu.dma_semaphore, #tpu.memory_space<semaphore_mem>>) src(%dma_wait3A_294 : memref<1568xf32, #tpu.memory_space<vmem>>) dst(%dma_wait3A_292 : memref<1568xf32, #tpu.memory_space<hbm>>)
    %add3A_295 = arith.constant 50176 : i32
    %add3A_296 = arith.addi %add3A_295, %mul3A_2 : i32
    %dma_wait3A_297 = arith.constant 1584 : i32
    %dma_wait3A_298 = tpu.memref_slice %arg10[%dma_wait3A_297] : memref<25344xf32, #tpu.memory_space<vmem>> -> memref<1568xf32, #tpu.memory_space<vmem>>
    %dma_wait3A_299 = tpu.memref_slice %arg8[%add3A_296] : memref<802816xf32, #tpu.memory_space<hbm>> -> memref<1568xf32, #tpu.memory_space<hbm>>
    %dma_wait3A_300 = tpu.memref_slice %arg8[%add3A_296] : memref<802816xf32, #tpu.memory_space<hbm>> -> memref<1568xf32, #tpu.memory_space<hbm>>
    %dma_wait3A_301 = arith.constant 1584 : i32
    %dma_wait3A_302 = tpu.memref_slice %arg10[%dma_wait3A_301] : memref<25344xf32, #tpu.memory_space<vmem>> -> memref<1568xf32, #tpu.memory_space<vmem>>
    tpu.wait_dma2 semaphore(%arg17 : memref<!tpu.dma_semaphore, #tpu.memory_space<semaphore_mem>>) src(%dma_wait3A_302 : memref<1568xf32, #tpu.memory_space<vmem>>) dst(%dma_wait3A_300 : memref<1568xf32, #tpu.memory_space<hbm>>)
    %add3A_303 = arith.constant 100352 : i32
    %add3A_304 = arith.addi %add3A_303, %mul3A_2 : i32
    %dma_wait3A_305 = arith.constant 3168 : i32
    %dma_wait3A_306 = tpu.memref_slice %arg10[%dma_wait3A_305] : memref<25344xf32, #tpu.memory_space<vmem>> -> memref<1568xf32, #tpu.memory_space<vmem>>
    %dma_wait3A_307 = tpu.memref_slice %arg8[%add3A_304] : memref<802816xf32, #tpu.memory_space<hbm>> -> memref<1568xf32, #tpu.memory_space<hbm>>
    %dma_wait3A_308 = tpu.memref_slice %arg8[%add3A_304] : memref<802816xf32, #tpu.memory_space<hbm>> -> memref<1568xf32, #tpu.memory_space<hbm>>
    %dma_wait3A_309 = arith.constant 3168 : i32
    %dma_wait3A_310 = tpu.memref_slice %arg10[%dma_wait3A_309] : memref<25344xf32, #tpu.memory_space<vmem>> -> memref<1568xf32, #tpu.memory_space<vmem>>
    tpu.wait_dma2 semaphore(%arg17 : memref<!tpu.dma_semaphore, #tpu.memory_space<semaphore_mem>>) src(%dma_wait3A_310 : memref<1568xf32, #tpu.memory_space<vmem>>) dst(%dma_wait3A_308 : memref<1568xf32, #tpu.memory_space<hbm>>)
    %add3A_311 = arith.constant 150528 : i32
    %add3A_312 = arith.addi %add3A_311, %mul3A_2 : i32
    %dma_wait3A_313 = arith.constant 4752 : i32
    %dma_wait3A_314 = tpu.memref_slice %arg10[%dma_wait3A_313] : memref<25344xf32, #tpu.memory_space<vmem>> -> memref<1568xf32, #tpu.memory_space<vmem>>
    %dma_wait3A_315 = tpu.memref_slice %arg8[%add3A_312] : memref<802816xf32, #tpu.memory_space<hbm>> -> memref<1568xf32, #tpu.memory_space<hbm>>
    %dma_wait3A_316 = tpu.memref_slice %arg8[%add3A_312] : memref<802816xf32, #tpu.memory_space<hbm>> -> memref<1568xf32, #tpu.memory_space<hbm>>
    %dma_wait3A_317 = arith.constant 4752 : i32
    %dma_wait3A_318 = tpu.memref_slice %arg10[%dma_wait3A_317] : memref<25344xf32, #tpu.memory_space<vmem>> -> memref<1568xf32, #tpu.memory_space<vmem>>
    tpu.wait_dma2 semaphore(%arg17 : memref<!tpu.dma_semaphore, #tpu.memory_space<semaphore_mem>>) src(%dma_wait3A_318 : memref<1568xf32, #tpu.memory_space<vmem>>) dst(%dma_wait3A_316 : memref<1568xf32, #tpu.memory_space<hbm>>)
    %add3A_319 = arith.constant 200704 : i32
    %add3A_320 = arith.addi %add3A_319, %mul3A_2 : i32
    %dma_wait3A_321 = arith.constant 6336 : i32
    %dma_wait3A_322 = tpu.memref_slice %arg10[%dma_wait3A_321] : memref<25344xf32, #tpu.memory_space<vmem>> -> memref<1568xf32, #tpu.memory_space<vmem>>
    %dma_wait3A_323 = tpu.memref_slice %arg8[%add3A_320] : memref<802816xf32, #tpu.memory_space<hbm>> -> memref<1568xf32, #tpu.memory_space<hbm>>
    %dma_wait3A_324 = tpu.memref_slice %arg8[%add3A_320] : memref<802816xf32, #tpu.memory_space<hbm>> -> memref<1568xf32, #tpu.memory_space<hbm>>
    %dma_wait3A_325 = arith.constant 6336 : i32
    %dma_wait3A_326 = tpu.memref_slice %arg10[%dma_wait3A_325] : memref<25344xf32, #tpu.memory_space<vmem>> -> memref<1568xf32, #tpu.memory_space<vmem>>
    tpu.wait_dma2 semaphore(%arg17 : memref<!tpu.dma_semaphore, #tpu.memory_space<semaphore_mem>>) src(%dma_wait3A_326 : memref<1568xf32, #tpu.memory_space<vmem>>) dst(%dma_wait3A_324 : memref<1568xf32, #tpu.memory_space<hbm>>)
    %add3A_327 = arith.constant 250880 : i32
    %add3A_328 = arith.addi %add3A_327, %mul3A_2 : i32
    %dma_wait3A_329 = arith.constant 7920 : i32
    %dma_wait3A_330 = tpu.memref_slice %arg10[%dma_wait3A_329] : memref<25344xf32, #tpu.memory_space<vmem>> -> memref<1568xf32, #tpu.memory_space<vmem>>
    %dma_wait3A_331 = tpu.memref_slice %arg8[%add3A_328] : memref<802816xf32, #tpu.memory_space<hbm>> -> memref<1568xf32, #tpu.memory_space<hbm>>
    %dma_wait3A_332 = tpu.memref_slice %arg8[%add3A_328] : memref<802816xf32, #tpu.memory_space<hbm>> -> memref<1568xf32, #tpu.memory_space<hbm>>
    %dma_wait3A_333 = arith.constant 7920 : i32
    %dma_wait3A_334 = tpu.memref_slice %arg10[%dma_wait3A_333] : memref<25344xf32, #tpu.memory_space<vmem>> -> memref<1568xf32, #tpu.memory_space<vmem>>
    tpu.wait_dma2 semaphore(%arg17 : memref<!tpu.dma_semaphore, #tpu.memory_space<semaphore_mem>>) src(%dma_wait3A_334 : memref<1568xf32, #tpu.memory_space<vmem>>) dst(%dma_wait3A_332 : memref<1568xf32, #tpu.memory_space<hbm>>)
    %add3A_335 = arith.constant 301056 : i32
    %add3A_336 = arith.addi %add3A_335, %mul3A_2 : i32
    %dma_wait3A_337 = arith.constant 9504 : i32
    %dma_wait3A_338 = tpu.memref_slice %arg10[%dma_wait3A_337] : memref<25344xf32, #tpu.memory_space<vmem>> -> memref<1568xf32, #tpu.memory_space<vmem>>
    %dma_wait3A_339 = tpu.memref_slice %arg8[%add3A_336] : memref<802816xf32, #tpu.memory_space<hbm>> -> memref<1568xf32, #tpu.memory_space<hbm>>
    %dma_wait3A_340 = tpu.memref_slice %arg8[%add3A_336] : memref<802816xf32, #tpu.memory_space<hbm>> -> memref<1568xf32, #tpu.memory_space<hbm>>
    %dma_wait3A_341 = arith.constant 9504 : i32
    %dma_wait3A_342 = tpu.memref_slice %arg10[%dma_wait3A_341] : memref<25344xf32, #tpu.memory_space<vmem>> -> memref<1568xf32, #tpu.memory_space<vmem>>
    tpu.wait_dma2 semaphore(%arg17 : memref<!tpu.dma_semaphore, #tpu.memory_space<semaphore_mem>>) src(%dma_wait3A_342 : memref<1568xf32, #tpu.memory_space<vmem>>) dst(%dma_wait3A_340 : memref<1568xf32, #tpu.memory_space<hbm>>)
    %add3A_343 = arith.constant 351232 : i32
    %add3A_344 = arith.addi %add3A_343, %mul3A_2 : i32
    %dma_wait3A_345 = arith.constant 11088 : i32
    %dma_wait3A_346 = tpu.memref_slice %arg10[%dma_wait3A_345] : memref<25344xf32, #tpu.memory_space<vmem>> -> memref<1568xf32, #tpu.memory_space<vmem>>
    %dma_wait3A_347 = tpu.memref_slice %arg8[%add3A_344] : memref<802816xf32, #tpu.memory_space<hbm>> -> memref<1568xf32, #tpu.memory_space<hbm>>
    %dma_wait3A_348 = tpu.memref_slice %arg8[%add3A_344] : memref<802816xf32, #tpu.memory_space<hbm>> -> memref<1568xf32, #tpu.memory_space<hbm>>
    %dma_wait3A_349 = arith.constant 11088 : i32
    %dma_wait3A_350 = tpu.memref_slice %arg10[%dma_wait3A_349] : memref<25344xf32, #tpu.memory_space<vmem>> -> memref<1568xf32, #tpu.memory_space<vmem>>
    tpu.wait_dma2 semaphore(%arg17 : memref<!tpu.dma_semaphore, #tpu.memory_space<semaphore_mem>>) src(%dma_wait3A_350 : memref<1568xf32, #tpu.memory_space<vmem>>) dst(%dma_wait3A_348 : memref<1568xf32, #tpu.memory_space<hbm>>)
    %add3A_351 = arith.constant 401408 : i32
    %add3A_352 = arith.addi %add3A_351, %mul3A_2 : i32
    %dma_wait3A_353 = arith.constant 12672 : i32
    %dma_wait3A_354 = tpu.memref_slice %arg10[%dma_wait3A_353] : memref<25344xf32, #tpu.memory_space<vmem>> -> memref<1568xf32, #tpu.memory_space<vmem>>
    %dma_wait3A_355 = tpu.memref_slice %arg8[%add3A_352] : memref<802816xf32, #tpu.memory_space<hbm>> -> memref<1568xf32, #tpu.memory_space<hbm>>
    %dma_wait3A_356 = tpu.memref_slice %arg8[%add3A_352] : memref<802816xf32, #tpu.memory_space<hbm>> -> memref<1568xf32, #tpu.memory_space<hbm>>
    %dma_wait3A_357 = arith.constant 12672 : i32
    %dma_wait3A_358 = tpu.memref_slice %arg10[%dma_wait3A_357] : memref<25344xf32, #tpu.memory_space<vmem>> -> memref<1568xf32, #tpu.memory_space<vmem>>
    tpu.wait_dma2 semaphore(%arg17 : memref<!tpu.dma_semaphore, #tpu.memory_space<semaphore_mem>>) src(%dma_wait3A_358 : memref<1568xf32, #tpu.memory_space<vmem>>) dst(%dma_wait3A_356 : memref<1568xf32, #tpu.memory_space<hbm>>)
    %add3A_359 = arith.constant 451584 : i32
    %add3A_360 = arith.addi %add3A_359, %mul3A_2 : i32
    %dma_wait3A_361 = arith.constant 14256 : i32
    %dma_wait3A_362 = tpu.memref_slice %arg10[%dma_wait3A_361] : memref<25344xf32, #tpu.memory_space<vmem>> -> memref<1568xf32, #tpu.memory_space<vmem>>
    %dma_wait3A_363 = tpu.memref_slice %arg8[%add3A_360] : memref<802816xf32, #tpu.memory_space<hbm>> -> memref<1568xf32, #tpu.memory_space<hbm>>
    %dma_wait3A_364 = tpu.memref_slice %arg8[%add3A_360] : memref<802816xf32, #tpu.memory_space<hbm>> -> memref<1568xf32, #tpu.memory_space<hbm>>
    %dma_wait3A_365 = arith.constant 14256 : i32
    %dma_wait3A_366 = tpu.memref_slice %arg10[%dma_wait3A_365] : memref<25344xf32, #tpu.memory_space<vmem>> -> memref<1568xf32, #tpu.memory_space<vmem>>
    tpu.wait_dma2 semaphore(%arg17 : memref<!tpu.dma_semaphore, #tpu.memory_space<semaphore_mem>>) src(%dma_wait3A_366 : memref<1568xf32, #tpu.memory_space<vmem>>) dst(%dma_wait3A_364 : memref<1568xf32, #tpu.memory_space<hbm>>)
    %add3A_367 = arith.constant 501760 : i32
    %add3A_368 = arith.addi %add3A_367, %mul3A_2 : i32
    %dma_wait3A_369 = arith.constant 15840 : i32
    %dma_wait3A_370 = tpu.memref_slice %arg10[%dma_wait3A_369] : memref<25344xf32, #tpu.memory_space<vmem>> -> memref<1568xf32, #tpu.memory_space<vmem>>
    %dma_wait3A_371 = tpu.memref_slice %arg8[%add3A_368] : memref<802816xf32, #tpu.memory_space<hbm>> -> memref<1568xf32, #tpu.memory_space<hbm>>
    %dma_wait3A_372 = tpu.memref_slice %arg8[%add3A_368] : memref<802816xf32, #tpu.memory_space<hbm>> -> memref<1568xf32, #tpu.memory_space<hbm>>
    %dma_wait3A_373 = arith.constant 15840 : i32
    %dma_wait3A_374 = tpu.memref_slice %arg10[%dma_wait3A_373] : memref<25344xf32, #tpu.memory_space<vmem>> -> memref<1568xf32, #tpu.memory_space<vmem>>
    tpu.wait_dma2 semaphore(%arg17 : memref<!tpu.dma_semaphore, #tpu.memory_space<semaphore_mem>>) src(%dma_wait3A_374 : memref<1568xf32, #tpu.memory_space<vmem>>) dst(%dma_wait3A_372 : memref<1568xf32, #tpu.memory_space<hbm>>)
    %add3A_375 = arith.constant 551936 : i32
    %add3A_376 = arith.addi %add3A_375, %mul3A_2 : i32
    %dma_wait3A_377 = arith.constant 17424 : i32
    %dma_wait3A_378 = tpu.memref_slice %arg10[%dma_wait3A_377] : memref<25344xf32, #tpu.memory_space<vmem>> -> memref<1568xf32, #tpu.memory_space<vmem>>
    %dma_wait3A_379 = tpu.memref_slice %arg8[%add3A_376] : memref<802816xf32, #tpu.memory_space<hbm>> -> memref<1568xf32, #tpu.memory_space<hbm>>
    %dma_wait3A_380 = tpu.memref_slice %arg8[%add3A_376] : memref<802816xf32, #tpu.memory_space<hbm>> -> memref<1568xf32, #tpu.memory_space<hbm>>
    %dma_wait3A_381 = arith.constant 17424 : i32
    %dma_wait3A_382 = tpu.memref_slice %arg10[%dma_wait3A_381] : memref<25344xf32, #tpu.memory_space<vmem>> -> memref<1568xf32, #tpu.memory_space<vmem>>
    tpu.wait_dma2 semaphore(%arg17 : memref<!tpu.dma_semaphore, #tpu.memory_space<semaphore_mem>>) src(%dma_wait3A_382 : memref<1568xf32, #tpu.memory_space<vmem>>) dst(%dma_wait3A_380 : memref<1568xf32, #tpu.memory_space<hbm>>)
    %add3A_383 = arith.constant 602112 : i32
    %add3A_384 = arith.addi %add3A_383, %mul3A_2 : i32
    %dma_wait3A_385 = arith.constant 19008 : i32
    %dma_wait3A_386 = tpu.memref_slice %arg10[%dma_wait3A_385] : memref<25344xf32, #tpu.memory_space<vmem>> -> memref<1568xf32, #tpu.memory_space<vmem>>
    %dma_wait3A_387 = tpu.memref_slice %arg8[%add3A_384] : memref<802816xf32, #tpu.memory_space<hbm>> -> memref<1568xf32, #tpu.memory_space<hbm>>
    %dma_wait3A_388 = tpu.memref_slice %arg8[%add3A_384] : memref<802816xf32, #tpu.memory_space<hbm>> -> memref<1568xf32, #tpu.memory_space<hbm>>
    %dma_wait3A_389 = arith.constant 19008 : i32
    %dma_wait3A_390 = tpu.memref_slice %arg10[%dma_wait3A_389] : memref<25344xf32, #tpu.memory_space<vmem>> -> memref<1568xf32, #tpu.memory_space<vmem>>
    tpu.wait_dma2 semaphore(%arg17 : memref<!tpu.dma_semaphore, #tpu.memory_space<semaphore_mem>>) src(%dma_wait3A_390 : memref<1568xf32, #tpu.memory_space<vmem>>) dst(%dma_wait3A_388 : memref<1568xf32, #tpu.memory_space<hbm>>)
    %add3A_391 = arith.constant 652288 : i32
    %add3A_392 = arith.addi %add3A_391, %mul3A_2 : i32
    %dma_wait3A_393 = arith.constant 20592 : i32
    %dma_wait3A_394 = tpu.memref_slice %arg10[%dma_wait3A_393] : memref<25344xf32, #tpu.memory_space<vmem>> -> memref<1568xf32, #tpu.memory_space<vmem>>
    %dma_wait3A_395 = tpu.memref_slice %arg8[%add3A_392] : memref<802816xf32, #tpu.memory_space<hbm>> -> memref<1568xf32, #tpu.memory_space<hbm>>
    %dma_wait3A_396 = tpu.memref_slice %arg8[%add3A_392] : memref<802816xf32, #tpu.memory_space<hbm>> -> memref<1568xf32, #tpu.memory_space<hbm>>
    %dma_wait3A_397 = arith.constant 20592 : i32
    %dma_wait3A_398 = tpu.memref_slice %arg10[%dma_wait3A_397] : memref<25344xf32, #tpu.memory_space<vmem>> -> memref<1568xf32, #tpu.memory_space<vmem>>
    tpu.wait_dma2 semaphore(%arg17 : memref<!tpu.dma_semaphore, #tpu.memory_space<semaphore_mem>>) src(%dma_wait3A_398 : memref<1568xf32, #tpu.memory_space<vmem>>) dst(%dma_wait3A_396 : memref<1568xf32, #tpu.memory_space<hbm>>)
    %add3A_399 = arith.constant 702464 : i32
    %add3A_400 = arith.addi %add3A_399, %mul3A_2 : i32
    %dma_wait3A_401 = arith.constant 22176 : i32
    %dma_wait3A_402 = tpu.memref_slice %arg10[%dma_wait3A_401] : memref<25344xf32, #tpu.memory_space<vmem>> -> memref<1568xf32, #tpu.memory_space<vmem>>
    %dma_wait3A_403 = tpu.memref_slice %arg8[%add3A_400] : memref<802816xf32, #tpu.memory_space<hbm>> -> memref<1568xf32, #tpu.memory_space<hbm>>
    %dma_wait3A_404 = tpu.memref_slice %arg8[%add3A_400] : memref<802816xf32, #tpu.memory_space<hbm>> -> memref<1568xf32, #tpu.memory_space<hbm>>
    %dma_wait3A_405 = arith.constant 22176 : i32
    %dma_wait3A_406 = tpu.memref_slice %arg10[%dma_wait3A_405] : memref<25344xf32, #tpu.memory_space<vmem>> -> memref<1568xf32, #tpu.memory_space<vmem>>
    tpu.wait_dma2 semaphore(%arg17 : memref<!tpu.dma_semaphore, #tpu.memory_space<semaphore_mem>>) src(%dma_wait3A_406 : memref<1568xf32, #tpu.memory_space<vmem>>) dst(%dma_wait3A_404 : memref<1568xf32, #tpu.memory_space<hbm>>)
    %add3A_407 = arith.constant 752640 : i32
    %add3A_408 = arith.addi %add3A_407, %mul3A_2 : i32
    %dma_wait3A_409 = arith.constant 23760 : i32
    %dma_wait3A_410 = tpu.memref_slice %arg10[%dma_wait3A_409] : memref<25344xf32, #tpu.memory_space<vmem>> -> memref<1568xf32, #tpu.memory_space<vmem>>
    %dma_wait3A_411 = tpu.memref_slice %arg8[%add3A_408] : memref<802816xf32, #tpu.memory_space<hbm>> -> memref<1568xf32, #tpu.memory_space<hbm>>
    %dma_wait3A_412 = tpu.memref_slice %arg8[%add3A_408] : memref<802816xf32, #tpu.memory_space<hbm>> -> memref<1568xf32, #tpu.memory_space<hbm>>
    %dma_wait3A_413 = arith.constant 23760 : i32
    %dma_wait3A_414 = tpu.memref_slice %arg10[%dma_wait3A_413] : memref<25344xf32, #tpu.memory_space<vmem>> -> memref<1568xf32, #tpu.memory_space<vmem>>
    tpu.wait_dma2 semaphore(%arg17 : memref<!tpu.dma_semaphore, #tpu.memory_space<semaphore_mem>>) src(%dma_wait3A_414 : memref<1568xf32, #tpu.memory_space<vmem>>) dst(%dma_wait3A_412 : memref<1568xf32, #tpu.memory_space<hbm>>)
    return
  }
}

module attributes {stable_mosaic.version = 14 : i64} {
  func.func @_pred_body(%arg0: i32, %arg1: memref<16x64000xf32, #tpu.memory_space<vmem>>, %arg2: memref<1600000xi32, #tpu.memory_space<vmem>>) attributes {dimension_semantics = [#tpu.dimension_semantics<arbitrary>], iteration_bounds = array<i64: 25>, scalar_prefetch = 0 : i64, scratch_operands = 0 : i64, tpu.core_type = #tpu.core_type<tc>, window_params = [{transform_indices = @transform_0, window_bounds = array<i64: 16, 64000>}, {pipeline_mode = #tpu.pipeline_mode<synchronous>, transform_indices = @transform_1, window_bounds = array<i64: 1600000>}]} {
    %get3A = arith.constant 0 : index
    %get3A_0 = arith.constant 0 : index
    %get3A_1 = vector.load %arg1[%get3A, %get3A_0] : memref<16x64000xf32, #tpu.memory_space<vmem>>, vector<16x64000xf32>
    %iota3A = tpu.iota {dimensions = array<i32: 0>} : vector<16x1xi32>
    %convert_element_type3A = arith.sitofp %iota3A : vector<16x1xi32> to vector<16x1xf32>
    %mul3A = vector.broadcast %convert_element_type3A : vector<16x1xf32> to vector<16x64000xf32>
    %mul3A_2 = arith.mulf %get3A_1, %mul3A : vector<16x64000xf32>
    %reduce_sum3A = arith.constant dense<0.000000e+00> : vector<64000xf32>
    %reduce_sum3A_3 = vector.multi_reduction <add>, %mul3A_2, %reduce_sum3A [0] : vector<16x64000xf32> to vector<64000xf32>
    %convert_element_type3A_4 = arith.fptosi %reduce_sum3A_3 : vector<64000xf32> to vector<64000xi32>
    %mul3A_5 = arith.constant 64000 : i32
    %mul3A_6 = arith.muli %arg0, %mul3A_5 : i32
    %swap3A = arith.index_cast %mul3A_6 : i32 to index
    %swap3A_7 = vector.load %arg2[%swap3A] : memref<1600000xi32, #tpu.memory_space<vmem>>, vector<64000xi32>
    tpu.vector_store %arg2[%swap3A], %convert_element_type3A_4 {strides = array<i32>} : memref<1600000xi32, #tpu.memory_space<vmem>>, vector<64000xi32>,
    return
  }
  func.func @transform_0(%arg0: i32) -> (i32, i32) {
    %c0_i32 = arith.constant 0 : i32
    %c0_i32_0 = arith.constant 0 : i32
    return %c0_i32, %arg0 : i32, i32
  }
  func.func @transform_1(%arg0: i32) -> i32 {
    %c0_i32 = arith.constant 0 : i32
    %c0_i32_0 = arith.constant 0 : i32
    return %c0_i32 : i32
  }
}

</mosaic_0001>

<sc_bundles>
// kernel: _run.4.cloned.1.call-start
scs
__scs_entry_jumppad:
0x0: {  	(pc) =	sbr.rel $0x88, $3  }
0x1: {  	(tag) =	ssettag $0x0;
	lr =	simm.s32 $0x1  }
0x2: {  	[smem:$0x3F9B] =	sst lr;
	_ =	strace $0xD0000000  }
0x3: {  	_ = 	snop  }
0x4: {  	_ = 	snop  }
0x5: {  	_ = 	snop  }
0x6: {  	_ = 	snop  }
0x7: {  	_ = 	snop  }
__scs_overlays_trampoline_lowered:
0x8: {  	[smem:$0x3FAA] =	sst s0  }
0x9: {  	[smem:$0x3FAB] =	sst s1  }
0xa: {  	[smem:$0x3FAC] =	sst s2  }
0xb: {  	[smem:$0x3FAD] =	sst s3  }
0xc: {  	[smem:$0x3FAE] =	sst s4  }
0xd: {  	[smem:$0x3FAF] =	sst s5  }
0xe: {  	[smem:$0x3FB0] =	sst s6  }
0xf: {  	[smem:$0x3FB1] =	sst s7  }
0x10: {  	[smem:$0x3FB2] =	sst s8  }
0x11: {  	[smem:$0x3FB3] =	sst s9;
	s0 =	simm.s32 @!p0 $0x0  }
0x12: {  	s1 =	sld [smem:$0x3F99];
	s0 =	simm.s32 @p0 $0x1  }
0x13: {  	[smem:$0x3FB4] =	sst s0;
	s0 =	simm.s32 @!p1 $0x0  }
0x14: {  	s2 =	sld [smem:$0x3F98];
	s0 =	simm.s32 @p1 $0x1  }
0x15: {  	[smem:$0x3FB5] =	sst s0;
	s0 =	simm.s32 @!p2 $0x0  }
0x16: {  	s3 =	sld [smem:$0x3FDB];
	s0 =	simm.s32 @p2 $0x1  }
0x17: {  	s4 =	simm.s32 $0x1BF5;
	[smem:$0x3FB7] =	sst s0  }
0x18: {  	s0 =	sld [smem:$0x3F9A];
	_ =	swait.ge [sflag:s4], $0x0  }
0x19: {  	s7 =	sld [smem:$0x3F9B]  }
0x1a: {  	s8 =	sadd.s32 $0xFFFFE003, lr  }
0x1b: {  	s9 =	sadd.s32 $0xFFFFFEF7, lr;
	s5 =	simm.s32 $0xFFFFFFFF;
	p2 =	slt.u32 s8, $0xFFFFF086  }
0x1c: {  	p1 =	slt.u32 s9, $0xF7A;
	s5 =	simm.s32 @!p2 $0x0  }
0x1d: {  	s5 =	simm.s32 @p1 $0x1;
	p0 =	seq.s32 s7, s2  }
0x1e: {  	s7 =	smul.u32 @!p0 $0xF7A, s2;
	p2 =	seq.s32 @!p0 s5, $0x0  }
0x1f: {  	s9 =	smul.u32 $0xF7A, s1;
	s8 =	simm.s32 @!p0 $0x1BF5;
	p2 =	por !p2, p0  }
0x20: {  	[sflag:s8] =	ssyncset.s32 @!p0 $0xFFFFF086;
	s6 =	sadd.s32 @!p0 s3, s7;
	s7 =	simm.s32 @!p0 $0x108  }
0x21: {  	s3 =	sadd.s32 s3, s9;
	s6 =	sadd.s32 @!p0 $0x88, s6;
	s7 =	simm.s32 @p2 $0x1082  }
0x22: {  	[simem:s7], [sflag:s8] =	dma.local @!p0 [hbm:s6], $0xF7A  }
0x23: {  	s9 =	sor.u32 $0xD0000000, s2;
	s6 =	simm.s32 $0x108;
	_ =	swait.ge @!p0 [sflag:s8], $0x0  }
0x24: {  	s3 =	sadd.s32 $0x88, s3;
	s6 =	simm.s32 @!p1 $0x1082;
	[sflag:s4] =	ssyncset.s32 $0xFFFFF086  }
0x25: {  	[simem:s6], [sflag:s4] =	dma.local [hbm:s3], $0xF7A  }
0x26: {  	[smem:$0x3F9B] =	sst s1;
	(tag) =	ssettag s2;
	_ =	strace s9  }
0x27: {  	s1 =	sld [smem:$0x3FAB]  }
0x28: {  	s2 =	sld [smem:$0x3FAC]  }
0x29: {  	s4 =	sld [smem:$0x3FAE]  }
0x2a: {  	p0 =	seq.s32 s5, $0x0;
	s5 =	sld [smem:$0x3FAF]  }
0x2b: {  	s6 =	sld [smem:$0x3FB0]  }
0x2c: {  	s7 =	sld [smem:$0x3FB1]  }
0x2d: {  	s3 =	simm.s32 $0x108;
	s8 =	sld [smem:$0x3FB2]  }
0x2e: {  	s3 =	simm.s32 @!p0 $0x1082;
	s9 =	sld [smem:$0x3FB3]  }
0x2f: {  	lr =	sadd.s32 s0, s3;
	s0 =	sld [smem:$0x3FAA]  }
0x30: {  	s3 =	sld [smem:$0x3FAD]  }
0x31: {  	[smem:$0x3FB6] =	sst s10  }
0x32: {  	s10 =	sld [smem:$0x3FB4];
	_ =	sdelay $0x3  }
0x33: {  	p0 =	seq.s32 s10, $0x1;
	s10 =	sld [smem:$0x3FB6];
	_ =	sdelay $0x3  }
0x34: {  	[smem:$0x3FB6] =	sst s10  }
0x35: {  	s10 =	sld [smem:$0x3FB5];
	_ =	sdelay $0x3  }
0x36: {  	p1 =	seq.s32 s10, $0x1;
	s10 =	sld [smem:$0x3FB6];
	_ =	sdelay $0x3  }
0x37: {  	[smem:$0x3FB6] =	sst s10  }
0x38: {  	s10 =	sld [smem:$0x3FB7]  }
0x39: {  	_ = 	snop;
	(pc) =	sbr.ind lr, $3  }
0x3a: {  	_ = 	snop  }
0x3b: {  	_ = 	snop  }
0x3c: {  	p2 =	seq.s32 s10, $0x1;
	s10 =	sld [smem:$0x3FB6]  }
0x3d: {  	_ =	shalt  }
0x3e: {  	_ =	shalt  }
0x3f: {  	_ =	shalt  }
0x40: {  	_ =	shalt  }
0x41: {  	_ =	shalt  }
0x42: {  	_ =	shalt  }
0x43: {  	_ =	shalt  }
0x44: {  	_ =	shalt  }
0x45: {  	_ =	shalt  }
0x46: {  	_ =	shalt  }
0x47: {  	_ =	shalt  }
0x48: {  	_ =	shalt  }
0x49: {  	_ =	shalt  }
0x4a: {  	_ =	shalt  }
0x4b: {  	_ =	shalt  }
0x4c: {  	_ =	shalt  }
0x4d: {  	_ =	shalt  }
0x4e: {  	_ =	shalt  }
0x4f: {  	_ =	shalt  }
0x50: {  	_ =	shalt  }
0x51: {  	_ =	shalt  }
0x52: {  	_ =	shalt  }
0x53: {  	_ =	shalt  }
0x54: {  	_ =	shalt  }
0x55: {  	_ =	shalt  }
0x56: {  	_ =	shalt  }
0x57: {  	_ =	shalt  }
0x58: {  	_ =	shalt  }
0x59: {  	_ =	shalt  }
0x5a: {  	_ =	shalt  }
0x5b: {  	_ =	shalt  }
0x5c: {  	_ =	shalt  }
0x5d: {  	_ =	shalt  }
0x5e: {  	_ =	shalt  }
0x5f: {  	_ =	shalt  }
0x60: {  	_ =	shalt  }
0x61: {  	_ =	shalt  }
0x62: {  	_ =	shalt  }
0x63: {  	_ =	shalt  }
0x64: {  	_ =	shalt  }
0x65: {  	_ =	shalt  }
0x66: {  	_ =	shalt  }
0x67: {  	_ =	shalt  }
0x68: {  	_ =	shalt  }
0x69: {  	_ =	shalt  }
0x6a: {  	_ =	shalt  }
0x6b: {  	_ =	shalt  }
0x6c: {  	_ =	shalt  }
0x6d: {  	_ =	shalt  }
0x6e: {  	_ =	shalt  }
0x6f: {  	_ =	shalt  }
0x70: {  	_ =	shalt  }
0x71: {  	_ =	shalt  }
0x72: {  	_ =	shalt  }
0x73: {  	_ =	shalt  }
0x74: {  	_ =	shalt  }
0x75: {  	_ =	shalt  }
0x76: {  	_ =	shalt  }
0x77: {  	_ =	shalt  }
0x78: {  	_ =	shalt  }
0x79: {  	_ =	shalt  }
0x7a: {  	_ =	shalt  }
0x7b: {  	_ =	shalt  }
0x7c: {  	_ =	shalt  }
0x7d: {  	_ =	shalt  }
0x7e: {  	_ =	shalt  }
0x7f: {  	_ =	shalt  }
0x80: {  	_ =	shalt  }
0x81: {  	_ =	shalt  }
0x82: {  	_ =	shalt  }
0x83: {  	_ =	shalt  }
0x84: {  	_ =	shalt  }
0x85: {  	_ =	shalt  }
0x86: {  	_ =	shalt  }
0x87: {  	_ =	shalt  }
.Lfunc_end0:
.L_simem_size_0:
called_computation_lowered:
.L_overlay_start_0:
0x88: {  	s2 =	sld [smem:$0x3FD9]  }
0x89: {  	s3 =	sld [smem:$0x3FFE];
	_ =	sdelay $0x1  }
0x8a: {  	s1 =	srdreg.scid  }
0x8b: {  	s0 =	sand.u32 $0x1, s1  }
0x8c: {  	s17 =	sshll.u32 s0, $0xA;
	s2 =	sadd.s32 s3, s2  }
0x8d: {  	s2 =	sadd.s32 s2, s17  }
0x8e: {  	[smem:$0x3FC2] =	sst s2  }
0x8f: {  	_ = 	snop  }
0x90: {  	s2 =	sld [smem:$0x3FC9]  }
0x91: {  	s18 =	sld [smem:$0x3FC8]  }
0x92: {  	s4 =	sld [smem:$0x3FC7]  }
0x93: {  	s5 =	sld [smem:$0x3FC5]  }
0x94: {  	s6 =	sld [smem:$0x3FC4]  }
0x95: {  	s7 =	sld [smem:$0x3FD0];
	(tm) =	ssettm $0x1  }
0x96: {  	s8 =	sld [smem:$0x3FFB];
	_ =	sdelay $0x3  }
0x97: {  	_ =	strace s8  }
0x98: {  	s8 =	sld [smem:$0x3FFC];
	_ =	sdelay $0x3  }
0x99: {  	_ =	strace s8  }
0x9a: {  	s8 =	sld [smem:$0x3FFD];
	_ =	sdelay $0x3  }
0x9b: {  	_ =	strace s8  }
0x9c: {  	_ =	strace $0x8FFFFFFF  }
0x9d: {  	s19 =	sld [smem:$0x3FDB];
	_ =	sdelay $0x1  }
0x9e: {  	s9 =	simm.s32 $_scs_section_size  }
0x9f: {  	s10 =	simm.s32 $_size__tile_overlayer_lowered;
	s11 =	simm.s32 $_tile_overlayer_lowered  }
0xa0: {  	s22 =	simm.s32 $0x1BFF;
	s21 =	sshll.u32 s11, $0x1;
	s8 =	sadd.s32 s9, s19  }
0xa1: {  	s12 =	simm.s32 $0x0;
	s20 =	sshll.u32 s10, $0x1;
	s10 =	sadd.s32 s21, s8  }
0xa2: {  	[timem:s12], [sflag:s22] =	dma.local [hbm:s10], s20  }
0xa3: {  	_ =	swait.ge [sflag:s22], s20  }
0xa4: {  	s9 =	ssub.s32 $0x0, s20;
	[sflag:s22] =	ssyncset.done $0x0  }
0xa5: {  	[sflag:s22] =	ssyncadd.s32 s9;
	_ =	sdelay $0x1  }
0xa6: {  	s23 =	simm.s32 $0x1B8B  }
0xa7: {  	_ =	swait.ge [sflag:s23], $0x1  }
0xa8: {  	[sflag:s23] =	ssyncset.done $0x0  }
0xa9: {  	s25 =	simm.s32 $0x1B8E;
	s24 =	sld [smem:$0x3FFE];
	[sflag:s23] =	ssyncadd.s32 $0xFFFFFFFF  }
0xaa: {  	s26 =	simm.s32 $execute0_lowered;
	[smem:$0x3FD2] =	sst s25  }
0xab: {  	s10 =	sshll.u32 s26, $0x1;
	_ =	strace $0x80000046;
	[dreg:$0x1] =	wrdreg $0xFFFFFFFF  }
0xac: {  	s28 =	simm.s32 $_size_execute0_lowered;
	s8 =	sadd.s32 s8, s10;
	[dreg:$0x0] =	wrdreg $0x0  }
0xad: {  	s10 =	sshll.u32 s28, $0x1;
	[dreg:$0x2] =	wrdreg s8  }
0xae: {  	[dreg:$0x3] =	wrdreg s10  }
0xaf: {  	[dreg:$0x4] =	wrdreg $0xC0  }
0xb0: {  	_ =	task [dreg:s12], $0x5FFFF  }
0xb1: {  	[dreg:$0x1] =	wrdreg $0xFFFFFFFF  }
0xb2: {  	[dreg:$0x0] =	wrdreg $0x60  }
0xb3: {  	[dreg:$0x2] =	wrdreg s2  }
0xb4: {  	[dreg:$0x3] =	wrdreg s18  }
0xb5: {  	[dreg:$0x4] =	wrdreg s4  }
0xb6: {  	[dreg:$0x5] =	wrdreg s24  }
0xb7: {  	[dreg:$0x6] =	wrdreg s5  }
0xb8: {  	[dreg:$0x7] =	wrdreg s6  }
0xb9: {  	[dreg:$0x8] =	wrdreg s7  }
0xba: {  	[dreg:$0x9] =	wrdreg $0x9  }
0xbb: {  	_ =	task.clear_ibuf [dreg:s12], $0xAFFFF;
	_ =	strace $0x90000046  }
0xbc: {  	s29 =	simm.s32 $0x9;
	_ =	strace $0x80000048  }
0xbd: {  	_ =	swait.ge [sflag:s29], $0x1  }
0xbe: {  	[sflag:s29] =	ssyncadd.s32 $0xFFFFFFFF  }
0xbf: {  	_ =	strace $0x90000048  }
0xc0: {  	_ =	sfence  }
0xc1: {  	s30 =	sld [smem:$0x0];
	_ =	sdelay $0x2  }
0xc2: {  	s31 =	sshll.u32 s1, $0xD;
	s1 =	sshrl.u32 s1, $0x2  }
0xc3: {  	s3 =	sand.u32 $0x4000, s31;
	s1 =	sadd.s32 s1, s30  }
0xc4: {  	s0 =	sor.u32 s3, s0;
	s1 =	sshll.u32 s1, $0x11  }
0xc5: {  	s0 =	sor.u32 s1, s0  }
0xc6: {  	s0 =	sadd.s32 $0x8F2B, s0  }
0xc7: {  	[sflag:s0] =	ssyncadd.remote.s32 $0x1  }
0xc8: {  	_ =	sfence.sel $0xFFFF  }
0xc9: {  	[dreg:$0x0] =	wrdreg $0xFFFFFFFF;
	(pc) =	sbr.abs _section_cstart, $3  }
0xca: {  	[dreg:$0x1] =	wrdreg $0xFFFFFFFF  }
0xcb: {  	_ =	task.clear_ibuf [dreg:s12], $0x2FFFF;
	_ =	strace $0x9FFFFFFF  }
0xcc: {  	(tm) =	ssettm $0x7FFFFFFF  }
0xcd: {  	_ =	shalt  }
tec
execute0_lowered:
.L_overlay_start_1:
0x0: {  	(tag) =	ssettag $0x1  }
0x1: {  	s0 =	rddreg [dreg:$0x0];
	s4 =	srdreg.scid  }
0x2: {  	s2 =	rddreg [dreg:$0x1];
	s4 =	sand.u32 $0x1, s4  }
0x3: {  	s1 =	rddreg [dreg:$0x2];
	s8 =	stileid.u32;
	s7 =	sshll.u32 s4, $0x4  }
0x4: {  	s3 =	rddreg [dreg:$0x3];
	s7 =	sor.u32 s8, s7  }
0x5: {  	s5 =	rddreg [dreg:$0x6];
	s9 =	smul.u32 $0x620, s7  }
0x6: {  	s6 =	simm.s32 $0x0;
	s29 =	simm.s32 $0x3;
	s30 =	simm.s32 $0x18C80  }
0x7: {  	s31 =	simm.s32 $0x680;
	[smem:$0x7FF] =	sst s6;
	s10 =	sshrl.u32 s9, $0x3  }
0x8: {  	_ =	strace $0x80000047;
	s2 =	sadd.s32 s2, s10;
	s10 =	sadd.s32 s5, s10  }
0x9: {  	s4 =	ssub.s32 $0x2, s4;
	[dreg:$0x8] =	wrdreg s2;
	s20 =	sadd.s32 $0x1880, s10  }
0xa: {  	s8 =	sadd.s32 $0x600, s3;
	s21 =	sadd.s32 $0x3100, s10;
	[dreg:$0x9] =	wrdreg s20  }
0xb: {  	s19 =	sshrl.u32 s4, $0x1;
	s22 =	sadd.s32 $0x4980, s10;
	[dreg:$0xa] =	wrdreg s21  }
0xc: {  	s3 =	ssub.s32 s4, s19;
	s23 =	sadd.s32 $0x6200, s10;
	[dreg:$0xb] =	wrdreg s22  }
0xd: {  	s4 =	simm.s32 $0x6980;
	s24 =	sadd.s32 $0x7A80, s10;
	[dreg:$0xc] =	wrdreg s23  }
0xe: {  	s5 =	simm.s32 $0x0;
	s25 =	sadd.s32 $0x9300, s10;
	[dreg:$0xd] =	wrdreg s24  }
0xf: {  	s26 =	sadd.s32 $0xAB80, s10;
	s28 =	sadd.s32 $0xC400, s10;
	[dreg:$0xe] =	wrdreg s25  }
0x10: {  	s19 =	sadd.s32 $0xDC80, s10;
	s2 =	simm.s32 $0x2;
	[dreg:$0xf] =	wrdreg s26  }
0x11: {  	[dreg:$0x10] =	wrdreg s28;
	s20 =	sadd.s32 $0xF500, s10;
	s21 =	sadd.s32 $0x10D80, s10  }
0x12: {  	v1 =	vimm.f32 $0.0e+00;
	s22 =	sadd.s32 $0x12600, s10;
	s23 =	sadd.s32 $0x13E80, s10;
	s24 =	smax.u32 s3, $0x1  }
0x13: {  	v2 =	vlaneseq.u32;
	v3 =	vimm.f32 $1.000000000e+00;
	v0 =	vmov s9;
	s25 =	sadd.s32 $0x15700, s10;
	s26 =	sadd.s32 $0x16F80, s10;
	s3 =	simm.s32 $0x1  }
.LBB2_1:
0x14: {  	s9 =	rddreg [dreg:$0x5];
	s11 =	simm.s32 $0x18D00  }
0x15: {  	[tilespmem:s11], [sflag:$0x3] =	stream.linear.gather [hbm4b:s9+s6], $0x80, $0x38;
	[tilespmem:$0x18D80] =	vst v63  }
0x16: {  	_ =	swait.ge [sflag:s29], $0x80  }
0x17: {  	[sflag:s29] =	ssyncset.done $0x0  }
0x18: {  	[sflag:s29] =	ssyncadd.s32 $0xFFFFFF80  }
0x19: {  	s18 =	rddreg [dreg:$0x4]  }
0x1a: {  	[tilespmem:s30], [sflag:$0x3] =	stream.linear.gather [hbm4b:s18+s6], $0x80, $0x38;
	[tilespmem:$0x18D80] =	vst v63  }
0x1b: {  	_ =	swait.ge [sflag:s29], $0x80  }
0x1c: {  	[sflag:s29] =	ssyncset.done $0x0  }
0x1d: {  	s28 =	rddreg [dreg:$0x8];
	[sflag:s29] =	ssyncadd.s32 $0xFFFFFF80  }
0x1e: {  	[tilespmem:s6], [sflag:$0x3] =	stream.linear.gather [hbm4b:s28+s6], $0x620, $0x38;
	[tilespmem:$0x18D80] =	vst v63  }
0x1f: {  	_ =	swait.ge [sflag:s29], $0x620  }
0x20: {  	[sflag:s29] =	ssyncset.done $0x0  }
0x21: {  	[sflag:s29] =	ssyncadd.s32 $0xFFFFF9E0  }
0x22: {  	s9 =	simm.s32 $0x0;
	s11 =	simm.s32 $0x100;
	[tilespmem:$0x620] =	vst v1  }
.LBB2_2:
0x23: {  	p0 =	sne.s32 s11, $0x18B00;
	[tilespmem:s9+$0x69B0] =	vst v1  }
0x24: {  	[tilespmem:s9+$0x680] =	vst v1  }
0x25: {  	[tilespmem:s9+$0x6980] =	vst v1  }
.Ltmp0:
0x26: {  	[tilespmem:s9+$0x690] =	vst v1;
	(pc) =	sbr.rel @p0 .LBB2_2-.Ltmp0, $4  }
0x27: {  	[tilespmem:s9+$0x6990] =	vst v1  }
0x28: {  	[tilespmem:s9+$0x6A0] =	vst v1  }
0x29: {  	[tilespmem:s9+$0x69A0] =	vst v1  }
0x2a: {  	[tilespmem:s9+$0x6B0] =	vst v1;
	s9 =	sshra.s32 s11, $0x2;
	s11 =	sadd.s32 $0x100, s11  }
0x2b: {  	[tilespmem:s9+$0x69B0] =	vst v1  }
0x2c: {  	[tilespmem:s9+$0x680] =	vst v1  }
0x2d: {  	[tilespmem:s9+$0x6980] =	vst v1  }
0x2e: {  	[tilespmem:s9+$0x690] =	vst v1  }
0x2f: {  	[tilespmem:s9+$0x6990] =	vst v1  }
0x30: {  	[tilespmem:s9+$0x6A0] =	vst v1  }
0x31: {  	[tilespmem:s9+$0x69A0] =	vst v1  }
0x32: {  	[tilespmem:s9+$0x6B0] =	vst v1  }
0x33: {  	v4 =	vld [tilespmem:s7+$0x18D00];
	_ =	sdelay $0x4  }
0x34: {  	(v2sf) =	vpush v4, $0x0  }
0x35: {  	(v2sf) =	vpush v4, $0x1;
	_ =	sdelay $0xd  }
0x36: {  	s28 =	spop (v2sf)  }
0x37: {  	s11 =	spop (v2sf);
	s9 =	sand.u32 $0xFFFFFFF8, s28  }
0x38: {  	s11 =	ssub.s32 s11, s9  }
0x39: {  	s11 =	sadd.s32 $0x1FFF, s11  }
0x3a: {  	s11 =	sshrl.u32 s11, $0xD  }
0x3b: {  	p0 =	seq.s32 s11, $0x0  }
.Ltmp1:
0x3c: {  	_ = 	snop;
	(pc) =	sbr.rel @p0 .LBB2_11-.Ltmp1, $1  }
0x3d: {  	_ =	sdelay $0x3  }
0x3e: {  	p0 =	slt.s32 s9, $0x184A00;
	s12 =	smov.u32 s9  }
0x3f: {  	s12 =	simm.s32 @!p0 $0x184A00  }
0x40: {  	s13 =	sshrl.u32 s12, $0x3  }
0x41: {  	s15 =	simm.s32 $0xCC80;
	s12 =	simm.s32 $0x0;
	s14 =	sadd.s32 s1, s13  }
0x42: {  	[tilespmem:s15], [sflag:$0x1] =	stream.linear.gather [hbm4b:s14+s12], $0x2000, $0x38;
	[tilespmem:$0x18D80] =	vst v63  }
.Ltmp2:
0x43: {  	s16 =	simm.s32 $0x10C80;
	s15 =	sadd.s32 s0, s13;
	(pc) =	sbr.rel .LBB2_5-.Ltmp2, $4  }
0x44: {  	[tilespmem:s16], [sflag:$0x1] =	stream.linear.gather [hbm4b:s15+s12], $0x2000, $0x38;
	[tilespmem:$0x18D80] =	vst v63  }
0x45: {  	s17 =	simm.s32 $0x14C80;
	s18 =	sadd.s32 $0x1, s11;
	s13 =	sadd.s32 s8, s13  }
0x46: {  	[tilespmem:s17], [sflag:$0x1] =	stream.linear.gather [hbm4b:s13+s12], $0x2000, $0x38;
	[tilespmem:$0x18D80] =	vst v63  }
0x47: {  	v4 =	vbroadcast v4, $0x1;
	s13 =	sshrl.u32 s18, $0x1  }
.LBB2_10:
0x48: {  	s12 =	sadd.s32 $0x1, s12  }
0x49: {  	p0 =	sne.s32 s12, s13  }
.Ltmp3:
0x4a: {  	_ = 	snop;
	(pc) =	sbr.rel @!p0 .LBB2_11-.Ltmp3, $1  }
0x4b: {  	_ =	sdelay $0x3  }
.LBB2_5:
0x4c: {  	s14 =	sshllo.u32 s12, $0x1  }
0x4d: {  	p0 =	sge.u32 s14, s11  }
0x4e: {  	s15 =	sshll.u32 @!p0 s14, $0xD  }
0x4f: {  	s15 =	sadd.s32 @!p0 s9, s15  }
0x50: {  	p1 =	slt.s32 @!p0 s15, $0x184A00  }
0x51: {  	p1 =	por !p1, p0  }
0x52: {  	s15 =	simm.s32 @p1 $0x184A00  }
0x53: {  	s15 =	sshrl.u32 @!p0 s15, $0x3  }
0x54: {  	s17 =	simm.s32 @!p0 $0x0;
	s18 =	simm.s32 @!p0 $0xEC80;
	s16 =	sadd.s32 @!p0 s1, s15  }
0x55: {  	[tilespmem:s18], [sflag:$0x2] =	stream.linear.gather @!p0 [hbm4b:s16+s17], $0x2000, $0x38;
	[tilespmem:$0x18D80] =	vst v63  }
0x56: {  	s16 =	sadd.s32 @!p0 s0, s15;
	s18 =	simm.s32 @!p0 $0x12C80  }
0x57: {  	[tilespmem:s18], [sflag:$0x2] =	stream.linear.gather @!p0 [hbm4b:s16+s17], $0x2000, $0x38;
	[tilespmem:$0x18D80] =	vst v63  }
0x58: {  	s15 =	sadd.s32 @!p0 s8, s15;
	s16 =	simm.s32 @!p0 $0x16C80  }
0x59: {  	[tilespmem:s16], [sflag:$0x2] =	stream.linear.gather @!p0 [hbm4b:s15+s17], $0x2000, $0x38;
	[tilespmem:$0x18D80] =	vst v63  }
0x5a: {  	_ =	swait.ge [sflag:s3], $0x2000  }
0x5b: {  	[sflag:s3] =	ssyncset.done $0x0  }
0x5c: {  	[sflag:s3] =	ssyncadd.s32 $0xFFFFE000  }
0x5d: {  	s18 =	sshll.u32 s12, $0xE;
	_ =	swait.ge [sflag:s3], $0x2000  }
0x5e: {  	s16 =	sadd.s32 s9, s18;
	[sflag:s3] =	ssyncset.done $0x0  }
0x5f: {  	p1 =	slt.s32 s16, $0x184A00;
	[sflag:s3] =	ssyncadd.s32 $0xFFFFE000  }
0x60: {  	s17 =	smov.u32 s16;
	p2 =	sgt.s32 s28, s16;
	_ =	swait.ge [sflag:s3], $0x2000  }
0x61: {  	s17 =	simm.s32 @!p1 $0x184A00;
	s16 =	smov.u32 @p2 s28;
	[sflag:s3] =	ssyncset.done $0x0  }
0x62: {  	s15 =	sshll.u32 s12, $0x1;
	v5 =	vmov s16;
	v6 =	vadd.s32 s17, v2;
	s16 =	simm.s32 $0x0;
	[sflag:s3] =	ssyncadd.s32 $0xFFFFE000  }
.LBB2_6:
0x63: {  	s17 =	sshra.s32 s16, $0x2  }
0x64: {  	v7 =	vld [tilespmem:s17+$0xCC80];
	_ =	sdelay $0x3  }
0x65: {  	vm0 =	vge.s32 v6, v5;
	vm1 =	vlt.s32 v6, v4  }
0x66: {  	v8 =	vld [tilespmem:s17+$0x14C80];
	vm0 =	vmand vm0, vm1;
	v7 =	vsub.s32 v7, v0  }
0x67: {  	v7 =	vnsel vm0, $0x620, v7;
	_ =	sdelay $0x3  }
0x68: {  	v9 =	vld [tilespmem:s17+$0x10C80]  }
0x69: {  	v10 =	vld.idx.msk [tilespmem:v7+s6+$0x0], $0xffff;
	_ =	sdelay $0x1  }
0x6a: {  	v11 =	vld.idx.msk [tilespmem:v8+s30+$0x0], $0xffff;
	_ =	sdelay $0x2  }
0x6b: {  	v9 =	vsub.f32 v10, v9;
	_ =	sdelay $0x1  }
0x6c: {  	v9 =	vmul.f32 v9, v11;
	_ =	sdelay $0x1  }
0x6d: {  	v9 =	vmul.f32 $1.442695020e+00, v9;
	_ =	sdelay $0x1  }
0x6e: {  	(erf) = vpow2.f32 v9;
	_ =	sdelay $0x2  }
0x6f: {  	v8 =	vmul.u32 $0x630, v8;
	_ =	sdelay $0x1  }
0x70: {  	v7 =	vadd.s32 v7, v8;
	_ =	sdelay $0x3  }
0x71: {  	v8 =	vpop (erf)  }
0x72: {  	[tilespmem:v7+s31+$0x0] =	vst.idx.add.f32.msk vm0, v8  }
0x73: {  	[tilespmem:v7+s4+$0x0] =	vst.idx.add.f32.msk vm0, v3  }
0x74: {  	v7 =	vld [tilespmem:s17+$0xCC90];
	_ =	sdelay $0x2  }
0x75: {  	v8 =	vadd.s32 $0x10, v6  }
0x76: {  	vm10 =	vge.s32 v8, v5;
	vm11 =	vlt.s32 v8, v4  }
0x77: {  	v8 =	vld [tilespmem:s17+$0x14C90];
	vm0 =	vmand vm10, vm11;
	v7 =	vsub.s32 v7, v0  }
0x78: {  	v7 =	vnsel vm0, $0x620, v7;
	_ =	sdelay $0x3  }
0x79: {  	v55 =	vld [tilespmem:s17+$0x10C90]  }
0x7a: {  	v56 =	vld.idx.msk [tilespmem:v7+s6+$0x0], $0xffff;
	_ =	sdelay $0x1  }
0x7b: {  	v57 =	vld.idx.msk [tilespmem:v8+s30+$0x0], $0xffff;
	_ =	sdelay $0x2  }
0x7c: {  	v9 =	vsub.f32 v56, v55;
	_ =	sdelay $0x1  }
0x7d: {  	v9 =	vmul.f32 v9, v57;
	_ =	sdelay $0x1  }
0x7e: {  	v9 =	vmul.f32 $1.442695020e+00, v9;
	_ =	sdelay $0x1  }
0x7f: {  	(erf) = vpow2.f32 v9;
	_ =	sdelay $0x2  }
0x80: {  	v8 =	vmul.u32 $0x630, v8;
	_ =	sdelay $0x1  }
0x81: {  	v7 =	vadd.s32 v7, v8;
	_ =	sdelay $0x3  }
0x82: {  	v8 =	vpop (erf)  }
0x83: {  	[tilespmem:v7+s31+$0x0] =	vst.idx.add.f32.msk vm0, v8  }
0x84: {  	[tilespmem:v7+s4+$0x0] =	vst.idx.add.f32.msk vm0, v3  }
0x85: {  	v7 =	vld [tilespmem:s17+$0xCCA0];
	_ =	sdelay $0x2  }
0x86: {  	v8 =	vadd.s32 $0x20, v6  }
0x87: {  	vm12 =	vge.s32 v8, v5;
	vm13 =	vlt.s32 v8, v4  }
0x88: {  	v8 =	vld [tilespmem:s17+$0x14CA0];
	vm0 =	vmand vm12, vm13;
	v7 =	vsub.s32 v7, v0  }
0x89: {  	v7 =	vnsel vm0, $0x620, v7;
	_ =	sdelay $0x3  }
0x8a: {  	v58 =	vld [tilespmem:s17+$0x10CA0]  }
0x8b: {  	v59 =	vld.idx.msk [tilespmem:v7+s6+$0x0], $0xffff;
	_ =	sdelay $0x1  }
0x8c: {  	v60 =	vld.idx.msk [tilespmem:v8+s30+$0x0], $0xffff;
	_ =	sdelay $0x2  }
0x8d: {  	v9 =	vsub.f32 v59, v58;
	_ =	sdelay $0x1  }
0x8e: {  	v9 =	vmul.f32 v9, v60;
	_ =	sdelay $0x1  }
0x8f: {  	v9 =	vmul.f32 $1.442695020e+00, v9;
	_ =	sdelay $0x1  }
0x90: {  	(erf) = vpow2.f32 v9;
	_ =	sdelay $0x2  }
0x91: {  	v8 =	vmul.u32 $0x630, v8;
	_ =	sdelay $0x1  }
0x92: {  	v7 =	vadd.s32 v7, v8;
	_ =	sdelay $0x3  }
0x93: {  	v8 =	vpop (erf)  }
0x94: {  	[tilespmem:v7+s31+$0x0] =	vst.idx.add.f32.msk vm0, v8  }
0x95: {  	[tilespmem:v7+s4+$0x0] =	vst.idx.add.f32.msk vm0, v3  }
0x96: {  	v7 =	vld [tilespmem:s17+$0xCCB0];
	_ =	sdelay $0x2  }
0x97: {  	v8 =	vadd.s32 $0x30, v6  }
0x98: {  	vm14 =	vge.s32 v8, v5;
	vm15 =	vlt.s32 v8, v4  }
0x99: {  	v8 =	vld [tilespmem:s17+$0x14CB0];
	vm0 =	vmand vm14, vm15;
	v7 =	vsub.s32 v7, v0  }
0x9a: {  	v7 =	vnsel vm0, $0x620, v7;
	_ =	sdelay $0x3  }
0x9b: {  	v61 =	vld [tilespmem:s17+$0x10CB0]  }
0x9c: {  	v62 =	vld.idx.msk [tilespmem:v7+s6+$0x0], $0xffff;
	_ =	sdelay $0x1  }
0x9d: {  	v63 =	vld.idx.msk [tilespmem:v8+s30+$0x0], $0xffff;
	_ =	sdelay $0x2  }
0x9e: {  	v9 =	vsub.f32 v62, v61;
	_ =	sdelay $0x1  }
0x9f: {  	v9 =	vmul.f32 v9, v63;
	_ =	sdelay $0x1  }
0xa0: {  	v9 =	vmul.f32 $1.442695020e+00, v9;
	_ =	sdelay $0x1  }
0xa1: {  	(erf) = vpow2.f32 v9;
	_ =	sdelay $0x2  }
0xa2: {  	v8 =	vmul.u32 $0x630, v8;
	_ =	sdelay $0x1  }
0xa3: {  	v7 =	vadd.s32 v7, v8  }
0xa4: {  	p1 =	sne.s32 s16, $0x7F00  }
.Ltmp4:
0xa5: {  	_ = 	snop;
	(pc) =	sbr.rel @p1 .LBB2_6-.Ltmp4, $4  }
0xa6: {  	_ = 	snop  }
0xa7: {  	v8 =	vpop (erf)  }
0xa8: {  	[tilespmem:v7+s31+$0x0] =	vst.idx.add.f32.msk vm0, v8  }
0xa9: {  	s16 =	sadd.s32 $0x100, s16;
	v6 =	vadd.s32 $0x40, v6;
	[tilespmem:v7+s4+$0x0] =	vst.idx.add.f32.msk vm0, v3  }
0xaa: {  	s15 =	sadd.s32 $0x2, s15  }
0xab: {  	p1 =	sge.u32 s15, s11  }
0xac: {  	s15 =	sshll.u32 @!p1 s15, $0xD  }
0xad: {  	s15 =	sadd.s32 @!p1 s9, s15  }
0xae: {  	p2 =	slt.s32 @!p1 s15, $0x184A00  }
0xaf: {  	p2 =	por !p2, p1  }
0xb0: {  	s15 =	simm.s32 @p2 $0x184A00  }
0xb1: {  	s15 =	sshrl.u32 @!p1 s15, $0x3  }
0xb2: {  	s17 =	simm.s32 @!p1 $0x0;
	s18 =	simm.s32 @!p1 $0xCC80;
	s16 =	sadd.s32 @!p1 s1, s15  }
0xb3: {  	[tilespmem:s18], [sflag:$0x1] =	stream.linear.gather @!p1 [hbm4b:s16+s17], $0x2000, $0x38;
	[tilespmem:$0x18D80] =	vst v63  }
.Ltmp5:
0xb4: {  	_ = 	snop;
	(pc) =	sbr.rel @p0 .LBB2_10-.Ltmp5, $4  }
0xb5: {  	s16 =	sadd.s32 @!p1 s0, s15;
	s18 =	simm.s32 @!p1 $0x10C80  }
0xb6: {  	[tilespmem:s18], [sflag:$0x1] =	stream.linear.gather @!p1 [hbm4b:s16+s17], $0x2000, $0x38;
	[tilespmem:$0x18D80] =	vst v63  }
0xb7: {  	s15 =	sadd.s32 @!p1 s8, s15;
	s16 =	simm.s32 @!p1 $0x14C80  }
0xb8: {  	[tilespmem:s16], [sflag:$0x1] =	stream.linear.gather @!p1 [hbm4b:s15+s17], $0x2000, $0x38;
	[tilespmem:$0x18D80] =	vst v63  }
0xb9: {  	_ =	swait.ge [sflag:s2], $0x2000  }
0xba: {  	[sflag:s2] =	ssyncset.done $0x0  }
0xbb: {  	[sflag:s2] =	ssyncadd.s32 $0xFFFFE000  }
0xbc: {  	s14 =	sshll.u32 s14, $0xD;
	_ =	swait.ge [sflag:s2], $0x2000  }
0xbd: {  	s14 =	sadd.s32 s9, s14;
	[sflag:s2] =	ssyncset.done $0x0  }
0xbe: {  	p0 =	slt.s32 s14, $0x184A00;
	[sflag:s2] =	ssyncadd.s32 $0xFFFFE000  }
0xbf: {  	s15 =	smov.u32 s14;
	p1 =	sgt.s32 s28, s14;
	_ =	swait.ge [sflag:s2], $0x2000  }
0xc0: {  	s15 =	simm.s32 @!p0 $0x184A00;
	s14 =	smov.u32 @p1 s28;
	[sflag:s2] =	ssyncset.done $0x0  }
0xc1: {  	v5 =	vmov s14;
	v6 =	vadd.s32 s15, v2;
	s14 =	simm.s32 $0x0;
	[sflag:s2] =	ssyncadd.s32 $0xFFFFE000  }
.LBB2_9:
0xc2: {  	s15 =	sshra.s32 s14, $0x2  }
0xc3: {  	v7 =	vld [tilespmem:s15+$0xEC80];
	_ =	sdelay $0x3  }
0xc4: {  	vm0 =	vge.s32 v6, v5;
	vm1 =	vlt.s32 v6, v4  }
0xc5: {  	v8 =	vld [tilespmem:s15+$0x16C80];
	vm0 =	vmand vm0, vm1;
	v7 =	vsub.s32 v7, v0  }
0xc6: {  	v7 =	vnsel vm0, $0x620, v7;
	_ =	sdelay $0x3  }
0xc7: {  	v9 =	vld [tilespmem:s15+$0x12C80]  }
0xc8: {  	v10 =	vld.idx.msk [tilespmem:v7+s6+$0x0], $0xffff;
	_ =	sdelay $0x1  }
0xc9: {  	v11 =	vld.idx.msk [tilespmem:v8+s30+$0x0], $0xffff;
	_ =	sdelay $0x2  }
0xca: {  	v9 =	vsub.f32 v10, v9;
	_ =	sdelay $0x1  }
0xcb: {  	v9 =	vmul.f32 v9, v11;
	_ =	sdelay $0x1  }
0xcc: {  	v9 =	vmul.f32 $1.442695020e+00, v9;
	_ =	sdelay $0x1  }
0xcd: {  	(erf) = vpow2.f32 v9;
	_ =	sdelay $0x2  }
0xce: {  	v8 =	vmul.u32 $0x630, v8;
	_ =	sdelay $0x1  }
0xcf: {  	v7 =	vadd.s32 v7, v8;
	_ =	sdelay $0x3  }
0xd0: {  	v8 =	vpop (erf)  }
0xd1: {  	[tilespmem:v7+s31+$0x0] =	vst.idx.add.f32.msk vm0, v8  }
0xd2: {  	[tilespmem:v7+s4+$0x0] =	vst.idx.add.f32.msk vm0, v3  }
0xd3: {  	v7 =	vld [tilespmem:s15+$0xEC90];
	_ =	sdelay $0x2  }
0xd4: {  	v8 =	vadd.s32 $0x10, v6  }
0xd5: {  	vm10 =	vge.s32 v8, v5;
	vm11 =	vlt.s32 v8, v4  }
0xd6: {  	v8 =	vld [tilespmem:s15+$0x16C90];
	vm0 =	vmand vm10, vm11;
	v7 =	vsub.s32 v7, v0  }
0xd7: {  	v7 =	vnsel vm0, $0x620, v7;
	_ =	sdelay $0x3  }
0xd8: {  	v55 =	vld [tilespmem:s15+$0x12C90]  }
0xd9: {  	v56 =	vld.idx.msk [tilespmem:v7+s6+$0x0], $0xffff;
	_ =	sdelay $0x1  }
0xda: {  	v57 =	vld.idx.msk [tilespmem:v8+s30+$0x0], $0xffff;
	_ =	sdelay $0x2  }
0xdb: {  	v9 =	vsub.f32 v56, v55;
	_ =	sdelay $0x1  }
0xdc: {  	v9 =	vmul.f32 v9, v57;
	_ =	sdelay $0x1  }
0xdd: {  	v9 =	vmul.f32 $1.442695020e+00, v9;
	_ =	sdelay $0x1  }
0xde: {  	(erf) = vpow2.f32 v9;
	_ =	sdelay $0x2  }
0xdf: {  	v8 =	vmul.u32 $0x630, v8;
	_ =	sdelay $0x1  }
0xe0: {  	v7 =	vadd.s32 v7, v8;
	_ =	sdelay $0x3  }
0xe1: {  	v8 =	vpop (erf)  }
0xe2: {  	[tilespmem:v7+s31+$0x0] =	vst.idx.add.f32.msk vm0, v8  }
0xe3: {  	[tilespmem:v7+s4+$0x0] =	vst.idx.add.f32.msk vm0, v3  }
0xe4: {  	v7 =	vld [tilespmem:s15+$0xECA0];
	_ =	sdelay $0x2  }
0xe5: {  	v8 =	vadd.s32 $0x20, v6  }
0xe6: {  	vm12 =	vge.s32 v8, v5;
	vm13 =	vlt.s32 v8, v4  }
0xe7: {  	v8 =	vld [tilespmem:s15+$0x16CA0];
	vm0 =	vmand vm12, vm13;
	v7 =	vsub.s32 v7, v0  }
0xe8: {  	v7 =	vnsel vm0, $0x620, v7;
	_ =	sdelay $0x3  }
0xe9: {  	v58 =	vld [tilespmem:s15+$0x12CA0]  }
0xea: {  	v59 =	vld.idx.msk [tilespmem:v7+s6+$0x0], $0xffff;
	_ =	sdelay $0x1  }
0xeb: {  	v60 =	vld.idx.msk [tilespmem:v8+s30+$0x0], $0xffff;
	_ =	sdelay $0x2  }
0xec: {  	v9 =	vsub.f32 v59, v58;
	_ =	sdelay $0x1  }
0xed: {  	v9 =	vmul.f32 v9, v60;
	_ =	sdelay $0x1  }
0xee: {  	v9 =	vmul.f32 $1.442695020e+00, v9;
	_ =	sdelay $0x1  }
0xef: {  	(erf) = vpow2.f32 v9;
	_ =	sdelay $0x2  }
0xf0: {  	v8 =	vmul.u32 $0x630, v8;
	_ =	sdelay $0x1  }
0xf1: {  	v7 =	vadd.s32 v7, v8;
	_ =	sdelay $0x3  }
0xf2: {  	v8 =	vpop (erf)  }
0xf3: {  	[tilespmem:v7+s31+$0x0] =	vst.idx.add.f32.msk vm0, v8  }
0xf4: {  	[tilespmem:v7+s4+$0x0] =	vst.idx.add.f32.msk vm0, v3  }
0xf5: {  	v7 =	vld [tilespmem:s15+$0xECB0];
	_ =	sdelay $0x2  }
0xf6: {  	v8 =	vadd.s32 $0x30, v6  }
0xf7: {  	vm14 =	vge.s32 v8, v5;
	vm15 =	vlt.s32 v8, v4  }
0xf8: {  	v8 =	vld [tilespmem:s15+$0x16CB0];
	vm0 =	vmand vm14, vm15;
	v7 =	vsub.s32 v7, v0  }
0xf9: {  	v7 =	vnsel vm0, $0x620, v7;
	_ =	sdelay $0x3  }
0xfa: {  	v61 =	vld [tilespmem:s15+$0x12CB0]  }
0xfb: {  	v62 =	vld.idx.msk [tilespmem:v7+s6+$0x0], $0xffff;
	_ =	sdelay $0x1  }
0xfc: {  	v63 =	vld.idx.msk [tilespmem:v8+s30+$0x0], $0xffff;
	_ =	sdelay $0x2  }
0xfd: {  	v9 =	vsub.f32 v62, v61;
	_ =	sdelay $0x1  }
0xfe: {  	v9 =	vmul.f32 v9, v63;
	_ =	sdelay $0x1  }
0xff: {  	v9 =	vmul.f32 $1.442695020e+00, v9;
	_ =	sdelay $0x1  }
0x100: {  	(erf) = vpow2.f32 v9;
	_ =	sdelay $0x2  }
0x101: {  	v8 =	vmul.u32 $0x630, v8;
	_ =	sdelay $0x1  }
0x102: {  	v7 =	vadd.s32 v7, v8  }
0x103: {  	p0 =	sne.s32 s14, $0x7F00  }
.Ltmp6:
0x104: {  	_ = 	snop;
	(pc) =	sbr.rel @p0 .LBB2_9-.Ltmp6, $4  }
0x105: {  	_ = 	snop  }
0x106: {  	v8 =	vpop (erf)  }
0x107: {  	[tilespmem:v7+s31+$0x0] =	vst.idx.add.f32.msk vm0, v8  }
0x108: {  	s14 =	sadd.s32 $0x100, s14;
	v6 =	vadd.s32 $0x40, v6;
	[tilespmem:v7+s4+$0x0] =	vst.idx.add.f32.msk vm0, v3  }
.Ltmp7:
0x109: {  	_ = 	snop;
	(pc) =	sbr.rel .LBB2_10-.Ltmp7, $1  }
0x10a: {  	_ =	sdelay $0x3  }
.LBB2_11:
0x10b: {  	s11 =	simm.s32 $0x0  }
0x10c: {  	v4 =	vld [tilespmem:s11+$0x6980]  }
0x10d: {  	v5 =	vld [tilespmem:s11+$0x6990];
	_ =	sdelay $0x3  }
0x10e: {  	v4 =	vmax.f32 v4, $1.000000000e+00  }
0x10f: {  	s9 =	simm.s32 $0x20;
	v5 =	vmax.f32 v5, $1.000000000e+00;
	(erf) = vrcp.f32 v4  }
0x110: {  	v4 =	vld [tilespmem:s9+$0x6980];
	(erf) = vrcp.f32 v5;
	_ =	sdelay $0x1  }
0x111: {  	v5 =	vld [tilespmem:s9+$0x6990];
	_ =	sdelay $0x1  }
0x112: {  	v6 =	vld [tilespmem:s11+$0x680]  }
0x113: {  	v7 =	vmax.f32 v4, $1.000000000e+00;
	v4 =	vld [tilespmem:s11+$0x690];
	_ =	sdelay $0x1  }
0x114: {  	v5 =	vmax.f32 v5, $1.000000000e+00;
	(erf) = vrcp.f32 v7  }
0x115: {  	s12 =	simm.s32 $0x40;
	v7 =	vpop (erf);
	(erf) = vrcp.f32 v5  }
0x116: {  	s13 =	simm.s32 $0x180;
	v5 =	vld [tilespmem:s12+$0x6980];
	v6 =	vmul.f32 v7, v6;
	v7 =	vpop (erf)  }
.LBB2_12:
0x117: {  	p0 =	sne.s32 s13, $0x1800;
	v8 =	vld [tilespmem:s12+$0x6990];
	v4 =	vmul.f32 v7, v4  }
0x118: {  	[tilespmem:s11+$0x680] =	vst v6  }
0x119: {  	v6 =	vld [tilespmem:s9+$0x680];
	[tilespmem:s11+$0x690] =	vst v4;
	s11 =	smov.u32 s9;
	s9 =	smov.u32 s12  }
.Ltmp8:
0x11a: {  	v4 =	vld [tilespmem:s11+$0x690];
	(pc) =	sbr.rel @p0 .LBB2_12-.Ltmp8, $4  }
0x11b: {  	v5 =	vmax.f32 v5, $1.000000000e+00  }
0x11c: {  	v8 =	vmax.f32 v8, $1.000000000e+00;
	(erf) = vrcp.f32 v5  }
0x11d: {  	s12 =	sshra.s32 s13, $0x2;
	(erf) = vrcp.f32 v8;
	v7 =	vpop (erf)  }
0x11e: {  	s13 =	sadd.s32 $0x80, s13;
	v5 =	vld [tilespmem:s12+$0x6980];
	v6 =	vmul.f32 v7, v6;
	v7 =	vpop (erf)  }
0x11f: {  	_ = 	snop  }
0x120: {  	v8 =	vld [tilespmem:s12+$0x6990];
	v4 =	vmul.f32 v7, v4  }
0x121: {  	[tilespmem:s11+$0x680] =	vst v6  }
0x122: {  	v6 =	vld [tilespmem:s9+$0x680];
	[tilespmem:s11+$0x690] =	vst v4  }
0x123: {  	v4 =	vld [tilespmem:s9+$0x690];
	v5 =	vmax.f32 v5, $1.000000000e+00;
	_ =	sdelay $0x1  }
0x124: {  	v7 =	vmax.f32 v8, $1.000000000e+00;
	(erf) = vrcp.f32 v5  }
0x125: {  	v5 =	vpop (erf);
	(erf) = vrcp.f32 v7  }
0x126: {  	v5 =	vmul.f32 v5, v6;
	v6 =	vpop (erf)  }
0x127: {  	v4 =	vmul.f32 v6, v4  }
0x128: {  	[tilespmem:s9+$0x680] =	vst v5  }
0x129: {  	v5 =	vld [tilespmem:s12+$0x680];
	[tilespmem:s9+$0x690] =	vst v4  }
0x12a: {  	v4 =	vld [tilespmem:s12+$0x690];
	_ =	sdelay $0x2  }
0x12b: {  	v6 =	vpop (erf)  }
0x12c: {  	v5 =	vmul.f32 v6, v5;
	v6 =	vpop (erf)  }
0x12d: {  	v4 =	vmul.f32 v6, v4  }
0x12e: {  	[tilespmem:s12+$0x680] =	vst v5  }
0x12f: {  	s28 =	simm.s32 $0x0;
	s11 =	simm.s32 $0x0;
	[tilespmem:s12+$0x690] =	vst v4  }
0x130: {  	[hbm4b:s10+s28] =	stream.linear.scatter [tilespmem:s31], [sflag:$0x1], $0x620, $0x38;
	[tilespmem:$0x18D80] =	vst v63  }
0x131: {  	v4 =	vld [tilespmem:s11+$0x6FB0]  }
0x132: {  	v5 =	vld [tilespmem:s11+$0x6FC0];
	_ =	sdelay $0x3  }
0x133: {  	v4 =	vmax.f32 v4, $1.000000000e+00  }
0x134: {  	s9 =	simm.s32 $0x20;
	v5 =	vmax.f32 v5, $1.000000000e+00;
	(erf) = vrcp.f32 v4  }
0x135: {  	v4 =	vld [tilespmem:s9+$0x6FB0];
	(erf) = vrcp.f32 v5;
	_ =	sdelay $0x1  }
0x136: {  	v5 =	vld [tilespmem:s9+$0x6FC0];
	_ =	sdelay $0x1  }
0x137: {  	v6 =	vld [tilespmem:s11+$0xCB0]  }
0x138: {  	v7 =	vmax.f32 v4, $1.000000000e+00;
	v4 =	vld [tilespmem:s11+$0xCC0];
	_ =	sdelay $0x1  }
0x139: {  	v5 =	vmax.f32 v5, $1.000000000e+00;
	(erf) = vrcp.f32 v7  }
0x13a: {  	s12 =	simm.s32 $0x40;
	v7 =	vpop (erf);
	(erf) = vrcp.f32 v5  }
0x13b: {  	s13 =	simm.s32 $0x180;
	v5 =	vld [tilespmem:s12+$0x6FB0];
	v6 =	vmul.f32 v7, v6;
	v7 =	vpop (erf)  }
.LBB2_14:
0x13c: {  	p0 =	sne.s32 s13, $0x1800;
	v8 =	vld [tilespmem:s12+$0x6FC0];
	v4 =	vmul.f32 v7, v4  }
0x13d: {  	[tilespmem:s11+$0xCB0] =	vst v6  }
0x13e: {  	v6 =	vld [tilespmem:s9+$0xCB0];
	[tilespmem:s11+$0xCC0] =	vst v4;
	s11 =	smov.u32 s9;
	s9 =	smov.u32 s12  }
.Ltmp9:
0x13f: {  	v4 =	vld [tilespmem:s11+$0xCC0];
	(pc) =	sbr.rel @p0 .LBB2_14-.Ltmp9, $4  }
0x140: {  	v5 =	vmax.f32 v5, $1.000000000e+00  }
0x141: {  	v8 =	vmax.f32 v8, $1.000000000e+00;
	(erf) = vrcp.f32 v5  }
0x142: {  	s12 =	sshra.s32 s13, $0x2;
	(erf) = vrcp.f32 v8;
	v7 =	vpop (erf)  }
0x143: {  	s13 =	sadd.s32 $0x80, s13;
	v5 =	vld [tilespmem:s12+$0x6FB0];
	v6 =	vmul.f32 v7, v6;
	v7 =	vpop (erf)  }
0x144: {  	_ = 	snop  }
0x145: {  	v8 =	vld [tilespmem:s12+$0x6FC0];
	v4 =	vmul.f32 v7, v4  }
0x146: {  	[tilespmem:s11+$0xCB0] =	vst v6  }
0x147: {  	v6 =	vld [tilespmem:s9+$0xCB0];
	[tilespmem:s11+$0xCC0] =	vst v4  }
0x148: {  	v4 =	vld [tilespmem:s9+$0xCC0];
	v5 =	vmax.f32 v5, $1.000000000e+00;
	_ =	sdelay $0x1  }
0x149: {  	v7 =	vmax.f32 v8, $1.000000000e+00;
	(erf) = vrcp.f32 v5  }
0x14a: {  	v5 =	vpop (erf);
	(erf) = vrcp.f32 v7  }
0x14b: {  	v5 =	vmul.f32 v5, v6;
	v6 =	vpop (erf)  }
0x14c: {  	v4 =	vmul.f32 v6, v4  }
0x14d: {  	[tilespmem:s9+$0xCB0] =	vst v5  }
0x14e: {  	v5 =	vld [tilespmem:s12+$0xCB0];
	[tilespmem:s9+$0xCC0] =	vst v4  }
0x14f: {  	v4 =	vld [tilespmem:s12+$0xCC0];
	_ =	sdelay $0x2  }
0x150: {  	v6 =	vpop (erf)  }
0x151: {  	v5 =	vmul.f32 v6, v5;
	v6 =	vpop (erf)  }
0x152: {  	v4 =	vmul.f32 v6, v4  }
0x153: {  	s17 =	simm.s32 $0x0;
	[tilespmem:s12+$0xCB0] =	vst v5  }
0x154: {  	s18 =	rddreg [dreg:$0x9];
	s28 =	simm.s32 $0xCB0;
	s11 =	simm.s32 $0x0;
	[tilespmem:s12+$0xCC0] =	vst v4  }
0x155: {  	[hbm4b:s18+s17] =	stream.linear.scatter [tilespmem:s28], [sflag:$0x1], $0x620, $0x38;
	[tilespmem:$0x18D80] =	vst v63  }
0x156: {  	v4 =	vld [tilespmem:s11+$0x75E0]  }
0x157: {  	v5 =	vld [tilespmem:s11+$0x75F0];
	_ =	sdelay $0x3  }
0x158: {  	v4 =	vmax.f32 v4, $1.000000000e+00  }
0x159: {  	s9 =	simm.s32 $0x20;
	v5 =	vmax.f32 v5, $1.000000000e+00;
	(erf) = vrcp.f32 v4  }
0x15a: {  	v4 =	vld [tilespmem:s9+$0x75E0];
	(erf) = vrcp.f32 v5;
	_ =	sdelay $0x1  }
0x15b: {  	v5 =	vld [tilespmem:s9+$0x75F0];
	_ =	sdelay $0x1  }
0x15c: {  	v6 =	vld [tilespmem:s11+$0x12E0]  }
0x15d: {  	v7 =	vmax.f32 v4, $1.000000000e+00;
	v4 =	vld [tilespmem:s11+$0x12F0];
	_ =	sdelay $0x1  }
0x15e: {  	v5 =	vmax.f32 v5, $1.000000000e+00;
	(erf) = vrcp.f32 v7  }
0x15f: {  	s12 =	simm.s32 $0x40;
	v7 =	vpop (erf);
	(erf) = vrcp.f32 v5  }
0x160: {  	s13 =	simm.s32 $0x180;
	v5 =	vld [tilespmem:s12+$0x75E0];
	v6 =	vmul.f32 v7, v6;
	v7 =	vpop (erf)  }
.LBB2_16:
0x161: {  	p0 =	sne.s32 s13, $0x1800;
	v8 =	vld [tilespmem:s12+$0x75F0];
	v4 =	vmul.f32 v7, v4  }
0x162: {  	[tilespmem:s11+$0x12E0] =	vst v6  }
0x163: {  	v6 =	vld [tilespmem:s9+$0x12E0];
	[tilespmem:s11+$0x12F0] =	vst v4;
	s11 =	smov.u32 s9;
	s9 =	smov.u32 s12  }
.Ltmp10:
0x164: {  	v4 =	vld [tilespmem:s11+$0x12F0];
	(pc) =	sbr.rel @p0 .LBB2_16-.Ltmp10, $4  }
0x165: {  	v5 =	vmax.f32 v5, $1.000000000e+00  }
0x166: {  	v8 =	vmax.f32 v8, $1.000000000e+00;
	(erf) = vrcp.f32 v5  }
0x167: {  	s12 =	sshra.s32 s13, $0x2;
	(erf) = vrcp.f32 v8;
	v7 =	vpop (erf)  }
0x168: {  	s13 =	sadd.s32 $0x80, s13;
	v5 =	vld [tilespmem:s12+$0x75E0];
	v6 =	vmul.f32 v7, v6;
	v7 =	vpop (erf)  }
0x169: {  	_ = 	snop  }
0x16a: {  	v8 =	vld [tilespmem:s12+$0x75F0];
	v4 =	vmul.f32 v7, v4  }
0x16b: {  	[tilespmem:s11+$0x12E0] =	vst v6  }
0x16c: {  	v6 =	vld [tilespmem:s9+$0x12E0];
	[tilespmem:s11+$0x12F0] =	vst v4  }
0x16d: {  	v4 =	vld [tilespmem:s9+$0x12F0];
	v5 =	vmax.f32 v5, $1.000000000e+00;
	_ =	sdelay $0x1  }
0x16e: {  	v7 =	vmax.f32 v8, $1.000000000e+00;
	(erf) = vrcp.f32 v5  }
0x16f: {  	v5 =	vpop (erf);
	(erf) = vrcp.f32 v7  }
0x170: {  	v5 =	vmul.f32 v5, v6;
	v6 =	vpop (erf)  }
0x171: {  	v4 =	vmul.f32 v6, v4  }
0x172: {  	[tilespmem:s9+$0x12E0] =	vst v5  }
0x173: {  	v5 =	vld [tilespmem:s12+$0x12E0];
	[tilespmem:s9+$0x12F0] =	vst v4  }
0x174: {  	v4 =	vld [tilespmem:s12+$0x12F0];
	_ =	sdelay $0x2  }
0x175: {  	v6 =	vpop (erf)  }
0x176: {  	v5 =	vmul.f32 v6, v5;
	v6 =	vpop (erf)  }
0x177: {  	v4 =	vmul.f32 v6, v4  }
0x178: {  	s17 =	simm.s32 $0x0;
	[tilespmem:s12+$0x12E0] =	vst v5  }
0x179: {  	s18 =	rddreg [dreg:$0xa];
	s28 =	simm.s32 $0x12E0;
	s11 =	simm.s32 $0x0;
	[tilespmem:s12+$0x12F0] =	vst v4  }
0x17a: {  	[hbm4b:s18+s17] =	stream.linear.scatter [tilespmem:s28], [sflag:$0x1], $0x620, $0x38;
	[tilespmem:$0x18D80] =	vst v63  }
0x17b: {  	v4 =	vld [tilespmem:s11+$0x7C10]  }
0x17c: {  	v5 =	vld [tilespmem:s11+$0x7C20];
	_ =	sdelay $0x3  }
0x17d: {  	v4 =	vmax.f32 v4, $1.000000000e+00  }
0x17e: {  	s9 =	simm.s32 $0x20;
	v5 =	vmax.f32 v5, $1.000000000e+00;
	(erf) = vrcp.f32 v4  }
0x17f: {  	v4 =	vld [tilespmem:s9+$0x7C10];
	(erf) = vrcp.f32 v5;
	_ =	sdelay $0x1  }
0x180: {  	v5 =	vld [tilespmem:s9+$0x7C20];
	_ =	sdelay $0x1  }
0x181: {  	v6 =	vld [tilespmem:s11+$0x1910]  }
0x182: {  	v7 =	vmax.f32 v4, $1.000000000e+00;
	v4 =	vld [tilespmem:s11+$0x1920];
	_ =	sdelay $0x1  }
0x183: {  	v5 =	vmax.f32 v5, $1.000000000e+00;
	(erf) = vrcp.f32 v7  }
0x184: {  	s12 =	simm.s32 $0x40;
	v7 =	vpop (erf);
	(erf) = vrcp.f32 v5  }
0x185: {  	s13 =	simm.s32 $0x180;
	v5 =	vld [tilespmem:s12+$0x7C10];
	v6 =	vmul.f32 v7, v6;
	v7 =	vpop (erf)  }
.LBB2_18:
0x186: {  	p0 =	sne.s32 s13, $0x1800;
	v8 =	vld [tilespmem:s12+$0x7C20];
	v4 =	vmul.f32 v7, v4  }
0x187: {  	[tilespmem:s11+$0x1910] =	vst v6  }
0x188: {  	v6 =	vld [tilespmem:s9+$0x1910];
	[tilespmem:s11+$0x1920] =	vst v4;
	s11 =	smov.u32 s9;
	s9 =	smov.u32 s12  }
.Ltmp11:
0x189: {  	v4 =	vld [tilespmem:s11+$0x1920];
	(pc) =	sbr.rel @p0 .LBB2_18-.Ltmp11, $4  }
0x18a: {  	v5 =	vmax.f32 v5, $1.000000000e+00  }
0x18b: {  	v8 =	vmax.f32 v8, $1.000000000e+00;
	(erf) = vrcp.f32 v5  }
0x18c: {  	s12 =	sshra.s32 s13, $0x2;
	(erf) = vrcp.f32 v8;
	v7 =	vpop (erf)  }
0x18d: {  	s13 =	sadd.s32 $0x80, s13;
	v5 =	vld [tilespmem:s12+$0x7C10];
	v6 =	vmul.f32 v7, v6;
	v7 =	vpop (erf)  }
0x18e: {  	_ = 	snop  }
0x18f: {  	v8 =	vld [tilespmem:s12+$0x7C20];
	v4 =	vmul.f32 v7, v4  }
0x190: {  	[tilespmem:s11+$0x1910] =	vst v6  }
0x191: {  	v6 =	vld [tilespmem:s9+$0x1910];
	[tilespmem:s11+$0x1920] =	vst v4  }
0x192: {  	v4 =	vld [tilespmem:s9+$0x1920];
	v5 =	vmax.f32 v5, $1.000000000e+00;
	_ =	sdelay $0x1  }
0x193: {  	v7 =	vmax.f32 v8, $1.000000000e+00;
	(erf) = vrcp.f32 v5  }
0x194: {  	v5 =	vpop (erf);
	(erf) = vrcp.f32 v7  }
0x195: {  	v5 =	vmul.f32 v5, v6;
	v6 =	vpop (erf)  }
0x196: {  	v4 =	vmul.f32 v6, v4  }
0x197: {  	[tilespmem:s9+$0x1910] =	vst v5  }
0x198: {  	v5 =	vld [tilespmem:s12+$0x1910];
	[tilespmem:s9+$0x1920] =	vst v4  }
0x199: {  	v4 =	vld [tilespmem:s12+$0x1920];
	_ =	sdelay $0x2  }
0x19a: {  	v6 =	vpop (erf)  }
0x19b: {  	v5 =	vmul.f32 v6, v5;
	v6 =	vpop (erf)  }
0x19c: {  	v4 =	vmul.f32 v6, v4  }
0x19d: {  	s17 =	simm.s32 $0x0;
	[tilespmem:s12+$0x1910] =	vst v5  }
0x19e: {  	s18 =	rddreg [dreg:$0xb];
	s28 =	simm.s32 $0x1910;
	s11 =	simm.s32 $0x0;
	[tilespmem:s12+$0x1920] =	vst v4  }
0x19f: {  	[hbm4b:s18+s17] =	stream.linear.scatter [tilespmem:s28], [sflag:$0x1], $0x620, $0x38;
	[tilespmem:$0x18D80] =	vst v63  }
0x1a0: {  	v4 =	vld [tilespmem:s11+$0x8240]  }
0x1a1: {  	v5 =	vld [tilespmem:s11+$0x8250];
	_ =	sdelay $0x3  }
0x1a2: {  	v4 =	vmax.f32 v4, $1.000000000e+00  }
0x1a3: {  	s9 =	simm.s32 $0x20;
	v5 =	vmax.f32 v5, $1.000000000e+00;
	(erf) = vrcp.f32 v4  }
0x1a4: {  	v4 =	vld [tilespmem:s9+$0x8240];
	(erf) = vrcp.f32 v5;
	_ =	sdelay $0x1  }
0x1a5: {  	v5 =	vld [tilespmem:s9+$0x8250];
	_ =	sdelay $0x1  }
0x1a6: {  	v6 =	vld [tilespmem:s11+$0x1F40]  }
0x1a7: {  	v7 =	vmax.f32 v4, $1.000000000e+00;
	v4 =	vld [tilespmem:s11+$0x1F50];
	_ =	sdelay $0x1  }
0x1a8: {  	v5 =	vmax.f32 v5, $1.000000000e+00;
	(erf) = vrcp.f32 v7  }
0x1a9: {  	s12 =	simm.s32 $0x40;
	v7 =	vpop (erf);
	(erf) = vrcp.f32 v5  }
0x1aa: {  	s13 =	simm.s32 $0x180;
	v5 =	vld [tilespmem:s12+$0x8240];
	v6 =	vmul.f32 v7, v6;
	v7 =	vpop (erf)  }
.LBB2_20:
0x1ab: {  	p0 =	sne.s32 s13, $0x1800;
	v8 =	vld [tilespmem:s12+$0x8250];
	v4 =	vmul.f32 v7, v4  }
0x1ac: {  	[tilespmem:s11+$0x1F40] =	vst v6  }
0x1ad: {  	v6 =	vld [tilespmem:s9+$0x1F40];
	[tilespmem:s11+$0x1F50] =	vst v4;
	s11 =	smov.u32 s9;
	s9 =	smov.u32 s12  }
.Ltmp12:
0x1ae: {  	v4 =	vld [tilespmem:s11+$0x1F50];
	(pc) =	sbr.rel @p0 .LBB2_20-.Ltmp12, $4  }
0x1af: {  	v5 =	vmax.f32 v5, $1.000000000e+00  }
0x1b0: {  	v8 =	vmax.f32 v8, $1.000000000e+00;
	(erf) = vrcp.f32 v5  }
0x1b1: {  	s12 =	sshra.s32 s13, $0x2;
	(erf) = vrcp.f32 v8;
	v7 =	vpop (erf)  }
0x1b2: {  	s13 =	sadd.s32 $0x80, s13;
	v5 =	vld [tilespmem:s12+$0x8240];
	v6 =	vmul.f32 v7, v6;
	v7 =	vpop (erf)  }
0x1b3: {  	_ = 	snop  }
0x1b4: {  	v8 =	vld [tilespmem:s12+$0x8250];
	v4 =	vmul.f32 v7, v4  }
0x1b5: {  	[tilespmem:s11+$0x1F40] =	vst v6  }
0x1b6: {  	v6 =	vld [tilespmem:s9+$0x1F40];
	[tilespmem:s11+$0x1F50] =	vst v4  }
0x1b7: {  	v4 =	vld [tilespmem:s9+$0x1F50];
	v5 =	vmax.f32 v5, $1.000000000e+00;
	_ =	sdelay $0x1  }
0x1b8: {  	v7 =	vmax.f32 v8, $1.000000000e+00;
	(erf) = vrcp.f32 v5  }
0x1b9: {  	v5 =	vpop (erf);
	(erf) = vrcp.f32 v7  }
0x1ba: {  	v5 =	vmul.f32 v5, v6;
	v6 =	vpop (erf)  }
0x1bb: {  	v4 =	vmul.f32 v6, v4  }
0x1bc: {  	[tilespmem:s9+$0x1F40] =	vst v5  }
0x1bd: {  	v5 =	vld [tilespmem:s12+$0x1F40];
	[tilespmem:s9+$0x1F50] =	vst v4  }
0x1be: {  	v4 =	vld [tilespmem:s12+$0x1F50];
	_ =	sdelay $0x2  }
0x1bf: {  	v6 =	vpop (erf)  }
0x1c0: {  	v5 =	vmul.f32 v6, v5;
	v6 =	vpop (erf)  }
0x1c1: {  	v4 =	vmul.f32 v6, v4  }
0x1c2: {  	s18 =	rddreg [dreg:$0xc];
	[tilespmem:s12+$0x1F40] =	vst v5  }
0x1c3: {  	s28 =	simm.s32 $0x1F40;
	s9 =	simm.s32 $0x0;
	[tilespmem:s12+$0x1F50] =	vst v4;
	s12 =	simm.s32 $0x8870  }
0x1c4: {  	[hbm4b:s18+s9] =	stream.linear.scatter [tilespmem:s28], [sflag:$0x1], $0x620, $0x38;
	[tilespmem:$0x18D80] =	vst v63  }
0x1c5: {  	s13 =	simm.s32 $0x20;
	s11 =	simm.s32 $0x2570;
	v4 =	vld [tilespmem:s12+$0x0]  }
.LBB2_22:
0x1c6: {  	p0 =	sne.s32 s13, $0x600;
	v5 =	vld [tilespmem:s11+$0x0];
	_ =	sdelay $0x3  }
0x1c7: {  	v4 =	vmax.f32 v4, $1.000000000e+00  }
0x1c8: {  	(erf) = vrcp.f32 v4;
	_ =	sdelay $0x8  }
0x1c9: {  	v4 =	vpop (erf)  }
0x1ca: {  	v4 =	vmul.f32 v4, v5;
	_ =	sdelay $0x1  }
0x1cb: {  	s14 =	sand.u32 $0x7E0, s9;
	s9 =	smov.u32 s13;
	[tilespmem:s11+$0x0] =	vst v4  }
0x1cc: {  	v4 =	vld [tilespmem:s14+$0x8880]  }
0x1cd: {  	v5 =	vld [tilespmem:s14+$0x2580];
	_ =	sdelay $0x3  }
0x1ce: {  	v4 =	vmax.f32 v4, $1.000000000e+00  }
0x1cf: {  	(erf) = vrcp.f32 v4;
	_ =	sdelay $0x8  }
.Ltmp13:
0x1d0: {  	v4 =	vpop (erf);
	(pc) =	sbr.rel @p0 .LBB2_22-.Ltmp13, $3  }
0x1d1: {  	v4 =	vmul.f32 v4, v5;
	_ =	sdelay $0x1  }
0x1d2: {  	s12 =	sadd.s32 $0x20, s12;
	[tilespmem:s14+$0x2580] =	vst v4  }
0x1d3: {  	s13 =	sadd.s32 $0x20, s13;
	s11 =	sadd.s32 $0x20, s11;
	v4 =	vld [tilespmem:s12+$0x0]  }
0x1d4: {  	_ =	sdelay $0x3  }
0x1d5: {  	v4 =	vmax.f32 v4, $1.000000000e+00  }
0x1d6: {  	(erf) = vrcp.f32 v4;
	_ =	sdelay $0x4  }
0x1d7: {  	v4 =	vld [tilespmem:s11+$0x0];
	_ =	sdelay $0x3  }
0x1d8: {  	v5 =	vpop (erf)  }
0x1d9: {  	v4 =	vmul.f32 v5, v4;
	_ =	sdelay $0x1  }
0x1da: {  	s9 =	sand.u32 $0x7E0, s9;
	[tilespmem:s11+$0x0] =	vst v4  }
0x1db: {  	v4 =	vld [tilespmem:s9+$0x8880];
	_ =	sdelay $0x4  }
0x1dc: {  	v4 =	vmax.f32 v4, $1.000000000e+00  }
0x1dd: {  	(erf) = vrcp.f32 v4;
	_ =	sdelay $0x4  }
0x1de: {  	v4 =	vld [tilespmem:s9+$0x2580];
	_ =	sdelay $0x3  }
0x1df: {  	v5 =	vpop (erf)  }
0x1e0: {  	v4 =	vmul.f32 v5, v4  }
0x1e1: {  	s18 =	simm.s32 $0x0  }
0x1e2: {  	s28 =	rddreg [dreg:$0xd];
	s12 =	simm.s32 $0x2570;
	s11 =	simm.s32 $0x0;
	[tilespmem:s9+$0x2580] =	vst v4  }
0x1e3: {  	[hbm4b:s28+s18] =	stream.linear.scatter [tilespmem:s12], [sflag:$0x1], $0x620, $0x38;
	[tilespmem:$0x18D80] =	vst v63  }
0x1e4: {  	v4 =	vld [tilespmem:s11+$0x8EA0]  }
0x1e5: {  	v5 =	vld [tilespmem:s11+$0x8EB0];
	_ =	sdelay $0x3  }
0x1e6: {  	v4 =	vmax.f32 v4, $1.000000000e+00  }
0x1e7: {  	s9 =	simm.s32 $0x20;
	v5 =	vmax.f32 v5, $1.000000000e+00;
	(erf) = vrcp.f32 v4  }
0x1e8: {  	v4 =	vld [tilespmem:s9+$0x8EA0];
	(erf) = vrcp.f32 v5;
	_ =	sdelay $0x1  }
0x1e9: {  	v5 =	vld [tilespmem:s9+$0x8EB0];
	_ =	sdelay $0x1  }
0x1ea: {  	v6 =	vld [tilespmem:s11+$0x2BA0]  }
0x1eb: {  	v7 =	vmax.f32 v4, $1.000000000e+00;
	v4 =	vld [tilespmem:s11+$0x2BB0];
	_ =	sdelay $0x1  }
0x1ec: {  	v5 =	vmax.f32 v5, $1.000000000e+00;
	(erf) = vrcp.f32 v7  }
0x1ed: {  	s12 =	simm.s32 $0x40;
	v7 =	vpop (erf);
	(erf) = vrcp.f32 v5  }
0x1ee: {  	s13 =	simm.s32 $0x180;
	v5 =	vld [tilespmem:s12+$0x8EA0];
	v6 =	vmul.f32 v7, v6;
	v7 =	vpop (erf)  }
.LBB2_24:
0x1ef: {  	p0 =	sne.s32 s13, $0x1800;
	v8 =	vld [tilespmem:s12+$0x8EB0];
	v4 =	vmul.f32 v7, v4  }
0x1f0: {  	[tilespmem:s11+$0x2BA0] =	vst v6  }
0x1f1: {  	v6 =	vld [tilespmem:s9+$0x2BA0];
	[tilespmem:s11+$0x2BB0] =	vst v4;
	s11 =	smov.u32 s9;
	s9 =	smov.u32 s12  }
.Ltmp14:
0x1f2: {  	v4 =	vld [tilespmem:s11+$0x2BB0];
	(pc) =	sbr.rel @p0 .LBB2_24-.Ltmp14, $4  }
0x1f3: {  	v5 =	vmax.f32 v5, $1.000000000e+00  }
0x1f4: {  	v8 =	vmax.f32 v8, $1.000000000e+00;
	(erf) = vrcp.f32 v5  }
0x1f5: {  	s12 =	sshra.s32 s13, $0x2;
	(erf) = vrcp.f32 v8;
	v7 =	vpop (erf)  }
0x1f6: {  	s13 =	sadd.s32 $0x80, s13;
	v5 =	vld [tilespmem:s12+$0x8EA0];
	v6 =	vmul.f32 v7, v6;
	v7 =	vpop (erf)  }
0x1f7: {  	_ = 	snop  }
0x1f8: {  	v8 =	vld [tilespmem:s12+$0x8EB0];
	v4 =	vmul.f32 v7, v4  }
0x1f9: {  	[tilespmem:s11+$0x2BA0] =	vst v6  }
0x1fa: {  	v6 =	vld [tilespmem:s9+$0x2BA0];
	[tilespmem:s11+$0x2BB0] =	vst v4  }
0x1fb: {  	v4 =	vld [tilespmem:s9+$0x2BB0];
	v5 =	vmax.f32 v5, $1.000000000e+00;
	_ =	sdelay $0x1  }
0x1fc: {  	v7 =	vmax.f32 v8, $1.000000000e+00;
	(erf) = vrcp.f32 v5  }
0x1fd: {  	v5 =	vpop (erf);
	(erf) = vrcp.f32 v7  }
0x1fe: {  	v5 =	vmul.f32 v5, v6;
	v6 =	vpop (erf)  }
0x1ff: {  	v4 =	vmul.f32 v6, v4  }
0x200: {  	[tilespmem:s9+$0x2BA0] =	vst v5  }
0x201: {  	v5 =	vld [tilespmem:s12+$0x2BA0];
	[tilespmem:s9+$0x2BB0] =	vst v4  }
0x202: {  	v4 =	vld [tilespmem:s12+$0x2BB0];
	_ =	sdelay $0x2  }
0x203: {  	v6 =	vpop (erf)  }
0x204: {  	v5 =	vmul.f32 v6, v5;
	v6 =	vpop (erf)  }
0x205: {  	v4 =	vmul.f32 v6, v4  }
0x206: {  	s17 =	simm.s32 $0x0;
	[tilespmem:s12+$0x2BA0] =	vst v5  }
0x207: {  	s18 =	rddreg [dreg:$0xe];
	s28 =	simm.s32 $0x2BA0;
	s11 =	simm.s32 $0x0;
	[tilespmem:s12+$0x2BB0] =	vst v4  }
0x208: {  	[hbm4b:s18+s17] =	stream.linear.scatter [tilespmem:s28], [sflag:$0x1], $0x620, $0x38;
	[tilespmem:$0x18D80] =	vst v63  }
0x209: {  	v4 =	vld [tilespmem:s11+$0x94D0]  }
0x20a: {  	v5 =	vld [tilespmem:s11+$0x94E0];
	_ =	sdelay $0x3  }
0x20b: {  	v4 =	vmax.f32 v4, $1.000000000e+00  }
0x20c: {  	s9 =	simm.s32 $0x20;
	v5 =	vmax.f32 v5, $1.000000000e+00;
	(erf) = vrcp.f32 v4  }
0x20d: {  	v4 =	vld [tilespmem:s9+$0x94D0];
	(erf) = vrcp.f32 v5;
	_ =	sdelay $0x1  }
0x20e: {  	v5 =	vld [tilespmem:s9+$0x94E0];
	_ =	sdelay $0x1  }
0x20f: {  	v6 =	vld [tilespmem:s11+$0x31D0]  }
0x210: {  	v7 =	vmax.f32 v4, $1.000000000e+00;
	v4 =	vld [tilespmem:s11+$0x31E0];
	_ =	sdelay $0x1  }
0x211: {  	v5 =	vmax.f32 v5, $1.000000000e+00;
	(erf) = vrcp.f32 v7  }
0x212: {  	s12 =	simm.s32 $0x40;
	v7 =	vpop (erf);
	(erf) = vrcp.f32 v5  }
0x213: {  	s13 =	simm.s32 $0x180;
	v5 =	vld [tilespmem:s12+$0x94D0];
	v6 =	vmul.f32 v7, v6;
	v7 =	vpop (erf)  }
.LBB2_26:
0x214: {  	p0 =	sne.s32 s13, $0x1800;
	v8 =	vld [tilespmem:s12+$0x94E0];
	v4 =	vmul.f32 v7, v4  }
0x215: {  	[tilespmem:s11+$0x31D0] =	vst v6  }
0x216: {  	v6 =	vld [tilespmem:s9+$0x31D0];
	[tilespmem:s11+$0x31E0] =	vst v4;
	s11 =	smov.u32 s9;
	s9 =	smov.u32 s12  }
.Ltmp15:
0x217: {  	v4 =	vld [tilespmem:s11+$0x31E0];
	(pc) =	sbr.rel @p0 .LBB2_26-.Ltmp15, $4  }
0x218: {  	v5 =	vmax.f32 v5, $1.000000000e+00  }
0x219: {  	v8 =	vmax.f32 v8, $1.000000000e+00;
	(erf) = vrcp.f32 v5  }
0x21a: {  	s12 =	sshra.s32 s13, $0x2;
	(erf) = vrcp.f32 v8;
	v7 =	vpop (erf)  }
0x21b: {  	s13 =	sadd.s32 $0x80, s13;
	v5 =	vld [tilespmem:s12+$0x94D0];
	v6 =	vmul.f32 v7, v6;
	v7 =	vpop (erf)  }
0x21c: {  	_ = 	snop  }
0x21d: {  	v8 =	vld [tilespmem:s12+$0x94E0];
	v4 =	vmul.f32 v7, v4  }
0x21e: {  	[tilespmem:s11+$0x31D0] =	vst v6  }
0x21f: {  	v6 =	vld [tilespmem:s9+$0x31D0];
	[tilespmem:s11+$0x31E0] =	vst v4  }
0x220: {  	v4 =	vld [tilespmem:s9+$0x31E0];
	v5 =	vmax.f32 v5, $1.000000000e+00;
	_ =	sdelay $0x1  }
0x221: {  	v60 =	vmax.f32 v8, $1.000000000e+00;
	(erf) = vrcp.f32 v5  }
0x222: {  	v5 =	vpop (erf);
	(erf) = vrcp.f32 v60  }
0x223: {  	v5 =	vmul.f32 v5, v6;
	v61 =	vpop (erf)  }
0x224: {  	v4 =	vmul.f32 v61, v4  }
0x225: {  	[tilespmem:s9+$0x31D0] =	vst v5  }
0x226: {  	v5 =	vld [tilespmem:s12+$0x31D0];
	[tilespmem:s9+$0x31E0] =	vst v4  }
0x227: {  	v4 =	vld [tilespmem:s12+$0x31E0];
	_ =	sdelay $0x2  }
0x228: {  	v62 =	vpop (erf)  }
0x229: {  	v5 =	vmul.f32 v62, v5;
	v63 =	vpop (erf)  }
0x22a: {  	v4 =	vmul.f32 v63, v4  }
0x22b: {  	s15 =	simm.s32 $0x0;
	[tilespmem:s12+$0x31D0] =	vst v5  }
0x22c: {  	s16 =	rddreg [dreg:$0xf];
	s17 =	simm.s32 $0x31D0;
	s18 =	sand.u32 $0x7E0, s15;
	[tilespmem:s12+$0x31E0] =	vst v4  }
0x22d: {  	[hbm4b:s16+s15] =	stream.linear.scatter [tilespmem:s17], [sflag:$0x1], $0x620, $0x38;
	[tilespmem:$0x18D80] =	vst v63  }
0x22e: {  	v4 =	vld [tilespmem:s18+$0x9B00];
	_ =	sdelay $0x4  }
0x22f: {  	v4 =	vmax.f32 v4, $1.000000000e+00  }
0x230: {  	(erf) = vrcp.f32 v4;
	_ =	sdelay $0x4  }
0x231: {  	v4 =	vld [tilespmem:s18+$0x3800];
	_ =	sdelay $0x3  }
0x232: {  	v5 =	vpop (erf)  }
0x233: {  	v4 =	vmul.f32 v5, v4;
	_ =	sdelay $0x1  }
0x234: {  	s9 =	simm.s32 $0x9B10;
	[tilespmem:s18+$0x3800] =	vst v4  }
0x235: {  	v4 =	vld [tilespmem:s9+$0x0];
	_ =	sdelay $0x4  }
0x236: {  	v4 =	vmax.f32 v4, $1.000000000e+00  }
0x237: {  	(erf) = vrcp.f32 v4;
	_ =	sdelay $0x3  }
0x238: {  	s11 =	simm.s32 $0x3810  }
0x239: {  	v4 =	vld [tilespmem:s11+$0x0];
	_ =	sdelay $0x3  }
0x23a: {  	v5 =	vpop (erf)  }
0x23b: {  	v4 =	vmul.f32 v5, v4  }
0x23c: {  	s28 =	simm.s32 $0x20  }
0x23d: {  	s13 =	sand.u32 $0x7E0, s28;
	s12 =	simm.s32 $0x40;
	[tilespmem:s11+$0x0] =	vst v4  }
.LBB2_28:
0x23e: {  	p0 =	sne.s32 s12, $0x600;
	v4 =	vld [tilespmem:s13+$0x9B00];
	_ =	sdelay $0x4  }
0x23f: {  	v4 =	vmax.f32 v4, $1.000000000e+00  }
0x240: {  	(erf) = vrcp.f32 v4;
	_ =	sdelay $0x4  }
0x241: {  	v4 =	vld [tilespmem:s13+$0x3800];
	_ =	sdelay $0x3  }
0x242: {  	v5 =	vpop (erf)  }
0x243: {  	v4 =	vmul.f32 v5, v4;
	_ =	sdelay $0x1  }
0x244: {  	s9 =	sadd.s32 $0x20, s9;
	[tilespmem:s13+$0x3800] =	vst v4  }
0x245: {  	s11 =	sadd.s32 $0x20, s11;
	v4 =	vld [tilespmem:s9+$0x0]  }
0x246: {  	v5 =	vld [tilespmem:s11+$0x0];
	_ =	sdelay $0x3  }
0x247: {  	v4 =	vmax.f32 v4, $1.000000000e+00  }
0x248: {  	(erf) = vrcp.f32 v4;
	_ =	sdelay $0x7  }
.Ltmp16:
0x249: {  	(pc) =	sbr.rel @p0 .LBB2_28-.Ltmp16, $3  }
0x24a: {  	v4 =	vpop (erf)  }
0x24b: {  	v4 =	vmul.f32 v4, v5;
	_ =	sdelay $0x1  }
0x24c: {  	s13 =	sand.u32 $0x7E0, s12;
	s12 =	sadd.s32 $0x20, s12;
	[tilespmem:s11+$0x0] =	vst v4  }
0x24d: {  	v4 =	vld [tilespmem:s13+$0x9B00];
	_ =	sdelay $0x4  }
0x24e: {  	v4 =	vmax.f32 v4, $1.000000000e+00  }
0x24f: {  	(erf) = vrcp.f32 v4;
	_ =	sdelay $0x4  }
0x250: {  	v4 =	vld [tilespmem:s13+$0x3800];
	_ =	sdelay $0x3  }
0x251: {  	v5 =	vpop (erf)  }
0x252: {  	v4 =	vmul.f32 v5, v4;
	_ =	sdelay $0x1  }
0x253: {  	s9 =	sadd.s32 $0x20, s9;
	[tilespmem:s13+$0x3800] =	vst v4  }
0x254: {  	v4 =	vld [tilespmem:s9+$0x0];
	_ =	sdelay $0x4  }
0x255: {  	v4 =	vmax.f32 v4, $1.000000000e+00  }
0x256: {  	(erf) = vrcp.f32 v4;
	_ =	sdelay $0x3  }
0x257: {  	s17 =	sadd.s32 $0x20, s11  }
0x258: {  	v4 =	vld [tilespmem:s17+$0x0];
	_ =	sdelay $0x3  }
0x259: {  	v5 =	vpop (erf)  }
0x25a: {  	v4 =	vmul.f32 v5, v4  }
0x25b: {  	s18 =	simm.s32 $0x0  }
0x25c: {  	s28 =	rddreg [dreg:$0x10];
	s12 =	simm.s32 $0x3800;
	s11 =	simm.s32 $0x0;
	[tilespmem:s17+$0x0] =	vst v4  }
0x25d: {  	[hbm4b:s28+s18] =	stream.linear.scatter [tilespmem:s12], [sflag:$0x1], $0x620, $0x38;
	[tilespmem:$0x18D80] =	vst v63  }
0x25e: {  	v4 =	vld [tilespmem:s11+$0xA130]  }
0x25f: {  	v5 =	vld [tilespmem:s11+$0xA140];
	_ =	sdelay $0x3  }
0x260: {  	v4 =	vmax.f32 v4, $1.000000000e+00  }
0x261: {  	s9 =	simm.s32 $0x20;
	v5 =	vmax.f32 v5, $1.000000000e+00;
	(erf) = vrcp.f32 v4  }
0x262: {  	v4 =	vld [tilespmem:s9+$0xA130];
	(erf) = vrcp.f32 v5;
	_ =	sdelay $0x1  }
0x263: {  	v5 =	vld [tilespmem:s9+$0xA140];
	_ =	sdelay $0x1  }
0x264: {  	v6 =	vld [tilespmem:s11+$0x3E30]  }
0x265: {  	v7 =	vmax.f32 v4, $1.000000000e+00;
	v4 =	vld [tilespmem:s11+$0x3E40];
	_ =	sdelay $0x1  }
0x266: {  	v5 =	vmax.f32 v5, $1.000000000e+00;
	(erf) = vrcp.f32 v7  }
0x267: {  	s12 =	simm.s32 $0x40;
	v7 =	vpop (erf);
	(erf) = vrcp.f32 v5  }
0x268: {  	s13 =	simm.s32 $0x180;
	v5 =	vld [tilespmem:s12+$0xA130];
	v6 =	vmul.f32 v7, v6;
	v7 =	vpop (erf)  }
.LBB2_30:
0x269: {  	p0 =	sne.s32 s13, $0x1800;
	v8 =	vld [tilespmem:s12+$0xA140];
	v4 =	vmul.f32 v7, v4  }
0x26a: {  	[tilespmem:s11+$0x3E30] =	vst v6  }
0x26b: {  	v6 =	vld [tilespmem:s9+$0x3E30];
	[tilespmem:s11+$0x3E40] =	vst v4;
	s11 =	smov.u32 s9;
	s9 =	smov.u32 s12  }
.Ltmp17:
0x26c: {  	v4 =	vld [tilespmem:s11+$0x3E40];
	(pc) =	sbr.rel @p0 .LBB2_30-.Ltmp17, $4  }
0x26d: {  	v5 =	vmax.f32 v5, $1.000000000e+00  }
0x26e: {  	v8 =	vmax.f32 v8, $1.000000000e+00;
	(erf) = vrcp.f32 v5  }
0x26f: {  	s12 =	sshra.s32 s13, $0x2;
	(erf) = vrcp.f32 v8;
	v7 =	vpop (erf)  }
0x270: {  	s13 =	sadd.s32 $0x80, s13;
	v5 =	vld [tilespmem:s12+$0xA130];
	v6 =	vmul.f32 v7, v6;
	v7 =	vpop (erf)  }
0x271: {  	_ = 	snop  }
0x272: {  	v8 =	vld [tilespmem:s12+$0xA140];
	v4 =	vmul.f32 v7, v4  }
0x273: {  	[tilespmem:s11+$0x3E30] =	vst v6  }
0x274: {  	v6 =	vld [tilespmem:s9+$0x3E30];
	[tilespmem:s11+$0x3E40] =	vst v4  }
0x275: {  	v4 =	vld [tilespmem:s9+$0x3E40];
	v5 =	vmax.f32 v5, $1.000000000e+00;
	_ =	sdelay $0x1  }
0x276: {  	v7 =	vmax.f32 v8, $1.000000000e+00;
	(erf) = vrcp.f32 v5  }
0x277: {  	v5 =	vpop (erf);
	(erf) = vrcp.f32 v7  }
0x278: {  	v5 =	vmul.f32 v5, v6;
	v6 =	vpop (erf)  }
0x279: {  	v4 =	vmul.f32 v6, v4  }
0x27a: {  	[tilespmem:s9+$0x3E30] =	vst v5  }
0x27b: {  	v5 =	vld [tilespmem:s12+$0x3E30];
	[tilespmem:s9+$0x3E40] =	vst v4  }
0x27c: {  	v4 =	vld [tilespmem:s12+$0x3E40];
	_ =	sdelay $0x2  }
0x27d: {  	v6 =	vpop (erf)  }
0x27e: {  	v5 =	vmul.f32 v6, v5;
	v6 =	vpop (erf)  }
0x27f: {  	v4 =	vmul.f32 v6, v4  }
0x280: {  	[tilespmem:s12+$0x3E30] =	vst v5  }
0x281: {  	s18 =	simm.s32 $0x0;
	s28 =	simm.s32 $0x3E30;
	s11 =	simm.s32 $0x0;
	[tilespmem:s12+$0x3E40] =	vst v4  }
0x282: {  	[hbm4b:s19+s18] =	stream.linear.scatter [tilespmem:s28], [sflag:$0x1], $0x620, $0x38;
	[tilespmem:$0x18D80] =	vst v63  }
0x283: {  	v4 =	vld [tilespmem:s11+$0xA760]  }
0x284: {  	v5 =	vld [tilespmem:s11+$0xA770];
	_ =	sdelay $0x3  }
0x285: {  	v4 =	vmax.f32 v4, $1.000000000e+00  }
0x286: {  	s9 =	simm.s32 $0x20;
	v5 =	vmax.f32 v5, $1.000000000e+00;
	(erf) = vrcp.f32 v4  }
0x287: {  	v4 =	vld [tilespmem:s9+$0xA760];
	(erf) = vrcp.f32 v5;
	_ =	sdelay $0x1  }
0x288: {  	v5 =	vld [tilespmem:s9+$0xA770];
	_ =	sdelay $0x1  }
0x289: {  	v6 =	vld [tilespmem:s11+$0x4460]  }
0x28a: {  	v7 =	vmax.f32 v4, $1.000000000e+00;
	v4 =	vld [tilespmem:s11+$0x4470];
	_ =	sdelay $0x1  }
0x28b: {  	v5 =	vmax.f32 v5, $1.000000000e+00;
	(erf) = vrcp.f32 v7  }
0x28c: {  	s12 =	simm.s32 $0x40;
	v7 =	vpop (erf);
	(erf) = vrcp.f32 v5  }
0x28d: {  	s13 =	simm.s32 $0x180;
	v5 =	vld [tilespmem:s12+$0xA760];
	v6 =	vmul.f32 v7, v6;
	v7 =	vpop (erf)  }
.LBB2_32:
0x28e: {  	p0 =	sne.s32 s13, $0x1800;
	v8 =	vld [tilespmem:s12+$0xA770];
	v4 =	vmul.f32 v7, v4  }
0x28f: {  	[tilespmem:s11+$0x4460] =	vst v6  }
0x290: {  	v6 =	vld [tilespmem:s9+$0x4460];
	[tilespmem:s11+$0x4470] =	vst v4;
	s11 =	smov.u32 s9;
	s9 =	smov.u32 s12  }
.Ltmp18:
0x291: {  	v4 =	vld [tilespmem:s11+$0x4470];
	(pc) =	sbr.rel @p0 .LBB2_32-.Ltmp18, $4  }
0x292: {  	v5 =	vmax.f32 v5, $1.000000000e+00  }
0x293: {  	v8 =	vmax.f32 v8, $1.000000000e+00;
	(erf) = vrcp.f32 v5  }
0x294: {  	s12 =	sshra.s32 s13, $0x2;
	(erf) = vrcp.f32 v8;
	v7 =	vpop (erf)  }
0x295: {  	s13 =	sadd.s32 $0x80, s13;
	v5 =	vld [tilespmem:s12+$0xA760];
	v6 =	vmul.f32 v7, v6;
	v7 =	vpop (erf)  }
0x296: {  	_ = 	snop  }
0x297: {  	v8 =	vld [tilespmem:s12+$0xA770];
	v4 =	vmul.f32 v7, v4  }
0x298: {  	[tilespmem:s11+$0x4460] =	vst v6  }
0x299: {  	v6 =	vld [tilespmem:s9+$0x4460];
	[tilespmem:s11+$0x4470] =	vst v4  }
0x29a: {  	v4 =	vld [tilespmem:s9+$0x4470];
	v5 =	vmax.f32 v5, $1.000000000e+00;
	_ =	sdelay $0x1  }
0x29b: {  	v7 =	vmax.f32 v8, $1.000000000e+00;
	(erf) = vrcp.f32 v5  }
0x29c: {  	v5 =	vpop (erf);
	(erf) = vrcp.f32 v7  }
0x29d: {  	v5 =	vmul.f32 v5, v6;
	v6 =	vpop (erf)  }
0x29e: {  	v4 =	vmul.f32 v6, v4  }
0x29f: {  	[tilespmem:s9+$0x4460] =	vst v5  }
0x2a0: {  	v5 =	vld [tilespmem:s12+$0x4460];
	[tilespmem:s9+$0x4470] =	vst v4  }
0x2a1: {  	v4 =	vld [tilespmem:s12+$0x4470];
	_ =	sdelay $0x2  }
0x2a2: {  	v6 =	vpop (erf)  }
0x2a3: {  	v5 =	vmul.f32 v6, v5;
	v6 =	vpop (erf)  }
0x2a4: {  	v4 =	vmul.f32 v6, v4  }
0x2a5: {  	[tilespmem:s12+$0x4460] =	vst v5  }
0x2a6: {  	s18 =	simm.s32 $0x0;
	s28 =	simm.s32 $0x4460;
	s11 =	simm.s32 $0x0;
	[tilespmem:s12+$0x4470] =	vst v4  }
0x2a7: {  	[hbm4b:s20+s18] =	stream.linear.scatter [tilespmem:s28], [sflag:$0x1], $0x620, $0x38;
	[tilespmem:$0x18D80] =	vst v63  }
0x2a8: {  	v4 =	vld [tilespmem:s11+$0xAD90]  }
0x2a9: {  	v5 =	vld [tilespmem:s11+$0xADA0];
	_ =	sdelay $0x3  }
0x2aa: {  	v4 =	vmax.f32 v4, $1.000000000e+00  }
0x2ab: {  	s9 =	simm.s32 $0x20;
	v5 =	vmax.f32 v5, $1.000000000e+00;
	(erf) = vrcp.f32 v4  }
0x2ac: {  	v4 =	vld [tilespmem:s9+$0xAD90];
	(erf) = vrcp.f32 v5;
	_ =	sdelay $0x1  }
0x2ad: {  	v5 =	vld [tilespmem:s9+$0xADA0];
	_ =	sdelay $0x1  }
0x2ae: {  	v6 =	vld [tilespmem:s11+$0x4A90]  }
0x2af: {  	v7 =	vmax.f32 v4, $1.000000000e+00;
	v4 =	vld [tilespmem:s11+$0x4AA0];
	_ =	sdelay $0x1  }
0x2b0: {  	v5 =	vmax.f32 v5, $1.000000000e+00;
	(erf) = vrcp.f32 v7  }
0x2b1: {  	s12 =	simm.s32 $0x40;
	v7 =	vpop (erf);
	(erf) = vrcp.f32 v5  }
0x2b2: {  	s13 =	simm.s32 $0x180;
	v5 =	vld [tilespmem:s12+$0xAD90];
	v6 =	vmul.f32 v7, v6;
	v7 =	vpop (erf)  }
.LBB2_34:
0x2b3: {  	p0 =	sne.s32 s13, $0x1800;
	v8 =	vld [tilespmem:s12+$0xADA0];
	v4 =	vmul.f32 v7, v4  }
0x2b4: {  	[tilespmem:s11+$0x4A90] =	vst v6  }
0x2b5: {  	v6 =	vld [tilespmem:s9+$0x4A90];
	[tilespmem:s11+$0x4AA0] =	vst v4;
	s11 =	smov.u32 s9;
	s9 =	smov.u32 s12  }
.Ltmp19:
0x2b6: {  	v4 =	vld [tilespmem:s11+$0x4AA0];
	(pc) =	sbr.rel @p0 .LBB2_34-.Ltmp19, $4  }
0x2b7: {  	v5 =	vmax.f32 v5, $1.000000000e+00  }
0x2b8: {  	v8 =	vmax.f32 v8, $1.000000000e+00;
	(erf) = vrcp.f32 v5  }
0x2b9: {  	s12 =	sshra.s32 s13, $0x2;
	(erf) = vrcp.f32 v8;
	v7 =	vpop (erf)  }
0x2ba: {  	s13 =	sadd.s32 $0x80, s13;
	v5 =	vld [tilespmem:s12+$0xAD90];
	v6 =	vmul.f32 v7, v6;
	v7 =	vpop (erf)  }
0x2bb: {  	_ = 	snop  }
0x2bc: {  	v8 =	vld [tilespmem:s12+$0xADA0];
	v4 =	vmul.f32 v7, v4  }
0x2bd: {  	[tilespmem:s11+$0x4A90] =	vst v6  }
0x2be: {  	v6 =	vld [tilespmem:s9+$0x4A90];
	[tilespmem:s11+$0x4AA0] =	vst v4  }
0x2bf: {  	v4 =	vld [tilespmem:s9+$0x4AA0];
	v5 =	vmax.f32 v5, $1.000000000e+00;
	_ =	sdelay $0x1  }
0x2c0: {  	v7 =	vmax.f32 v8, $1.000000000e+00;
	(erf) = vrcp.f32 v5  }
0x2c1: {  	v5 =	vpop (erf);
	(erf) = vrcp.f32 v7  }
0x2c2: {  	v5 =	vmul.f32 v5, v6;
	v6 =	vpop (erf)  }
0x2c3: {  	v4 =	vmul.f32 v6, v4  }
0x2c4: {  	[tilespmem:s9+$0x4A90] =	vst v5  }
0x2c5: {  	v5 =	vld [tilespmem:s12+$0x4A90];
	[tilespmem:s9+$0x4AA0] =	vst v4  }
0x2c6: {  	v4 =	vld [tilespmem:s12+$0x4AA0];
	_ =	sdelay $0x2  }
0x2c7: {  	v6 =	vpop (erf)  }
0x2c8: {  	v5 =	vmul.f32 v6, v5;
	v6 =	vpop (erf)  }
0x2c9: {  	v4 =	vmul.f32 v6, v4  }
0x2ca: {  	[tilespmem:s12+$0x4A90] =	vst v5  }
0x2cb: {  	s18 =	simm.s32 $0x0;
	s28 =	simm.s32 $0x4A90;
	s11 =	simm.s32 $0x0;
	[tilespmem:s12+$0x4AA0] =	vst v4  }
0x2cc: {  	[hbm4b:s21+s18] =	stream.linear.scatter [tilespmem:s28], [sflag:$0x1], $0x620, $0x38;
	[tilespmem:$0x18D80] =	vst v63  }
0x2cd: {  	v4 =	vld [tilespmem:s11+$0xB3C0]  }
0x2ce: {  	v5 =	vld [tilespmem:s11+$0xB3D0];
	_ =	sdelay $0x3  }
0x2cf: {  	v4 =	vmax.f32 v4, $1.000000000e+00  }
0x2d0: {  	s9 =	simm.s32 $0x20;
	v5 =	vmax.f32 v5, $1.000000000e+00;
	(erf) = vrcp.f32 v4  }
0x2d1: {  	v4 =	vld [tilespmem:s9+$0xB3C0];
	(erf) = vrcp.f32 v5;
	_ =	sdelay $0x1  }
0x2d2: {  	v5 =	vld [tilespmem:s9+$0xB3D0];
	_ =	sdelay $0x1  }
0x2d3: {  	v6 =	vld [tilespmem:s11+$0x50C0]  }
0x2d4: {  	v7 =	vmax.f32 v4, $1.000000000e+00;
	v4 =	vld [tilespmem:s11+$0x50D0];
	_ =	sdelay $0x1  }
0x2d5: {  	v5 =	vmax.f32 v5, $1.000000000e+00;
	(erf) = vrcp.f32 v7  }
0x2d6: {  	s12 =	simm.s32 $0x40;
	v7 =	vpop (erf);
	(erf) = vrcp.f32 v5  }
0x2d7: {  	s13 =	simm.s32 $0x180;
	v5 =	vld [tilespmem:s12+$0xB3C0];
	v6 =	vmul.f32 v7, v6;
	v7 =	vpop (erf)  }
.LBB2_36:
0x2d8: {  	p0 =	sne.s32 s13, $0x1800;
	v8 =	vld [tilespmem:s12+$0xB3D0];
	v4 =	vmul.f32 v7, v4  }
0x2d9: {  	[tilespmem:s11+$0x50C0] =	vst v6  }
0x2da: {  	v6 =	vld [tilespmem:s9+$0x50C0];
	[tilespmem:s11+$0x50D0] =	vst v4;
	s11 =	smov.u32 s9;
	s9 =	smov.u32 s12  }
.Ltmp20:
0x2db: {  	v4 =	vld [tilespmem:s11+$0x50D0];
	(pc) =	sbr.rel @p0 .LBB2_36-.Ltmp20, $4  }
0x2dc: {  	v5 =	vmax.f32 v5, $1.000000000e+00  }
0x2dd: {  	v8 =	vmax.f32 v8, $1.000000000e+00;
	(erf) = vrcp.f32 v5  }
0x2de: {  	s12 =	sshra.s32 s13, $0x2;
	(erf) = vrcp.f32 v8;
	v7 =	vpop (erf)  }
0x2df: {  	s13 =	sadd.s32 $0x80, s13;
	v5 =	vld [tilespmem:s12+$0xB3C0];
	v6 =	vmul.f32 v7, v6;
	v7 =	vpop (erf)  }
0x2e0: {  	_ = 	snop  }
0x2e1: {  	v8 =	vld [tilespmem:s12+$0xB3D0];
	v4 =	vmul.f32 v7, v4  }
0x2e2: {  	[tilespmem:s11+$0x50C0] =	vst v6  }
0x2e3: {  	v6 =	vld [tilespmem:s9+$0x50C0];
	[tilespmem:s11+$0x50D0] =	vst v4  }
0x2e4: {  	v4 =	vld [tilespmem:s9+$0x50D0];
	v5 =	vmax.f32 v5, $1.000000000e+00;
	_ =	sdelay $0x1  }
0x2e5: {  	v7 =	vmax.f32 v8, $1.000000000e+00;
	(erf) = vrcp.f32 v5  }
0x2e6: {  	v5 =	vpop (erf);
	(erf) = vrcp.f32 v7  }
0x2e7: {  	v5 =	vmul.f32 v5, v6;
	v6 =	vpop (erf)  }
0x2e8: {  	v4 =	vmul.f32 v6, v4  }
0x2e9: {  	[tilespmem:s9+$0x50C0] =	vst v5  }
0x2ea: {  	v5 =	vld [tilespmem:s12+$0x50C0];
	[tilespmem:s9+$0x50D0] =	vst v4  }
0x2eb: {  	v4 =	vld [tilespmem:s12+$0x50D0];
	_ =	sdelay $0x2  }
0x2ec: {  	v6 =	vpop (erf)  }
0x2ed: {  	v5 =	vmul.f32 v6, v5;
	v6 =	vpop (erf)  }
0x2ee: {  	v4 =	vmul.f32 v6, v4  }
0x2ef: {  	[tilespmem:s12+$0x50C0] =	vst v5  }
0x2f0: {  	s28 =	simm.s32 $0x50C0;
	s9 =	simm.s32 $0x0;
	[tilespmem:s12+$0x50D0] =	vst v4;
	s12 =	simm.s32 $0xB9F0  }
0x2f1: {  	[hbm4b:s22+s9] =	stream.linear.scatter [tilespmem:s28], [sflag:$0x1], $0x620, $0x38;
	[tilespmem:$0x18D80] =	vst v63  }
0x2f2: {  	s13 =	simm.s32 $0x20;
	s11 =	simm.s32 $0x56F0;
	v4 =	vld [tilespmem:s12+$0x0]  }
.LBB2_38:
0x2f3: {  	p0 =	sne.s32 s13, $0x600;
	v5 =	vld [tilespmem:s11+$0x0];
	_ =	sdelay $0x3  }
0x2f4: {  	v4 =	vmax.f32 v4, $1.000000000e+00  }
0x2f5: {  	(erf) = vrcp.f32 v4;
	_ =	sdelay $0x8  }
0x2f6: {  	v4 =	vpop (erf)  }
0x2f7: {  	v4 =	vmul.f32 v4, v5;
	_ =	sdelay $0x1  }
0x2f8: {  	s14 =	sand.u32 $0x7E0, s9;
	s9 =	smov.u32 s13;
	[tilespmem:s11+$0x0] =	vst v4  }
0x2f9: {  	v4 =	vld [tilespmem:s14+$0xBA00]  }
0x2fa: {  	v5 =	vld [tilespmem:s14+$0x5700];
	_ =	sdelay $0x3  }
0x2fb: {  	v4 =	vmax.f32 v4, $1.000000000e+00  }
0x2fc: {  	(erf) = vrcp.f32 v4;
	_ =	sdelay $0x8  }
.Ltmp21:
0x2fd: {  	v4 =	vpop (erf);
	(pc) =	sbr.rel @p0 .LBB2_38-.Ltmp21, $3  }
0x2fe: {  	v4 =	vmul.f32 v4, v5;
	_ =	sdelay $0x1  }
0x2ff: {  	s12 =	sadd.s32 $0x20, s12;
	[tilespmem:s14+$0x5700] =	vst v4  }
0x300: {  	s13 =	sadd.s32 $0x20, s13;
	s11 =	sadd.s32 $0x20, s11;
	v4 =	vld [tilespmem:s12+$0x0]  }
0x301: {  	_ =	sdelay $0x3  }
0x302: {  	v4 =	vmax.f32 v4, $1.000000000e+00  }
0x303: {  	(erf) = vrcp.f32 v4;
	_ =	sdelay $0x4  }
0x304: {  	v4 =	vld [tilespmem:s11+$0x0];
	_ =	sdelay $0x3  }
0x305: {  	v5 =	vpop (erf)  }
0x306: {  	v4 =	vmul.f32 v5, v4;
	_ =	sdelay $0x1  }
0x307: {  	s9 =	sand.u32 $0x7E0, s9;
	[tilespmem:s11+$0x0] =	vst v4  }
0x308: {  	v4 =	vld [tilespmem:s9+$0xBA00];
	_ =	sdelay $0x4  }
0x309: {  	v4 =	vmax.f32 v4, $1.000000000e+00  }
0x30a: {  	(erf) = vrcp.f32 v4;
	_ =	sdelay $0x4  }
0x30b: {  	v4 =	vld [tilespmem:s9+$0x5700];
	_ =	sdelay $0x3  }
0x30c: {  	v5 =	vpop (erf)  }
0x30d: {  	v4 =	vmul.f32 v5, v4;
	_ =	sdelay $0x1  }
0x30e: {  	s18 =	simm.s32 $0x0;
	s28 =	simm.s32 $0x56F0;
	s11 =	simm.s32 $0x0;
	[tilespmem:s9+$0x5700] =	vst v4  }
0x30f: {  	[hbm4b:s23+s18] =	stream.linear.scatter [tilespmem:s28], [sflag:$0x1], $0x620, $0x38;
	[tilespmem:$0x18D80] =	vst v63  }
0x310: {  	v4 =	vld [tilespmem:s11+$0xC020]  }
0x311: {  	v5 =	vld [tilespmem:s11+$0xC030];
	_ =	sdelay $0x3  }
0x312: {  	v4 =	vmax.f32 v4, $1.000000000e+00  }
0x313: {  	s9 =	simm.s32 $0x20;
	v5 =	vmax.f32 v5, $1.000000000e+00;
	(erf) = vrcp.f32 v4  }
0x314: {  	v4 =	vld [tilespmem:s9+$0xC020];
	(erf) = vrcp.f32 v5;
	_ =	sdelay $0x1  }
0x315: {  	v5 =	vld [tilespmem:s9+$0xC030];
	_ =	sdelay $0x1  }
0x316: {  	v6 =	vld [tilespmem:s11+$0x5D20]  }
0x317: {  	v7 =	vmax.f32 v4, $1.000000000e+00;
	v4 =	vld [tilespmem:s11+$0x5D30];
	_ =	sdelay $0x1  }
0x318: {  	v5 =	vmax.f32 v5, $1.000000000e+00;
	(erf) = vrcp.f32 v7  }
0x319: {  	s12 =	simm.s32 $0x40;
	v7 =	vpop (erf);
	(erf) = vrcp.f32 v5  }
0x31a: {  	s13 =	simm.s32 $0x180;
	v5 =	vld [tilespmem:s12+$0xC020];
	v6 =	vmul.f32 v7, v6;
	v7 =	vpop (erf)  }
.LBB2_40:
0x31b: {  	p0 =	sne.s32 s13, $0x1800;
	v8 =	vld [tilespmem:s12+$0xC030];
	v4 =	vmul.f32 v7, v4  }
0x31c: {  	[tilespmem:s11+$0x5D20] =	vst v6  }
0x31d: {  	v6 =	vld [tilespmem:s9+$0x5D20];
	[tilespmem:s11+$0x5D30] =	vst v4;
	s11 =	smov.u32 s9;
	s9 =	smov.u32 s12  }
.Ltmp22:
0x31e: {  	v4 =	vld [tilespmem:s11+$0x5D30];
	(pc) =	sbr.rel @p0 .LBB2_40-.Ltmp22, $4  }
0x31f: {  	v5 =	vmax.f32 v5, $1.000000000e+00  }
0x320: {  	v8 =	vmax.f32 v8, $1.000000000e+00;
	(erf) = vrcp.f32 v5  }
0x321: {  	s12 =	sshra.s32 s13, $0x2;
	(erf) = vrcp.f32 v8;
	v7 =	vpop (erf)  }
0x322: {  	s13 =	sadd.s32 $0x80, s13;
	v5 =	vld [tilespmem:s12+$0xC020];
	v6 =	vmul.f32 v7, v6;
	v7 =	vpop (erf)  }
0x323: {  	_ = 	snop  }
0x324: {  	v8 =	vld [tilespmem:s12+$0xC030];
	v4 =	vmul.f32 v7, v4  }
0x325: {  	[tilespmem:s11+$0x5D20] =	vst v6  }
0x326: {  	v6 =	vld [tilespmem:s9+$0x5D20];
	[tilespmem:s11+$0x5D30] =	vst v4  }
0x327: {  	v4 =	vld [tilespmem:s9+$0x5D30];
	v5 =	vmax.f32 v5, $1.000000000e+00;
	_ =	sdelay $0x1  }
0x328: {  	v7 =	vmax.f32 v8, $1.000000000e+00;
	(erf) = vrcp.f32 v5  }
0x329: {  	v5 =	vpop (erf);
	(erf) = vrcp.f32 v7  }
0x32a: {  	v5 =	vmul.f32 v5, v6;
	v6 =	vpop (erf)  }
0x32b: {  	v4 =	vmul.f32 v6, v4  }
0x32c: {  	[tilespmem:s9+$0x5D20] =	vst v5  }
0x32d: {  	v5 =	vld [tilespmem:s12+$0x5D20];
	[tilespmem:s9+$0x5D30] =	vst v4  }
0x32e: {  	v4 =	vld [tilespmem:s12+$0x5D30];
	_ =	sdelay $0x2  }
0x32f: {  	v6 =	vpop (erf)  }
0x330: {  	v5 =	vmul.f32 v6, v5;
	v6 =	vpop (erf)  }
0x331: {  	v4 =	vmul.f32 v6, v4  }
0x332: {  	[tilespmem:s12+$0x5D20] =	vst v5  }
0x333: {  	s18 =	simm.s32 $0x0;
	s28 =	simm.s32 $0x5D20;
	s11 =	simm.s32 $0x0;
	[tilespmem:s12+$0x5D30] =	vst v4  }
0x334: {  	[hbm4b:s25+s18] =	stream.linear.scatter [tilespmem:s28], [sflag:$0x1], $0x620, $0x38;
	[tilespmem:$0x18D80] =	vst v63  }
0x335: {  	v4 =	vld [tilespmem:s11+$0xC650]  }
0x336: {  	v5 =	vld [tilespmem:s11+$0xC660];
	_ =	sdelay $0x3  }
0x337: {  	v4 =	vmax.f32 v4, $1.000000000e+00  }
0x338: {  	s9 =	simm.s32 $0x20;
	v5 =	vmax.f32 v5, $1.000000000e+00;
	(erf) = vrcp.f32 v4  }
0x339: {  	v4 =	vld [tilespmem:s9+$0xC650];
	(erf) = vrcp.f32 v5;
	_ =	sdelay $0x1  }
0x33a: {  	v5 =	vld [tilespmem:s9+$0xC660];
	_ =	sdelay $0x1  }
0x33b: {  	v6 =	vld [tilespmem:s11+$0x6350]  }
0x33c: {  	v7 =	vmax.f32 v4, $1.000000000e+00;
	v4 =	vld [tilespmem:s11+$0x6360];
	_ =	sdelay $0x1  }
0x33d: {  	v5 =	vmax.f32 v5, $1.000000000e+00;
	(erf) = vrcp.f32 v7  }
0x33e: {  	s12 =	simm.s32 $0x40;
	v7 =	vpop (erf);
	(erf) = vrcp.f32 v5  }
0x33f: {  	s13 =	simm.s32 $0x180;
	v5 =	vld [tilespmem:s12+$0xC650];
	v6 =	vmul.f32 v7, v6;
	v7 =	vpop (erf)  }
.LBB2_42:
0x340: {  	p0 =	sne.s32 s13, $0x1800;
	v8 =	vld [tilespmem:s12+$0xC660];
	v4 =	vmul.f32 v7, v4  }
0x341: {  	[tilespmem:s11+$0x6350] =	vst v6  }
0x342: {  	v6 =	vld [tilespmem:s9+$0x6350];
	[tilespmem:s11+$0x6360] =	vst v4;
	s11 =	smov.u32 s9;
	s9 =	smov.u32 s12  }
.Ltmp23:
0x343: {  	v4 =	vld [tilespmem:s11+$0x6360];
	(pc) =	sbr.rel @p0 .LBB2_42-.Ltmp23, $4  }
0x344: {  	v5 =	vmax.f32 v5, $1.000000000e+00  }
0x345: {  	v8 =	vmax.f32 v8, $1.000000000e+00;
	(erf) = vrcp.f32 v5  }
0x346: {  	s12 =	sshra.s32 s13, $0x2;
	(erf) = vrcp.f32 v8;
	v7 =	vpop (erf)  }
0x347: {  	s13 =	sadd.s32 $0x80, s13;
	v5 =	vld [tilespmem:s12+$0xC650];
	v6 =	vmul.f32 v7, v6;
	v7 =	vpop (erf)  }
0x348: {  	_ = 	snop  }
0x349: {  	v8 =	vld [tilespmem:s12+$0xC660];
	v4 =	vmul.f32 v7, v4  }
0x34a: {  	[tilespmem:s11+$0x6350] =	vst v6  }
0x34b: {  	v6 =	vld [tilespmem:s9+$0x6350];
	[tilespmem:s11+$0x6360] =	vst v4  }
0x34c: {  	v4 =	vld [tilespmem:s9+$0x6360];
	v5 =	vmax.f32 v5, $1.000000000e+00;
	_ =	sdelay $0x1  }
0x34d: {  	v60 =	vmax.f32 v8, $1.000000000e+00;
	(erf) = vrcp.f32 v5  }
0x34e: {  	v5 =	vpop (erf);
	(erf) = vrcp.f32 v60  }
0x34f: {  	v5 =	vmul.f32 v5, v6;
	v61 =	vpop (erf)  }
0x350: {  	v4 =	vmul.f32 v61, v4  }
0x351: {  	[tilespmem:s9+$0x6350] =	vst v5  }
0x352: {  	v5 =	vld [tilespmem:s12+$0x6350];
	[tilespmem:s9+$0x6360] =	vst v4  }
0x353: {  	v4 =	vld [tilespmem:s12+$0x6360];
	_ =	sdelay $0x2  }
0x354: {  	v62 =	vpop (erf)  }
0x355: {  	v5 =	vmul.f32 v62, v5;
	v63 =	vpop (erf)  }
0x356: {  	v4 =	vmul.f32 v63, v4  }
0x357: {  	[tilespmem:s12+$0x6350] =	vst v5  }
0x358: {  	s28 =	simm.s32 $0x6350;
	[tilespmem:s12+$0x6360] =	vst v4  }
0x359: {  	[hbm4b:s26+s6] =	stream.linear.scatter [tilespmem:s28], [sflag:$0x1], $0x620, $0x38;
	[tilespmem:$0x18D80] =	vst v63  }
0x35a: {  	_ =	swait.ge [sflag:s3], $0x620  }
0x35b: {  	[sflag:s3] =	ssyncset.done $0x0  }
0x35c: {  	[sflag:s3] =	ssyncadd.s32 $0xFFFFF9E0  }
0x35d: {  	_ =	swait.ge [sflag:s3], $0x620  }
0x35e: {  	[sflag:s3] =	ssyncset.done $0x0  }
0x35f: {  	[sflag:s3] =	ssyncadd.s32 $0xFFFFF9E0  }
0x360: {  	_ =	swait.ge [sflag:s3], $0x620  }
0x361: {  	[sflag:s3] =	ssyncset.done $0x0  }
0x362: {  	[sflag:s3] =	ssyncadd.s32 $0xFFFFF9E0  }
0x363: {  	_ =	swait.ge [sflag:s3], $0x620  }
0x364: {  	[sflag:s3] =	ssyncset.done $0x0  }
0x365: {  	[sflag:s3] =	ssyncadd.s32 $0xFFFFF9E0  }
0x366: {  	_ =	swait.ge [sflag:s3], $0x620  }
0x367: {  	[sflag:s3] =	ssyncset.done $0x0  }
0x368: {  	[sflag:s3] =	ssyncadd.s32 $0xFFFFF9E0  }
0x369: {  	_ =	swait.ge [sflag:s3], $0x620  }
0x36a: {  	[sflag:s3] =	ssyncset.done $0x0  }
0x36b: {  	[sflag:s3] =	ssyncadd.s32 $0xFFFFF9E0  }
0x36c: {  	_ =	swait.ge [sflag:s3], $0x620  }
0x36d: {  	[sflag:s3] =	ssyncset.done $0x0  }
0x36e: {  	[sflag:s3] =	ssyncadd.s32 $0xFFFFF9E0  }
0x36f: {  	_ =	swait.ge [sflag:s3], $0x620  }
0x370: {  	[sflag:s3] =	ssyncset.done $0x0  }
0x371: {  	[sflag:s3] =	ssyncadd.s32 $0xFFFFF9E0  }
0x372: {  	_ =	swait.ge [sflag:s3], $0x620  }
0x373: {  	[sflag:s3] =	ssyncset.done $0x0  }
0x374: {  	[sflag:s3] =	ssyncadd.s32 $0xFFFFF9E0  }
0x375: {  	_ =	swait.ge [sflag:s3], $0x620  }
0x376: {  	[sflag:s3] =	ssyncset.done $0x0  }
0x377: {  	[sflag:s3] =	ssyncadd.s32 $0xFFFFF9E0  }
0x378: {  	_ =	swait.ge [sflag:s3], $0x620  }
0x379: {  	[sflag:s3] =	ssyncset.done $0x0  }
0x37a: {  	[sflag:s3] =	ssyncadd.s32 $0xFFFFF9E0  }
0x37b: {  	_ =	swait.ge [sflag:s3], $0x620  }
0x37c: {  	[sflag:s3] =	ssyncset.done $0x0  }
0x37d: {  	[sflag:s3] =	ssyncadd.s32 $0xFFFFF9E0  }
0x37e: {  	_ =	swait.ge [sflag:s3], $0x620  }
0x37f: {  	[sflag:s3] =	ssyncset.done $0x0  }
0x380: {  	[sflag:s3] =	ssyncadd.s32 $0xFFFFF9E0  }
0x381: {  	_ =	swait.ge [sflag:s3], $0x620  }
0x382: {  	[sflag:s3] =	ssyncset.done $0x0  }
0x383: {  	s5 =	sadd.s32 $0x1, s5;
	[sflag:s3] =	ssyncadd.s32 $0xFFFFF9E0  }
0x384: {  	p0 =	sne.s32 s5, s24;
	_ =	swait.ge [sflag:s3], $0x620  }
.Ltmp24:
0x385: {  	[sflag:s3] =	ssyncset.done $0x0;
	(pc) =	sbr.rel @p0 .LBB2_1-.Ltmp24, $4  }
0x386: {  	[sflag:s3] =	ssyncadd.s32 $0xFFFFF9E0  }
0x387: {  	_ =	swait.ge [sflag:s3], $0x620  }
0x388: {  	[sflag:s3] =	ssyncset.done $0x0  }
0x389: {  	[sflag:s3] =	ssyncadd.s32 $0xFFFFF9E0  }
0x38a: {  	_ =	sfence.sel $0x180000  }
0x38b: {  	[bflag:$0x0] =	sbarrier.arrive $0xFFFF  }
0x38c: {  	_ =	strace $0x90000047  }
0x38d: {  	s0 =	stileid.u32;
	[bflag:$0x2] =	sbarrier.arrive $0xFFFF  }
0x38e: {  	p0 =	sne.s32 s0, $0x0;
	s0 =	rddreg [dreg:$0x7]  }
0x38f: {  	s0 =	sadd.s32 @!p0 $0x100000, s0  }
0x390: {  	[sflag:s0] =	ssyncadd.tile.s32 @!p0 $0x1;
	_ =	shalt  }
.Lfunc_end2:
_tile_overlayer_lowered:
.L_overlay_start_2:
0x391: {  	(tag) =	ssettag $0x2  }
0x392: {  	s0 =	rddreg [dreg:$0x0];
	s2 =	stileid.u32  }
0x393: {  	s1 =	rddreg [dreg:$0x1];
	p0 =	sne.s32 s2, $0x0  }
0x394: {  	s3 =	rddreg [dreg:$0x2];
	[bflag:$0x3] =	sbarrier.arrive $0xFFFF;
	s2 =	simm.s32 @!p0 $0x1C03  }
0x395: {  	[timem:s3], [sflag:s2] =	dma.local @!p0 [hbm:s0], s1  }
0x396: {  	s0 =	simm.s32 @!p0 $0x3  }
0x397: {  	_ =	swait.ge @!p0 [sflag:s0], s1  }
0x398: {  	s1 =	ssub.s32 @!p0 $0x0, s1;
	[sflag:s0] =	ssyncset.done @!p0 $0x0  }
0x399: {  	[sflag:s0] =	ssyncadd.s32 @!p0 s1  }
0x39a: {  	[bflag:$0x3] =	sbarrier.arrive $0xFFFF  }
0x39b: {  	_ =	shalt  }

</sc_bundles>
